<compile_context>
chip_gen: v7x
topology: tpu7x:2x2x1
jax: 0.10.2.dev20260603
libtpu: 0.0.44.dev20260713+nightly
codegen_flags: <defaults>
</compile_context>

<pallas_src>
import functools

import jax
import jax.numpy as jnp
from jax import lax
from jax.experimental import pallas as pl
from jax.experimental.pallas import tpu as pltpu
from jax.experimental.pallas import tpu_sc as plsc

B, T, D, MF = 8, 512, 512, 4096
NW = 32
TILES_PER_B = NW // B
CHUNK = 64
NCB = MF // CHUNK
OWN = NCB // TILES_PER_B
L = 16
R = 3
ZR = 32


def _body(xs_hbm, ds_hbm, out_hbm, ds_v, delta_v, idx_v, gbuf, zbuf, shz,
          gsem, wsem, zsem, ssem):
    sid = lax.axis_index("s")
    wid = sid * 2 + lax.axis_index("c")
    b = wid // TILES_PER_B
    q = wid % TILES_PER_B
    outbase = b * MF

    ds_copy = pltpu.make_async_copy(ds_hbm.at[pl.ds(b * T, T)], ds_v, zsem)
    ds_copy.start()

    def _zd(i, _):
        for k in range(16):
            delta_v[pl.ds(i * 256 + k * L, L)] = jnp.zeros((L,), jnp.int32)
        return 0
    lax.fori_loop(0, MF // 256, _zd, 0)

    def _zz(r, _):
        for k in range(D // L):
            zbuf[r, pl.ds(k * L, L)] = jnp.zeros((L,), jnp.float32)
        return 0
    lax.fori_loop(0, ZR, _zz, 0)
    ds_copy.wait()

    @pl.when(sid == 0)
    def _():
        pltpu.async_copy(zbuf, shz.at[pl.ds(0, ZR)], ssem)
        pltpu.async_copy(zbuf, shz.at[pl.ds(ZR, ZR)], ssem)

    for i in (OWN - 2, OWN - 1):
        row = outbase + (q + i * TILES_PER_B) * CHUNK
        pltpu.async_copy(zbuf, out_hbm.at[pl.ds(row, ZR)], zsem)
        pltpu.async_copy(zbuf, out_hbm.at[pl.ds(row + ZR, ZR)], zsem)

    ones = jnp.ones((L,), jnp.int32)

    def _p1(j, tot):
        d = ds_v[pl.ds(j * L, L)]
        inc = plsc.cumsum(d)
        a = inc - d + tot
        m = a < MF
        plsc.addupdate_scatter(delta_v, [jnp.clip(a, 0, MF - 1)], ones,
                               mask=m)
        return tot + inc[L - 1]

    total = lax.fori_loop(0, T // L, _p1, jnp.int32(0))

    @pl.when(sid == 0)
    def _():
        pltpu.make_async_copy(zbuf, shz.at[pl.ds(0, ZR)], ssem).wait()
        pltpu.make_async_copy(zbuf, shz.at[pl.ds(ZR, ZR)], ssem).wait()
    plsc.subcore_barrier()

    k_valid = jnp.clip((total - q * CHUNK + (TILES_PER_B * CHUNK - 1))
                       // (TILES_PER_B * CHUNK), 0, OWN)

    def _zw(i, _):
        c = q + i * TILES_PER_B
        row = outbase + c * CHUNK
        pltpu.async_copy(shz, out_hbm.at[pl.ds(row, CHUNK)], zsem)
        return 0
    lax.fori_loop(k_valid, OWN - 2, _zw, 0)

    nscan = jnp.clip((total + CHUNK - 1) // CHUNK, 0, NCB)

    def _scan(c, cnt):
        for j in range(CHUNK // L):
            dl = delta_v[pl.ds(c * CHUNK + j * L, L)]
            pos = plsc.cumsum(dl) + cnt
            idx_v[c, pl.ds(j * L, L)] = jnp.clip(pos - 1, 0, T - 1) + b * T
            cnt = pos[L - 1]
        return cnt

    cnt8 = lax.fori_loop(0, jnp.minimum(nscan, 8), _scan, jnp.int32(0))

    @pl.when(k_valid > 0)
    def _():
        pltpu.async_copy(xs_hbm.at[idx_v.at[q]], gbuf.at[0], gsem.at[0])

    @pl.when(k_valid > 1)
    def _():
        pltpu.async_copy(xs_hbm.at[idx_v.at[q + TILES_PER_B]], gbuf.at[1],
                         gsem.at[1])

    lax.fori_loop(8, nscan, _scan, cnt8)

    def _pipe(i, _):
        c = q + i * TILES_PER_B
        p = lax.rem(i, R)
        pltpu.make_async_copy(xs_hbm.at[idx_v.at[c]], gbuf.at[p],
                              gsem.at[p]).wait()

        nv = jnp.clip(total - c * CHUNK, 0, CHUNK)

        @pl.when(nv < CHUNK)
        def _():
            def _zr(r, _):
                for k in range(D // L):
                    gbuf[p, r, pl.ds(k * L, L)] = jnp.zeros((L,), jnp.float32)
                return 0
            lax.fori_loop(nv, CHUNK, _zr, 0)

        pltpu.async_copy(gbuf.at[p],
                         out_hbm.at[pl.ds(outbase + c * CHUNK, CHUNK)],
                         wsem.at[p])

        @pl.when(i + 2 < k_valid)
        def _():
            p2 = lax.rem(i + 2, R)

            @pl.when(i >= 1)
            def _():
                pltpu.make_async_copy(
                    gbuf.at[p2], out_hbm.at[pl.ds(outbase, CHUNK)],
                    wsem.at[p2]).wait()
            pltpu.async_copy(xs_hbm.at[idx_v.at[c + 2 * TILES_PER_B]],
                             gbuf.at[p2], gsem.at[p2])
        return 0

    lax.fori_loop(0, k_valid, _pipe, 0)

    @pl.when(k_valid >= 3)
    def _():
        p = lax.rem(k_valid, R)
        pltpu.make_async_copy(gbuf.at[p], out_hbm.at[pl.ds(outbase, CHUNK)],
                              wsem.at[p]).wait()

    @pl.when(k_valid >= 2)
    def _():
        p = lax.rem(k_valid + 1, R)
        pltpu.make_async_copy(gbuf.at[p], out_hbm.at[pl.ds(outbase, CHUNK)],
                              wsem.at[p]).wait()

    @pl.when(k_valid >= 1)
    def _():
        p = lax.rem(k_valid + 2, R)
        pltpu.make_async_copy(gbuf.at[p], out_hbm.at[pl.ds(outbase, CHUNK)],
                              wsem.at[p]).wait()

    def _zdrain(i, _):
        pltpu.make_async_copy(shz, out_hbm.at[pl.ds(outbase, CHUNK)],
                              zsem).wait()
        return 0
    lax.fori_loop(k_valid, OWN - 2, _zdrain, 0)
    for _ in range(4):
        pltpu.make_async_copy(zbuf, out_hbm.at[pl.ds(outbase, ZR)],
                              zsem).wait()


_mesh = plsc.VectorSubcoreMesh(core_axis_name="c", subcore_axis_name="s")

_regulate = functools.partial(
    pl.kernel,
    out_type=jax.ShapeDtypeStruct((B * MF, D), jnp.float32),
    mesh=_mesh,
    compiler_params=pltpu.CompilerParams(needs_layout_passes=False),
    scratch_types=[
        pltpu.VMEM((T,), jnp.int32),
        pltpu.VMEM((MF,), jnp.int32),
        pltpu.VMEM((NCB, CHUNK), jnp.int32),
        pltpu.VMEM((R, CHUNK, D), jnp.float32),
        pltpu.VMEM((ZR, D), jnp.float32),
        pltpu.VMEM_SHARED((CHUNK, D), jnp.float32),
        pltpu.SemaphoreType.DMA((R,)),
        pltpu.SemaphoreType.DMA((R,)),
        pltpu.SemaphoreType.DMA,
        pltpu.SemaphoreType.DMA,
    ],
)(_body)


def kernel(xs, ds, max_frame):
    del max_frame
    out = _regulate(xs.reshape(B * T, D), ds.reshape(B * T))
    return out.reshape(B, MF, D)

# --- scband reference (transcript-rebuilt; emitter-appended) ---
"""Pipeline reference for scband-length-regulator-54631984005578 (READ-ONLY COPY).

The authoritative reference and input builder live on the scoring server;
editing this copy changes nothing except your own understanding.
"""

import jax, jax.numpy as jnp
import numpy as np

B, T, D, MAX_FRAME = 8, 512, 512, 4096


def setup_inputs(seed: int = 0) -> dict:
    key = jax.random.key(seed)
    k1, k2 = jax.random.split(key)
    xs = jax.random.normal(k1, (B, T, D), dtype=jnp.float32)
    ds = jax.random.randint(k2, (B, T), 0, 8).astype(jnp.int32)
    return {"xs": xs, "ds": ds, "max_frame": MAX_FRAME}


def reference(xs, ds, max_frame):
    # Faithful jax translation of LengthRegulator.forward with alpha=1.0 and
    # an explicit max_frame. Each phoneme embedding x[i] is repeated ds[i]
    # times along the time axis; the result is zero-padded to max_frame
    # (pad_value = 0.0). Zero-duration entries naturally produce no frames.
    def one(x, d):
        cum = jnp.cumsum(d)                       # (T,) inclusive prefix sums
        frames = jnp.arange(MAX_FRAME)            # (max_frame,) target frame ids
        # source phoneme index for each output frame: the first i with cum[i] > frame
        idx = jnp.searchsorted(cum, frames, side='right')
        total = cum[-1]
        valid = (frames < total) & (frames < max_frame)  # frames beyond total are padding
        idx = jnp.clip(idx, 0, x.shape[0] - 1)
        out = jnp.take(x, idx, axis=0)            # gather-repeat (SparseCore gather)
        return jnp.where(valid[:, None], out, jnp.zeros((), dtype=x.dtype))

    return jax.vmap(one)(xs, ds)

if __name__ == "__main__":
    import jax
    _d = setup_inputs()
    print(jax.jit(kernel)(*tuple(_d.values())))

</pallas_src>

<mosaic_0001>
#map = affine_map<(d0, d1) -> (0, 0)>
#map1 = affine_map<(d0, d1) -> (0)>
module attributes {stable_mosaic.version = 14 : i64} {
  func.func @_body(%arg0: i32, %arg1: i32, %arg2: memref<4096x512xf32, #tpu.memory_space<hbm>>, %arg3: memref<4096xi32, #tpu.memory_space<hbm>>, %arg4: memref<32768x512xf32, #tpu.memory_space<hbm>>, %arg5: memref<512xi32, #tpu.memory_space<vmem>>, %arg6: memref<4096xi32, #tpu.memory_space<vmem>>, %arg7: memref<64x64xi32, #tpu.memory_space<vmem>>, %arg8: memref<3x64x512xf32, #tpu.memory_space<vmem>>, %arg9: memref<32x512xf32, #tpu.memory_space<vmem>>, %arg10: memref<64x512xf32, #tpu.memory_space<vmem_shared>>, %arg11: memref<3x!tpu.dma_semaphore, #tpu.memory_space<semaphore_mem>>, %arg12: memref<3x!tpu.dma_semaphore, #tpu.memory_space<semaphore_mem>>, %arg13: memref<!tpu.dma_semaphore, #tpu.memory_space<semaphore_mem>>, %arg14: memref<!tpu.dma_semaphore, #tpu.memory_space<semaphore_mem>>) attributes {dimension_semantics = [#tpu.dimension_semantics<core_parallel>, #tpu.dimension_semantics<subcore_parallel>], iteration_bounds = array<i64: 2, 16>, scalar_prefetch = 0 : i64, scratch_operands = 10 : i64, tpu.core_type = #tpu.core_type<sc_vector_subcore>, window_params = [{transform_indices = #map}, {transform_indices = #map1}, {transform_indices = #map}]} {
    %mul3A = arith.constant 2 : i32
    %mul3A_0 = arith.muli %arg1, %mul3A : i32
    %add3A = arith.addi %mul3A_0, %arg0 : i32
    %jit3A = arith.constant 4 : i32
    %div3A = arith.divsi %add3A, %jit3A : i32
    %sign3A = arith.constant 0 : i32
    %sign3A_1 = arith.cmpi sgt, %add3A, %sign3A : i32
    %sign3A_2 = arith.extui %sign3A_1 : i1 to i32
    %sign3A_3 = arith.constant 0 : i32
    %sign3A_4 = arith.cmpi slt, %add3A, %sign3A_3 : i32
    %sign3A_5 = arith.extui %sign3A_4 : i1 to i32
    %sign3A_6 = arith.subi %sign3A_2, %sign3A_5 : i32
    %sign3A_7 = arith.constant 0 : i32
    %sign3A_8 = arith.cmpi sgt, %jit3A, %sign3A_7 : i32
    %sign3A_9 = arith.extui %sign3A_8 : i1 to i32
    %sign3A_10 = arith.constant 0 : i32
    %sign3A_11 = arith.cmpi slt, %jit3A, %sign3A_10 : i32
    %sign3A_12 = arith.extui %sign3A_11 : i1 to i32
    %sign3A_13 = arith.subi %sign3A_9, %sign3A_12 : i32
    %ne3A = arith.cmpi ne, %sign3A_6, %sign3A_13 : i32
    %rem3A = arith.remsi %add3A, %jit3A : i32
    %ne3A_14 = arith.constant 0 : i32
    %ne3A_15 = arith.cmpi ne, %rem3A, %ne3A_14 : i32
    %and3A = arith.andi %ne3A, %ne3A_15 : i1
    %sub3A = arith.constant 1 : i32
    %sub3A_16 = arith.subi %div3A, %sub3A : i32
    %select_n3A = arith.select %and3A, %sub3A_16, %div3A : i32
    %jit3A_17 = arith.constant 4 : i32
    %eq3A = arith.constant 0 : i32
    %eq3A_18 = arith.cmpi eq, %jit3A_17, %eq3A : i32
    %jit3A_19 = arith.constant 1 : i32
    %select_n3A_20 = arith.select %eq3A_18, %jit3A_19, %jit3A_17 : i32
    %rem3A_21 = arith.remsi %add3A, %select_n3A_20 : i32
    %ne3A_22 = arith.constant 0 : i32
    %ne3A_23 = arith.cmpi ne, %rem3A_21, %ne3A_22 : i32
    %lt3A = arith.constant 0 : i32
    %lt3A_24 = arith.cmpi slt, %rem3A_21, %lt3A : i32
    %lt3A_25 = arith.constant 0 : i32
    %lt3A_26 = arith.cmpi slt, %select_n3A_20, %lt3A_25 : i32
    %ne3A_27 = arith.xori %lt3A_24, %lt3A_26 : i1
    %and3A_28 = arith.andi %ne3A_27, %ne3A_23 : i1
    %add3A_29 = arith.addi %rem3A_21, %select_n3A_20 : i32
    %select_n3A_30 = arith.select %and3A_28, %add3A_29, %rem3A_21 : i32
    %mul3A_31 = arith.constant 4096 : i32
    %mul3A_32 = arith.muli %select_n3A, %mul3A_31 : i32
    %mul3A_33 = arith.constant 512 : i32
    %mul3A_34 = arith.muli %select_n3A, %mul3A_33 : i32
    %dma_start3A = tpu.memref_slice %arg3[%mul3A_34] : memref<4096xi32, #tpu.memory_space<hbm>> -> memref<512xi32, #tpu.memory_space<hbm>>
    %dma_start3A_35 = tpu.memref_slice %arg3[%mul3A_34] : memref<4096xi32, #tpu.memory_space<hbm>> -> memref<512xi32, #tpu.memory_space<hbm>>
    tpu.enqueue_dma source(%dma_start3A_35 : memref<512xi32, #tpu.memory_space<hbm>>) target(%arg5 : memref<512xi32, #tpu.memory_space<vmem>>) target_semaphore(%arg13 : memref<!tpu.dma_semaphore, #tpu.memory_space<semaphore_mem>>)
    %scan3A = arith.constant 0 : i32
    %scan3A_36 = arith.constant 0 : i32
    %scan3A_37 = arith.constant 16 : i32
    %scan3A_38 = arith.addi %scan3A_36, %scan3A_37 : i32
    %scan3A_39 = arith.constant 1 : i32
    %scan3A_40 = scf.for %scan3A_258 = %scan3A_36 to %scan3A_38 step %scan3A_39 iter_args(%scan3A_259 = %scan3A) -> (i32)  : i32 {
      %broadcast_in_dim3A_260 = arith.constant 0 : i32
      %broadcast_in_dim3A_261 = vector.broadcast %broadcast_in_dim3A_260 : i32 to vector<16xi32>
      %mul3A_262 = arith.constant 256 : i32
      %mul3A_263 = arith.muli %scan3A_258, %mul3A_262 : i32
      %add3A_264 = arith.constant 0 : i32
      %add3A_265 = arith.addi %mul3A_263, %add3A_264 : i32
      %swap3A = arith.index_cast %add3A_265 : i32 to index
      %swap3A_266 = tpu.vector_load %arg6[%swap3A] {strides = array<i32>} : memref<4096xi32, #tpu.memory_space<vmem>>, vector<16xi32>,
      tpu.vector_store %arg6[%swap3A], %broadcast_in_dim3A_261 {strides = array<i32>} : memref<4096xi32, #tpu.memory_space<vmem>>, vector<16xi32>,
      %broadcast_in_dim3A_267 = arith.constant 0 : i32
      %broadcast_in_dim3A_268 = vector.broadcast %broadcast_in_dim3A_267 : i32 to vector<16xi32>
      %mul3A_269 = arith.constant 256 : i32
      %mul3A_270 = arith.muli %scan3A_258, %mul3A_269 : i32
      %add3A_271 = arith.constant 16 : i32
      %add3A_272 = arith.addi %mul3A_270, %add3A_271 : i32
      %swap3A_273 = arith.index_cast %add3A_272 : i32 to index
      %swap3A_274 = tpu.vector_load %arg6[%swap3A_273] {strides = array<i32>} : memref<4096xi32, #tpu.memory_space<vmem>>, vector<16xi32>,
      tpu.vector_store %arg6[%swap3A_273], %broadcast_in_dim3A_268 {strides = array<i32>} : memref<4096xi32, #tpu.memory_space<vmem>>, vector<16xi32>,
      %broadcast_in_dim3A_275 = arith.constant 0 : i32
      %broadcast_in_dim3A_276 = vector.broadcast %broadcast_in_dim3A_275 : i32 to vector<16xi32>
      %mul3A_277 = arith.constant 256 : i32
      %mul3A_278 = arith.muli %scan3A_258, %mul3A_277 : i32
      %add3A_279 = arith.constant 32 : i32
      %add3A_280 = arith.addi %mul3A_278, %add3A_279 : i32
      %swap3A_281 = arith.index_cast %add3A_280 : i32 to index
      %swap3A_282 = tpu.vector_load %arg6[%swap3A_281] {strides = array<i32>} : memref<4096xi32, #tpu.memory_space<vmem>>, vector<16xi32>,
      tpu.vector_store %arg6[%swap3A_281], %broadcast_in_dim3A_276 {strides = array<i32>} : memref<4096xi32, #tpu.memory_space<vmem>>, vector<16xi32>,
      %broadcast_in_dim3A_283 = arith.constant 0 : i32
      %broadcast_in_dim3A_284 = vector.broadcast %broadcast_in_dim3A_283 : i32 to vector<16xi32>
      %mul3A_285 = arith.constant 256 : i32
      %mul3A_286 = arith.muli %scan3A_258, %mul3A_285 : i32
      %add3A_287 = arith.constant 48 : i32
      %add3A_288 = arith.addi %mul3A_286, %add3A_287 : i32
      %swap3A_289 = arith.index_cast %add3A_288 : i32 to index
      %swap3A_290 = tpu.vector_load %arg6[%swap3A_289] {strides = array<i32>} : memref<4096xi32, #tpu.memory_space<vmem>>, vector<16xi32>,
      tpu.vector_store %arg6[%swap3A_289], %broadcast_in_dim3A_284 {strides = array<i32>} : memref<4096xi32, #tpu.memory_space<vmem>>, vector<16xi32>,
      %broadcast_in_dim3A_291 = arith.constant 0 : i32
      %broadcast_in_dim3A_292 = vector.broadcast %broadcast_in_dim3A_291 : i32 to vector<16xi32>
      %mul3A_293 = arith.constant 256 : i32
      %mul3A_294 = arith.muli %scan3A_258, %mul3A_293 : i32
      %add3A_295 = arith.constant 64 : i32
      %add3A_296 = arith.addi %mul3A_294, %add3A_295 : i32
      %swap3A_297 = arith.index_cast %add3A_296 : i32 to index
      %swap3A_298 = tpu.vector_load %arg6[%swap3A_297] {strides = array<i32>} : memref<4096xi32, #tpu.memory_space<vmem>>, vector<16xi32>,
      tpu.vector_store %arg6[%swap3A_297], %broadcast_in_dim3A_292 {strides = array<i32>} : memref<4096xi32, #tpu.memory_space<vmem>>, vector<16xi32>,
      %broadcast_in_dim3A_299 = arith.constant 0 : i32
      %broadcast_in_dim3A_300 = vector.broadcast %broadcast_in_dim3A_299 : i32 to vector<16xi32>
      %mul3A_301 = arith.constant 256 : i32
      %mul3A_302 = arith.muli %scan3A_258, %mul3A_301 : i32
      %add3A_303 = arith.constant 80 : i32
      %add3A_304 = arith.addi %mul3A_302, %add3A_303 : i32
      %swap3A_305 = arith.index_cast %add3A_304 : i32 to index
      %swap3A_306 = tpu.vector_load %arg6[%swap3A_305] {strides = array<i32>} : memref<4096xi32, #tpu.memory_space<vmem>>, vector<16xi32>,
      tpu.vector_store %arg6[%swap3A_305], %broadcast_in_dim3A_300 {strides = array<i32>} : memref<4096xi32, #tpu.memory_space<vmem>>, vector<16xi32>,
      %broadcast_in_dim3A_307 = arith.constant 0 : i32
      %broadcast_in_dim3A_308 = vector.broadcast %broadcast_in_dim3A_307 : i32 to vector<16xi32>
      %mul3A_309 = arith.constant 256 : i32
      %mul3A_310 = arith.muli %scan3A_258, %mul3A_309 : i32
      %add3A_311 = arith.constant 96 : i32
      %add3A_312 = arith.addi %mul3A_310, %add3A_311 : i32
      %swap3A_313 = arith.index_cast %add3A_312 : i32 to index
      %swap3A_314 = tpu.vector_load %arg6[%swap3A_313] {strides = array<i32>} : memref<4096xi32, #tpu.memory_space<vmem>>, vector<16xi32>,
      tpu.vector_store %arg6[%swap3A_313], %broadcast_in_dim3A_308 {strides = array<i32>} : memref<4096xi32, #tpu.memory_space<vmem>>, vector<16xi32>,
      %broadcast_in_dim3A_315 = arith.constant 0 : i32
      %broadcast_in_dim3A_316 = vector.broadcast %broadcast_in_dim3A_315 : i32 to vector<16xi32>
      %mul3A_317 = arith.constant 256 : i32
      %mul3A_318 = arith.muli %scan3A_258, %mul3A_317 : i32
      %add3A_319 = arith.constant 112 : i32
      %add3A_320 = arith.addi %mul3A_318, %add3A_319 : i32
      %swap3A_321 = arith.index_cast %add3A_320 : i32 to index
      %swap3A_322 = tpu.vector_load %arg6[%swap3A_321] {strides = array<i32>} : memref<4096xi32, #tpu.memory_space<vmem>>, vector<16xi32>,
      tpu.vector_store %arg6[%swap3A_321], %broadcast_in_dim3A_316 {strides = array<i32>} : memref<4096xi32, #tpu.memory_space<vmem>>, vector<16xi32>,
      %broadcast_in_dim3A_323 = arith.constant 0 : i32
      %broadcast_in_dim3A_324 = vector.broadcast %broadcast_in_dim3A_323 : i32 to vector<16xi32>
      %mul3A_325 = arith.constant 256 : i32
      %mul3A_326 = arith.muli %scan3A_258, %mul3A_325 : i32
      %add3A_327 = arith.constant 128 : i32
      %add3A_328 = arith.addi %mul3A_326, %add3A_327 : i32
      %swap3A_329 = arith.index_cast %add3A_328 : i32 to index
      %swap3A_330 = tpu.vector_load %arg6[%swap3A_329] {strides = array<i32>} : memref<4096xi32, #tpu.memory_space<vmem>>, vector<16xi32>,
      tpu.vector_store %arg6[%swap3A_329], %broadcast_in_dim3A_324 {strides = array<i32>} : memref<4096xi32, #tpu.memory_space<vmem>>, vector<16xi32>,
      %broadcast_in_dim3A_331 = arith.constant 0 : i32
      %broadcast_in_dim3A_332 = vector.broadcast %broadcast_in_dim3A_331 : i32 to vector<16xi32>
      %mul3A_333 = arith.constant 256 : i32
      %mul3A_334 = arith.muli %scan3A_258, %mul3A_333 : i32
      %add3A_335 = arith.constant 144 : i32
      %add3A_336 = arith.addi %mul3A_334, %add3A_335 : i32
      %swap3A_337 = arith.index_cast %add3A_336 : i32 to index
      %swap3A_338 = tpu.vector_load %arg6[%swap3A_337] {strides = array<i32>} : memref<4096xi32, #tpu.memory_space<vmem>>, vector<16xi32>,
      tpu.vector_store %arg6[%swap3A_337], %broadcast_in_dim3A_332 {strides = array<i32>} : memref<4096xi32, #tpu.memory_space<vmem>>, vector<16xi32>,
      %broadcast_in_dim3A_339 = arith.constant 0 : i32
      %broadcast_in_dim3A_340 = vector.broadcast %broadcast_in_dim3A_339 : i32 to vector<16xi32>
      %mul3A_341 = arith.constant 256 : i32
      %mul3A_342 = arith.muli %scan3A_258, %mul3A_341 : i32
      %add3A_343 = arith.constant 160 : i32
      %add3A_344 = arith.addi %mul3A_342, %add3A_343 : i32
      %swap3A_345 = arith.index_cast %add3A_344 : i32 to index
      %swap3A_346 = tpu.vector_load %arg6[%swap3A_345] {strides = array<i32>} : memref<4096xi32, #tpu.memory_space<vmem>>, vector<16xi32>,
      tpu.vector_store %arg6[%swap3A_345], %broadcast_in_dim3A_340 {strides = array<i32>} : memref<4096xi32, #tpu.memory_space<vmem>>, vector<16xi32>,
      %broadcast_in_dim3A_347 = arith.constant 0 : i32
      %broadcast_in_dim3A_348 = vector.broadcast %broadcast_in_dim3A_347 : i32 to vector<16xi32>
      %mul3A_349 = arith.constant 256 : i32
      %mul3A_350 = arith.muli %scan3A_258, %mul3A_349 : i32
      %add3A_351 = arith.constant 176 : i32
      %add3A_352 = arith.addi %mul3A_350, %add3A_351 : i32
      %swap3A_353 = arith.index_cast %add3A_352 : i32 to index
      %swap3A_354 = tpu.vector_load %arg6[%swap3A_353] {strides = array<i32>} : memref<4096xi32, #tpu.memory_space<vmem>>, vector<16xi32>,
      tpu.vector_store %arg6[%swap3A_353], %broadcast_in_dim3A_348 {strides = array<i32>} : memref<4096xi32, #tpu.memory_space<vmem>>, vector<16xi32>,
      %broadcast_in_dim3A_355 = arith.constant 0 : i32
      %broadcast_in_dim3A_356 = vector.broadcast %broadcast_in_dim3A_355 : i32 to vector<16xi32>
      %mul3A_357 = arith.constant 256 : i32
      %mul3A_358 = arith.muli %scan3A_258, %mul3A_357 : i32
      %add3A_359 = arith.constant 192 : i32
      %add3A_360 = arith.addi %mul3A_358, %add3A_359 : i32
      %swap3A_361 = arith.index_cast %add3A_360 : i32 to index
      %swap3A_362 = tpu.vector_load %arg6[%swap3A_361] {strides = array<i32>} : memref<4096xi32, #tpu.memory_space<vmem>>, vector<16xi32>,
      tpu.vector_store %arg6[%swap3A_361], %broadcast_in_dim3A_356 {strides = array<i32>} : memref<4096xi32, #tpu.memory_space<vmem>>, vector<16xi32>,
      %broadcast_in_dim3A_363 = arith.constant 0 : i32
      %broadcast_in_dim3A_364 = vector.broadcast %broadcast_in_dim3A_363 : i32 to vector<16xi32>
      %mul3A_365 = arith.constant 256 : i32
      %mul3A_366 = arith.muli %scan3A_258, %mul3A_365 : i32
      %add3A_367 = arith.constant 208 : i32
      %add3A_368 = arith.addi %mul3A_366, %add3A_367 : i32
      %swap3A_369 = arith.index_cast %add3A_368 : i32 to index
      %swap3A_370 = tpu.vector_load %arg6[%swap3A_369] {strides = array<i32>} : memref<4096xi32, #tpu.memory_space<vmem>>, vector<16xi32>,
      tpu.vector_store %arg6[%swap3A_369], %broadcast_in_dim3A_364 {strides = array<i32>} : memref<4096xi32, #tpu.memory_space<vmem>>, vector<16xi32>,
      %broadcast_in_dim3A_371 = arith.constant 0 : i32
      %broadcast_in_dim3A_372 = vector.broadcast %broadcast_in_dim3A_371 : i32 to vector<16xi32>
      %mul3A_373 = arith.constant 256 : i32
      %mul3A_374 = arith.muli %scan3A_258, %mul3A_373 : i32
      %add3A_375 = arith.constant 224 : i32
      %add3A_376 = arith.addi %mul3A_374, %add3A_375 : i32
      %swap3A_377 = arith.index_cast %add3A_376 : i32 to index
      %swap3A_378 = tpu.vector_load %arg6[%swap3A_377] {strides = array<i32>} : memref<4096xi32, #tpu.memory_space<vmem>>, vector<16xi32>,
      tpu.vector_store %arg6[%swap3A_377], %broadcast_in_dim3A_372 {strides = array<i32>} : memref<4096xi32, #tpu.memory_space<vmem>>, vector<16xi32>,
      %broadcast_in_dim3A_379 = arith.constant 0 : i32
      %broadcast_in_dim3A_380 = vector.broadcast %broadcast_in_dim3A_379 : i32 to vector<16xi32>
      %mul3A_381 = arith.constant 256 : i32
      %mul3A_382 = arith.muli %scan3A_258, %mul3A_381 : i32
      %add3A_383 = arith.constant 240 : i32
      %add3A_384 = arith.addi %mul3A_382, %add3A_383 : i32
      %swap3A_385 = arith.index_cast %add3A_384 : i32 to index
      %swap3A_386 = tpu.vector_load %arg6[%swap3A_385] {strides = array<i32>} : memref<4096xi32, #tpu.memory_space<vmem>>, vector<16xi32>,
      tpu.vector_store %arg6[%swap3A_385], %broadcast_in_dim3A_380 {strides = array<i32>} : memref<4096xi32, #tpu.memory_space<vmem>>, vector<16xi32>,
      %scan3A_387 = arith.constant 0 : i32
      scf.yield %scan3A_387 : i32
    }
    %scan3A_41 = arith.constant 16 : i32
    %scan3A_42 = arith.constant 0 : i32
    %scan3A_43 = arith.constant 0 : i32
    %scan3A_44 = arith.constant 32 : i32
    %scan3A_45 = arith.addi %scan3A_43, %scan3A_44 : i32
    %scan3A_46 = arith.constant 1 : i32
    %scan3A_47 = scf.for %scan3A_258 = %scan3A_43 to %scan3A_45 step %scan3A_46 iter_args(%scan3A_259 = %scan3A_42) -> (i32)  : i32 {
      %broadcast_in_dim3A_260 = arith.constant 0.000000e+00 : f32
      %broadcast_in_dim3A_261 = vector.broadcast %broadcast_in_dim3A_260 : f32 to vector<16xf32>
      %swap3A = arith.index_cast %scan3A_258 : i32 to index
      %swap3A_262 = arith.constant 0 : index
      %swap3A_263 = tpu.vector_load %arg9[%swap3A, %swap3A_262] {strides = array<i32>} : memref<32x512xf32, #tpu.memory_space<vmem>>, vector<16xf32>,
      tpu.vector_store %arg9[%swap3A, %swap3A_262], %broadcast_in_dim3A_261 {strides = array<i32>} : memref<32x512xf32, #tpu.memory_space<vmem>>, vector<16xf32>,
      %broadcast_in_dim3A_264 = arith.constant 0.000000e+00 : f32
      %broadcast_in_dim3A_265 = vector.broadcast %broadcast_in_dim3A_264 : f32 to vector<16xf32>
      %swap3A_266 = arith.index_cast %scan3A_258 : i32 to index
      %swap3A_267 = arith.constant 16 : index
      %swap3A_268 = tpu.vector_load %arg9[%swap3A_266, %swap3A_267] {strides = array<i32>} : memref<32x512xf32, #tpu.memory_space<vmem>>, vector<16xf32>,
      tpu.vector_store %arg9[%swap3A_266, %swap3A_267], %broadcast_in_dim3A_265 {strides = array<i32>} : memref<32x512xf32, #tpu.memory_space<vmem>>, vector<16xf32>,
      %broadcast_in_dim3A_269 = arith.constant 0.000000e+00 : f32
      %broadcast_in_dim3A_270 = vector.broadcast %broadcast_in_dim3A_269 : f32 to vector<16xf32>
      %swap3A_271 = arith.index_cast %scan3A_258 : i32 to index
      %swap3A_272 = arith.constant 32 : index
      %swap3A_273 = tpu.vector_load %arg9[%swap3A_271, %swap3A_272] {strides = array<i32>} : memref<32x512xf32, #tpu.memory_space<vmem>>, vector<16xf32>,
      tpu.vector_store %arg9[%swap3A_271, %swap3A_272], %broadcast_in_dim3A_270 {strides = array<i32>} : memref<32x512xf32, #tpu.memory_space<vmem>>, vector<16xf32>,
      %broadcast_in_dim3A_274 = arith.constant 0.000000e+00 : f32
      %broadcast_in_dim3A_275 = vector.broadcast %broadcast_in_dim3A_274 : f32 to vector<16xf32>
      %swap3A_276 = arith.index_cast %scan3A_258 : i32 to index
      %swap3A_277 = arith.constant 48 : index
      %swap3A_278 = tpu.vector_load %arg9[%swap3A_276, %swap3A_277] {strides = array<i32>} : memref<32x512xf32, #tpu.memory_space<vmem>>, vector<16xf32>,
      tpu.vector_store %arg9[%swap3A_276, %swap3A_277], %broadcast_in_dim3A_275 {strides = array<i32>} : memref<32x512xf32, #tpu.memory_space<vmem>>, vector<16xf32>,
      %broadcast_in_dim3A_279 = arith.constant 0.000000e+00 : f32
      %broadcast_in_dim3A_280 = vector.broadcast %broadcast_in_dim3A_279 : f32 to vector<16xf32>
      %swap3A_281 = arith.index_cast %scan3A_258 : i32 to index
      %swap3A_282 = arith.constant 64 : index
      %swap3A_283 = tpu.vector_load %arg9[%swap3A_281, %swap3A_282] {strides = array<i32>} : memref<32x512xf32, #tpu.memory_space<vmem>>, vector<16xf32>,
      tpu.vector_store %arg9[%swap3A_281, %swap3A_282], %broadcast_in_dim3A_280 {strides = array<i32>} : memref<32x512xf32, #tpu.memory_space<vmem>>, vector<16xf32>,
      %broadcast_in_dim3A_284 = arith.constant 0.000000e+00 : f32
      %broadcast_in_dim3A_285 = vector.broadcast %broadcast_in_dim3A_284 : f32 to vector<16xf32>
      %swap3A_286 = arith.index_cast %scan3A_258 : i32 to index
      %swap3A_287 = arith.constant 80 : index
      %swap3A_288 = tpu.vector_load %arg9[%swap3A_286, %swap3A_287] {strides = array<i32>} : memref<32x512xf32, #tpu.memory_space<vmem>>, vector<16xf32>,
      tpu.vector_store %arg9[%swap3A_286, %swap3A_287], %broadcast_in_dim3A_285 {strides = array<i32>} : memref<32x512xf32, #tpu.memory_space<vmem>>, vector<16xf32>,
      %broadcast_in_dim3A_289 = arith.constant 0.000000e+00 : f32
      %broadcast_in_dim3A_290 = vector.broadcast %broadcast_in_dim3A_289 : f32 to vector<16xf32>
      %swap3A_291 = arith.index_cast %scan3A_258 : i32 to index
      %swap3A_292 = arith.constant 96 : index
      %swap3A_293 = tpu.vector_load %arg9[%swap3A_291, %swap3A_292] {strides = array<i32>} : memref<32x512xf32, #tpu.memory_space<vmem>>, vector<16xf32>,
      tpu.vector_store %arg9[%swap3A_291, %swap3A_292], %broadcast_in_dim3A_290 {strides = array<i32>} : memref<32x512xf32, #tpu.memory_space<vmem>>, vector<16xf32>,
      %broadcast_in_dim3A_294 = arith.constant 0.000000e+00 : f32
      %broadcast_in_dim3A_295 = vector.broadcast %broadcast_in_dim3A_294 : f32 to vector<16xf32>
      %swap3A_296 = arith.index_cast %scan3A_258 : i32 to index
      %swap3A_297 = arith.constant 112 : index
      %swap3A_298 = tpu.vector_load %arg9[%swap3A_296, %swap3A_297] {strides = array<i32>} : memref<32x512xf32, #tpu.memory_space<vmem>>, vector<16xf32>,
      tpu.vector_store %arg9[%swap3A_296, %swap3A_297], %broadcast_in_dim3A_295 {strides = array<i32>} : memref<32x512xf32, #tpu.memory_space<vmem>>, vector<16xf32>,
      %broadcast_in_dim3A_299 = arith.constant 0.000000e+00 : f32
      %broadcast_in_dim3A_300 = vector.broadcast %broadcast_in_dim3A_299 : f32 to vector<16xf32>
      %swap3A_301 = arith.index_cast %scan3A_258 : i32 to index
      %swap3A_302 = arith.constant 128 : index
      %swap3A_303 = tpu.vector_load %arg9[%swap3A_301, %swap3A_302] {strides = array<i32>} : memref<32x512xf32, #tpu.memory_space<vmem>>, vector<16xf32>,
      tpu.vector_store %arg9[%swap3A_301, %swap3A_302], %broadcast_in_dim3A_300 {strides = array<i32>} : memref<32x512xf32, #tpu.memory_space<vmem>>, vector<16xf32>,
      %broadcast_in_dim3A_304 = arith.constant 0.000000e+00 : f32
      %broadcast_in_dim3A_305 = vector.broadcast %broadcast_in_dim3A_304 : f32 to vector<16xf32>
      %swap3A_306 = arith.index_cast %scan3A_258 : i32 to index
      %swap3A_307 = arith.constant 144 : index
      %swap3A_308 = tpu.vector_load %arg9[%swap3A_306, %swap3A_307] {strides = array<i32>} : memref<32x512xf32, #tpu.memory_space<vmem>>, vector<16xf32>,
      tpu.vector_store %arg9[%swap3A_306, %swap3A_307], %broadcast_in_dim3A_305 {strides = array<i32>} : memref<32x512xf32, #tpu.memory_space<vmem>>, vector<16xf32>,
      %broadcast_in_dim3A_309 = arith.constant 0.000000e+00 : f32
      %broadcast_in_dim3A_310 = vector.broadcast %broadcast_in_dim3A_309 : f32 to vector<16xf32>
      %swap3A_311 = arith.index_cast %scan3A_258 : i32 to index
      %swap3A_312 = arith.constant 160 : index
      %swap3A_313 = tpu.vector_load %arg9[%swap3A_311, %swap3A_312] {strides = array<i32>} : memref<32x512xf32, #tpu.memory_space<vmem>>, vector<16xf32>,
      tpu.vector_store %arg9[%swap3A_311, %swap3A_312], %broadcast_in_dim3A_310 {strides = array<i32>} : memref<32x512xf32, #tpu.memory_space<vmem>>, vector<16xf32>,
      %broadcast_in_dim3A_314 = arith.constant 0.000000e+00 : f32
      %broadcast_in_dim3A_315 = vector.broadcast %broadcast_in_dim3A_314 : f32 to vector<16xf32>
      %swap3A_316 = arith.index_cast %scan3A_258 : i32 to index
      %swap3A_317 = arith.constant 176 : index
      %swap3A_318 = tpu.vector_load %arg9[%swap3A_316, %swap3A_317] {strides = array<i32>} : memref<32x512xf32, #tpu.memory_space<vmem>>, vector<16xf32>,
      tpu.vector_store %arg9[%swap3A_316, %swap3A_317], %broadcast_in_dim3A_315 {strides = array<i32>} : memref<32x512xf32, #tpu.memory_space<vmem>>, vector<16xf32>,
      %broadcast_in_dim3A_319 = arith.constant 0.000000e+00 : f32
      %broadcast_in_dim3A_320 = vector.broadcast %broadcast_in_dim3A_319 : f32 to vector<16xf32>
      %swap3A_321 = arith.index_cast %scan3A_258 : i32 to index
      %swap3A_322 = arith.constant 192 : index
      %swap3A_323 = tpu.vector_load %arg9[%swap3A_321, %swap3A_322] {strides = array<i32>} : memref<32x512xf32, #tpu.memory_space<vmem>>, vector<16xf32>,
      tpu.vector_store %arg9[%swap3A_321, %swap3A_322], %broadcast_in_dim3A_320 {strides = array<i32>} : memref<32x512xf32, #tpu.memory_space<vmem>>, vector<16xf32>,
      %broadcast_in_dim3A_324 = arith.constant 0.000000e+00 : f32
      %broadcast_in_dim3A_325 = vector.broadcast %broadcast_in_dim3A_324 : f32 to vector<16xf32>
      %swap3A_326 = arith.index_cast %scan3A_258 : i32 to index
      %swap3A_327 = arith.constant 208 : index
      %swap3A_328 = tpu.vector_load %arg9[%swap3A_326, %swap3A_327] {strides = array<i32>} : memref<32x512xf32, #tpu.memory_space<vmem>>, vector<16xf32>,
      tpu.vector_store %arg9[%swap3A_326, %swap3A_327], %broadcast_in_dim3A_325 {strides = array<i32>} : memref<32x512xf32, #tpu.memory_space<vmem>>, vector<16xf32>,
      %broadcast_in_dim3A_329 = arith.constant 0.000000e+00 : f32
      %broadcast_in_dim3A_330 = vector.broadcast %broadcast_in_dim3A_329 : f32 to vector<16xf32>
      %swap3A_331 = arith.index_cast %scan3A_258 : i32 to index
      %swap3A_332 = arith.constant 224 : index
      %swap3A_333 = tpu.vector_load %arg9[%swap3A_331, %swap3A_332] {strides = array<i32>} : memref<32x512xf32, #tpu.memory_space<vmem>>, vector<16xf32>,
      tpu.vector_store %arg9[%swap3A_331, %swap3A_332], %broadcast_in_dim3A_330 {strides = array<i32>} : memref<32x512xf32, #tpu.memory_space<vmem>>, vector<16xf32>,
      %broadcast_in_dim3A_334 = arith.constant 0.000000e+00 : f32
      %broadcast_in_dim3A_335 = vector.broadcast %broadcast_in_dim3A_334 : f32 to vector<16xf32>
      %swap3A_336 = arith.index_cast %scan3A_258 : i32 to index
      %swap3A_337 = arith.constant 240 : index
      %swap3A_338 = tpu.vector_load %arg9[%swap3A_336, %swap3A_337] {strides = array<i32>} : memref<32x512xf32, #tpu.memory_space<vmem>>, vector<16xf32>,
      tpu.vector_store %arg9[%swap3A_336, %swap3A_337], %broadcast_in_dim3A_335 {strides = array<i32>} : memref<32x512xf32, #tpu.memory_space<vmem>>, vector<16xf32>,
      %broadcast_in_dim3A_339 = arith.constant 0.000000e+00 : f32
      %broadcast_in_dim3A_340 = vector.broadcast %broadcast_in_dim3A_339 : f32 to vector<16xf32>
      %swap3A_341 = arith.index_cast %scan3A_258 : i32 to index
      %swap3A_342 = arith.constant 256 : index
      %swap3A_343 = tpu.vector_load %arg9[%swap3A_341, %swap3A_342] {strides = array<i32>} : memref<32x512xf32, #tpu.memory_space<vmem>>, vector<16xf32>,
      tpu.vector_store %arg9[%swap3A_341, %swap3A_342], %broadcast_in_dim3A_340 {strides = array<i32>} : memref<32x512xf32, #tpu.memory_space<vmem>>, vector<16xf32>,
      %broadcast_in_dim3A_344 = arith.constant 0.000000e+00 : f32
      %broadcast_in_dim3A_345 = vector.broadcast %broadcast_in_dim3A_344 : f32 to vector<16xf32>
      %swap3A_346 = arith.index_cast %scan3A_258 : i32 to index
      %swap3A_347 = arith.constant 272 : index
      %swap3A_348 = tpu.vector_load %arg9[%swap3A_346, %swap3A_347] {strides = array<i32>} : memref<32x512xf32, #tpu.memory_space<vmem>>, vector<16xf32>,
      tpu.vector_store %arg9[%swap3A_346, %swap3A_347], %broadcast_in_dim3A_345 {strides = array<i32>} : memref<32x512xf32, #tpu.memory_space<vmem>>, vector<16xf32>,
      %broadcast_in_dim3A_349 = arith.constant 0.000000e+00 : f32
      %broadcast_in_dim3A_350 = vector.broadcast %broadcast_in_dim3A_349 : f32 to vector<16xf32>
      %swap3A_351 = arith.index_cast %scan3A_258 : i32 to index
      %swap3A_352 = arith.constant 288 : index
      %swap3A_353 = tpu.vector_load %arg9[%swap3A_351, %swap3A_352] {strides = array<i32>} : memref<32x512xf32, #tpu.memory_space<vmem>>, vector<16xf32>,
      tpu.vector_store %arg9[%swap3A_351, %swap3A_352], %broadcast_in_dim3A_350 {strides = array<i32>} : memref<32x512xf32, #tpu.memory_space<vmem>>, vector<16xf32>,
      %broadcast_in_dim3A_354 = arith.constant 0.000000e+00 : f32
      %broadcast_in_dim3A_355 = vector.broadcast %broadcast_in_dim3A_354 : f32 to vector<16xf32>
      %swap3A_356 = arith.index_cast %scan3A_258 : i32 to index
      %swap3A_357 = arith.constant 304 : index
      %swap3A_358 = tpu.vector_load %arg9[%swap3A_356, %swap3A_357] {strides = array<i32>} : memref<32x512xf32, #tpu.memory_space<vmem>>, vector<16xf32>,
      tpu.vector_store %arg9[%swap3A_356, %swap3A_357], %broadcast_in_dim3A_355 {strides = array<i32>} : memref<32x512xf32, #tpu.memory_space<vmem>>, vector<16xf32>,
      %broadcast_in_dim3A_359 = arith.constant 0.000000e+00 : f32
      %broadcast_in_dim3A_360 = vector.broadcast %broadcast_in_dim3A_359 : f32 to vector<16xf32>
      %swap3A_361 = arith.index_cast %scan3A_258 : i32 to index
      %swap3A_362 = arith.constant 320 : index
      %swap3A_363 = tpu.vector_load %arg9[%swap3A_361, %swap3A_362] {strides = array<i32>} : memref<32x512xf32, #tpu.memory_space<vmem>>, vector<16xf32>,
      tpu.vector_store %arg9[%swap3A_361, %swap3A_362], %broadcast_in_dim3A_360 {strides = array<i32>} : memref<32x512xf32, #tpu.memory_space<vmem>>, vector<16xf32>,
      %broadcast_in_dim3A_364 = arith.constant 0.000000e+00 : f32
      %broadcast_in_dim3A_365 = vector.broadcast %broadcast_in_dim3A_364 : f32 to vector<16xf32>
      %swap3A_366 = arith.index_cast %scan3A_258 : i32 to index
      %swap3A_367 = arith.constant 336 : index
      %swap3A_368 = tpu.vector_load %arg9[%swap3A_366, %swap3A_367] {strides = array<i32>} : memref<32x512xf32, #tpu.memory_space<vmem>>, vector<16xf32>,
      tpu.vector_store %arg9[%swap3A_366, %swap3A_367], %broadcast_in_dim3A_365 {strides = array<i32>} : memref<32x512xf32, #tpu.memory_space<vmem>>, vector<16xf32>,
      %broadcast_in_dim3A_369 = arith.constant 0.000000e+00 : f32
      %broadcast_in_dim3A_370 = vector.broadcast %broadcast_in_dim3A_369 : f32 to vector<16xf32>
      %swap3A_371 = arith.index_cast %scan3A_258 : i32 to index
      %swap3A_372 = arith.constant 352 : index
      %swap3A_373 = tpu.vector_load %arg9[%swap3A_371, %swap3A_372] {strides = array<i32>} : memref<32x512xf32, #tpu.memory_space<vmem>>, vector<16xf32>,
      tpu.vector_store %arg9[%swap3A_371, %swap3A_372], %broadcast_in_dim3A_370 {strides = array<i32>} : memref<32x512xf32, #tpu.memory_space<vmem>>, vector<16xf32>,
      %broadcast_in_dim3A_374 = arith.constant 0.000000e+00 : f32
      %broadcast_in_dim3A_375 = vector.broadcast %broadcast_in_dim3A_374 : f32 to vector<16xf32>
      %swap3A_376 = arith.index_cast %scan3A_258 : i32 to index
      %swap3A_377 = arith.constant 368 : index
      %swap3A_378 = tpu.vector_load %arg9[%swap3A_376, %swap3A_377] {strides = array<i32>} : memref<32x512xf32, #tpu.memory_space<vmem>>, vector<16xf32>,
      tpu.vector_store %arg9[%swap3A_376, %swap3A_377], %broadcast_in_dim3A_375 {strides = array<i32>} : memref<32x512xf32, #tpu.memory_space<vmem>>, vector<16xf32>,
      %broadcast_in_dim3A_379 = arith.constant 0.000000e+00 : f32
      %broadcast_in_dim3A_380 = vector.broadcast %broadcast_in_dim3A_379 : f32 to vector<16xf32>
      %swap3A_381 = arith.index_cast %scan3A_258 : i32 to index
      %swap3A_382 = arith.constant 384 : index
      %swap3A_383 = tpu.vector_load %arg9[%swap3A_381, %swap3A_382] {strides = array<i32>} : memref<32x512xf32, #tpu.memory_space<vmem>>, vector<16xf32>,
      tpu.vector_store %arg9[%swap3A_381, %swap3A_382], %broadcast_in_dim3A_380 {strides = array<i32>} : memref<32x512xf32, #tpu.memory_space<vmem>>, vector<16xf32>,
      %broadcast_in_dim3A_384 = arith.constant 0.000000e+00 : f32
      %broadcast_in_dim3A_385 = vector.broadcast %broadcast_in_dim3A_384 : f32 to vector<16xf32>
      %swap3A_386 = arith.index_cast %scan3A_258 : i32 to index
      %swap3A_387 = arith.constant 400 : index
      %swap3A_388 = tpu.vector_load %arg9[%swap3A_386, %swap3A_387] {strides = array<i32>} : memref<32x512xf32, #tpu.memory_space<vmem>>, vector<16xf32>,
      tpu.vector_store %arg9[%swap3A_386, %swap3A_387], %broadcast_in_dim3A_385 {strides = array<i32>} : memref<32x512xf32, #tpu.memory_space<vmem>>, vector<16xf32>,
      %broadcast_in_dim3A_389 = arith.constant 0.000000e+00 : f32
      %broadcast_in_dim3A_390 = vector.broadcast %broadcast_in_dim3A_389 : f32 to vector<16xf32>
      %swap3A_391 = arith.index_cast %scan3A_258 : i32 to index
      %swap3A_392 = arith.constant 416 : index
      %swap3A_393 = tpu.vector_load %arg9[%swap3A_391, %swap3A_392] {strides = array<i32>} : memref<32x512xf32, #tpu.memory_space<vmem>>, vector<16xf32>,
      tpu.vector_store %arg9[%swap3A_391, %swap3A_392], %broadcast_in_dim3A_390 {strides = array<i32>} : memref<32x512xf32, #tpu.memory_space<vmem>>, vector<16xf32>,
      %broadcast_in_dim3A_394 = arith.constant 0.000000e+00 : f32
      %broadcast_in_dim3A_395 = vector.broadcast %broadcast_in_dim3A_394 : f32 to vector<16xf32>
      %swap3A_396 = arith.index_cast %scan3A_258 : i32 to index
      %swap3A_397 = arith.constant 432 : index
      %swap3A_398 = tpu.vector_load %arg9[%swap3A_396, %swap3A_397] {strides = array<i32>} : memref<32x512xf32, #tpu.memory_space<vmem>>, vector<16xf32>,
      tpu.vector_store %arg9[%swap3A_396, %swap3A_397], %broadcast_in_dim3A_395 {strides = array<i32>} : memref<32x512xf32, #tpu.memory_space<vmem>>, vector<16xf32>,
      %broadcast_in_dim3A_399 = arith.constant 0.000000e+00 : f32
      %broadcast_in_dim3A_400 = vector.broadcast %broadcast_in_dim3A_399 : f32 to vector<16xf32>
      %swap3A_401 = arith.index_cast %scan3A_258 : i32 to index
      %swap3A_402 = arith.constant 448 : index
      %swap3A_403 = tpu.vector_load %arg9[%swap3A_401, %swap3A_402] {strides = array<i32>} : memref<32x512xf32, #tpu.memory_space<vmem>>, vector<16xf32>,
      tpu.vector_store %arg9[%swap3A_401, %swap3A_402], %broadcast_in_dim3A_400 {strides = array<i32>} : memref<32x512xf32, #tpu.memory_space<vmem>>, vector<16xf32>,
      %broadcast_in_dim3A_404 = arith.constant 0.000000e+00 : f32
      %broadcast_in_dim3A_405 = vector.broadcast %broadcast_in_dim3A_404 : f32 to vector<16xf32>
      %swap3A_406 = arith.index_cast %scan3A_258 : i32 to index
      %swap3A_407 = arith.constant 464 : index
      %swap3A_408 = tpu.vector_load %arg9[%swap3A_406, %swap3A_407] {strides = array<i32>} : memref<32x512xf32, #tpu.memory_space<vmem>>, vector<16xf32>,
      tpu.vector_store %arg9[%swap3A_406, %swap3A_407], %broadcast_in_dim3A_405 {strides = array<i32>} : memref<32x512xf32, #tpu.memory_space<vmem>>, vector<16xf32>,
      %broadcast_in_dim3A_409 = arith.constant 0.000000e+00 : f32
      %broadcast_in_dim3A_410 = vector.broadcast %broadcast_in_dim3A_409 : f32 to vector<16xf32>
      %swap3A_411 = arith.index_cast %scan3A_258 : i32 to index
      %swap3A_412 = arith.constant 480 : index
      %swap3A_413 = tpu.vector_load %arg9[%swap3A_411, %swap3A_412] {strides = array<i32>} : memref<32x512xf32, #tpu.memory_space<vmem>>, vector<16xf32>,
      tpu.vector_store %arg9[%swap3A_411, %swap3A_412], %broadcast_in_dim3A_410 {strides = array<i32>} : memref<32x512xf32, #tpu.memory_space<vmem>>, vector<16xf32>,
      %broadcast_in_dim3A_414 = arith.constant 0.000000e+00 : f32
      %broadcast_in_dim3A_415 = vector.broadcast %broadcast_in_dim3A_414 : f32 to vector<16xf32>
      %swap3A_416 = arith.index_cast %scan3A_258 : i32 to index
      %swap3A_417 = arith.constant 496 : index
      %swap3A_418 = tpu.vector_load %arg9[%swap3A_416, %swap3A_417] {strides = array<i32>} : memref<32x512xf32, #tpu.memory_space<vmem>>, vector<16xf32>,
      tpu.vector_store %arg9[%swap3A_416, %swap3A_417], %broadcast_in_dim3A_415 {strides = array<i32>} : memref<32x512xf32, #tpu.memory_space<vmem>>, vector<16xf32>,
      %scan3A_419 = arith.constant 0 : i32
      scf.yield %scan3A_419 : i32
    }
    %scan3A_48 = arith.constant 32 : i32
    %dma_wait3A = tpu.memref_slice %arg3[%mul3A_34] : memref<4096xi32, #tpu.memory_space<hbm>> -> memref<512xi32, #tpu.memory_space<hbm>>
    %dma_wait3A_49 = tpu.memref_slice %arg3[%mul3A_34] : memref<4096xi32, #tpu.memory_space<hbm>> -> memref<512xi32, #tpu.memory_space<hbm>>
    tpu.wait_dma2 semaphore(%arg13 : memref<!tpu.dma_semaphore, #tpu.memory_space<semaphore_mem>>) src(%dma_wait3A_49 : memref<512xi32, #tpu.memory_space<hbm>>) dst(%arg5 : memref<512xi32, #tpu.memory_space<vmem>>)
    %eq3A_50 = arith.constant 0 : i32
    %eq3A_51 = arith.cmpi eq, %arg1, %eq3A_50 : i32
    %convert_element_type3A = arith.extui %eq3A_51 : i1 to i32
    %cond3A = arith.constant 0 : i32
    %cond3A_52 = arith.cmpi ne, %convert_element_type3A, %cond3A : i32
    scf.if %cond3A_52 {
      %dma_start3A_258 = arith.constant 0 : i32
      %dma_start3A_259 = arith.constant 0 : i32
      %dma_start3A_260 = tpu.memref_slice %arg10[%dma_start3A_258, %dma_start3A_259] : memref<64x512xf32, #tpu.memory_space<vmem_shared>> -> memref<32x512xf32, #tpu.memory_space<vmem_shared>>
      %dma_start3A_261 = arith.constant 0 : i32
      %dma_start3A_262 = arith.constant 0 : i32
      %dma_start3A_263 = tpu.memref_slice %arg10[%dma_start3A_261, %dma_start3A_262] : memref<64x512xf32, #tpu.memory_space<vmem_shared>> -> memref<32x512xf32, #tpu.memory_space<vmem_shared>>
      tpu.enqueue_dma source(%arg9 : memref<32x512xf32, #tpu.memory_space<vmem>>) target(%dma_start3A_263 : memref<32x512xf32, #tpu.memory_space<vmem_shared>>) target_semaphore(%arg14 : memref<!tpu.dma_semaphore, #tpu.memory_space<semaphore_mem>>)
      %dma_start3A_264 = arith.constant 32 : i32
      %dma_start3A_265 = arith.constant 0 : i32
      %dma_start3A_266 = tpu.memref_slice %arg10[%dma_start3A_264, %dma_start3A_265] : memref<64x512xf32, #tpu.memory_space<vmem_shared>> -> memref<32x512xf32, #tpu.memory_space<vmem_shared>>
      %dma_start3A_267 = arith.constant 32 : i32
      %dma_start3A_268 = arith.constant 0 : i32
      %dma_start3A_269 = tpu.memref_slice %arg10[%dma_start3A_267, %dma_start3A_268] : memref<64x512xf32, #tpu.memory_space<vmem_shared>> -> memref<32x512xf32, #tpu.memory_space<vmem_shared>>
      tpu.enqueue_dma source(%arg9 : memref<32x512xf32, #tpu.memory_space<vmem>>) target(%dma_start3A_269 : memref<32x512xf32, #tpu.memory_space<vmem_shared>>) target_semaphore(%arg14 : memref<!tpu.dma_semaphore, #tpu.memory_space<semaphore_mem>>)
    } else {
    }
    %add3A_53 = arith.constant 56 : i32
    %add3A_54 = arith.addi %select_n3A_30, %add3A_53 : i32
    %mul3A_55 = arith.constant 64 : i32
    %mul3A_56 = arith.muli %add3A_54, %mul3A_55 : i32
    %add3A_57 = arith.addi %mul3A_32, %mul3A_56 : i32
    %dma_start3A_58 = arith.constant 0 : i32
    %dma_start3A_59 = tpu.memref_slice %arg4[%add3A_57, %dma_start3A_58] : memref<32768x512xf32, #tpu.memory_space<hbm>> -> memref<32x512xf32, #tpu.memory_space<hbm>>
    %dma_start3A_60 = arith.constant 0 : i32
    %dma_start3A_61 = tpu.memref_slice %arg4[%add3A_57, %dma_start3A_60] : memref<32768x512xf32, #tpu.memory_space<hbm>> -> memref<32x512xf32, #tpu.memory_space<hbm>>
    tpu.enqueue_dma source(%arg9 : memref<32x512xf32, #tpu.memory_space<vmem>>) target(%dma_start3A_61 : memref<32x512xf32, #tpu.memory_space<hbm>>) target_semaphore(%arg13 : memref<!tpu.dma_semaphore, #tpu.memory_space<semaphore_mem>>)
    %add3A_62 = arith.constant 32 : i32
    %add3A_63 = arith.addi %add3A_57, %add3A_62 : i32
    %dma_start3A_64 = arith.constant 0 : i32
    %dma_start3A_65 = tpu.memref_slice %arg4[%add3A_63, %dma_start3A_64] : memref<32768x512xf32, #tpu.memory_space<hbm>> -> memref<32x512xf32, #tpu.memory_space<hbm>>
    %dma_start3A_66 = arith.constant 0 : i32
    %dma_start3A_67 = tpu.memref_slice %arg4[%add3A_63, %dma_start3A_66] : memref<32768x512xf32, #tpu.memory_space<hbm>> -> memref<32x512xf32, #tpu.memory_space<hbm>>
    tpu.enqueue_dma source(%arg9 : memref<32x512xf32, #tpu.memory_space<vmem>>) target(%dma_start3A_67 : memref<32x512xf32, #tpu.memory_space<hbm>>) target_semaphore(%arg13 : memref<!tpu.dma_semaphore, #tpu.memory_space<semaphore_mem>>)
    %add3A_68 = arith.constant 60 : i32
    %add3A_69 = arith.addi %select_n3A_30, %add3A_68 : i32
    %mul3A_70 = arith.constant 64 : i32
    %mul3A_71 = arith.muli %add3A_69, %mul3A_70 : i32
    %add3A_72 = arith.addi %mul3A_32, %mul3A_71 : i32
    %dma_start3A_73 = arith.constant 0 : i32
    %dma_start3A_74 = tpu.memref_slice %arg4[%add3A_72, %dma_start3A_73] : memref<32768x512xf32, #tpu.memory_space<hbm>> -> memref<32x512xf32, #tpu.memory_space<hbm>>
    %dma_start3A_75 = arith.constant 0 : i32
    %dma_start3A_76 = tpu.memref_slice %arg4[%add3A_72, %dma_start3A_75] : memref<32768x512xf32, #tpu.memory_space<hbm>> -> memref<32x512xf32, #tpu.memory_space<hbm>>
    tpu.enqueue_dma source(%arg9 : memref<32x512xf32, #tpu.memory_space<vmem>>) target(%dma_start3A_76 : memref<32x512xf32, #tpu.memory_space<hbm>>) target_semaphore(%arg13 : memref<!tpu.dma_semaphore, #tpu.memory_space<semaphore_mem>>)
    %add3A_77 = arith.constant 32 : i32
    %add3A_78 = arith.addi %add3A_72, %add3A_77 : i32
    %dma_start3A_79 = arith.constant 0 : i32
    %dma_start3A_80 = tpu.memref_slice %arg4[%add3A_78, %dma_start3A_79] : memref<32768x512xf32, #tpu.memory_space<hbm>> -> memref<32x512xf32, #tpu.memory_space<hbm>>
    %dma_start3A_81 = arith.constant 0 : i32
    %dma_start3A_82 = tpu.memref_slice %arg4[%add3A_78, %dma_start3A_81] : memref<32768x512xf32, #tpu.memory_space<hbm>> -> memref<32x512xf32, #tpu.memory_space<hbm>>
    tpu.enqueue_dma source(%arg9 : memref<32x512xf32, #tpu.memory_space<vmem>>) target(%dma_start3A_82 : memref<32x512xf32, #tpu.memory_space<hbm>>) target_semaphore(%arg13 : memref<!tpu.dma_semaphore, #tpu.memory_space<semaphore_mem>>)
    %broadcast_in_dim3A = arith.constant 1 : i32
    %broadcast_in_dim3A_83 = vector.broadcast %broadcast_in_dim3A : i32 to vector<16xi32>
    %scan3A_84 = arith.constant 0 : i32
    %scan3A_85 = arith.constant 0 : i32
    %scan3A_86 = arith.constant 32 : i32
    %scan3A_87 = arith.addi %scan3A_85, %scan3A_86 : i32
    %scan3A_88 = arith.constant 1 : i32
    %scan3A_89 = scf.for %scan3A_258 = %scan3A_85 to %scan3A_87 step %scan3A_88 iter_args(%scan3A_259 = %scan3A_84) -> (i32)  : i32 {
      %mul3A_260 = arith.constant 16 : i32
      %mul3A_261 = arith.muli %scan3A_258, %mul3A_260 : i32
      %get3A = arith.index_cast %mul3A_261 : i32 to index
      %get3A_262 = tpu.vector_load %arg5[%get3A] {strides = array<i32>} : memref<512xi32, #tpu.memory_space<vmem>>, vector<16xi32>,
      %broadcast_in_dim3A_263 = arith.constant true
      %broadcast_in_dim3A_264 = vector.broadcast %broadcast_in_dim3A_263 : i1 to vector<16xi1>
      %masked_cumsum3A = tpu.scan <sum>, %get3A_262 masked %broadcast_in_dim3A_264 : vector<16xi32>, vector<16xi1> -> vector<16xi32>
      %sub3A_265 = arith.subi %masked_cumsum3A, %get3A_262 : vector<16xi32>
      %add3A_266 = vector.broadcast %scan3A_259 : i32 to vector<16xi32>
      %add3A_267 = arith.addi %sub3A_265, %add3A_266 : vector<16xi32>
      %lt3A_268 = arith.constant 4096 : i32
      %lt3A_269 = vector.broadcast %lt3A_268 : i32 to vector<16xi32>
      %lt3A_270 = arith.cmpi slt, %add3A_267, %lt3A_269 : vector<16xi32>
      %jit3A_271 = arith.constant 0 : i32
      %jit3A_272 = arith.constant 4095 : i32
      %max3A_273 = vector.broadcast %jit3A_271 : i32 to vector<16xi32>
      %max3A_274 = arith.maxsi %max3A_273, %add3A_267 : vector<16xi32>
      %min3A_275 = vector.broadcast %jit3A_272 : i32 to vector<16xi32>
      %min3A_276 = arith.minsi %min3A_275, %max3A_274 : vector<16xi32>
      tpu.vector_store_idx %arg6[%min3A_276], %broadcast_in_dim3A_83 masked %lt3A_270 {add = true} : memref<4096xi32, #tpu.memory_space<vmem>>[vector<16xi32>], vector<16xi32>, vector<16xi1>
      %slice3A = vector.extract_strided_slice %masked_cumsum3A {offsets = [15], sizes = [1], strides = [1]} : vector<16xi32> to vector<1xi32>
      %squeeze3A = vector.extract %slice3A[0] : i32 from vector<1xi32>
      %add3A_277 = arith.addi %scan3A_259, %squeeze3A : i32
      scf.yield %add3A_277 : i32
    }
    %scan3A_90 = arith.constant 32 : i32
    %eq3A_91 = arith.constant 0 : i32
    %eq3A_92 = arith.cmpi eq, %arg1, %eq3A_91 : i32
    %convert_element_type3A_93 = arith.extui %eq3A_92 : i1 to i32
    %cond3A_94 = arith.constant 0 : i32
    %cond3A_95 = arith.cmpi ne, %convert_element_type3A_93, %cond3A_94 : i32
    scf.if %cond3A_95 {
      %dma_wait3A_258 = arith.constant 0 : i32
      %dma_wait3A_259 = arith.constant 0 : i32
      %dma_wait3A_260 = tpu.memref_slice %arg10[%dma_wait3A_258, %dma_wait3A_259] : memref<64x512xf32, #tpu.memory_space<vmem_shared>> -> memref<32x512xf32, #tpu.memory_space<vmem_shared>>
      %dma_wait3A_261 = arith.constant 0 : i32
      %dma_wait3A_262 = arith.constant 0 : i32
      %dma_wait3A_263 = tpu.memref_slice %arg10[%dma_wait3A_261, %dma_wait3A_262] : memref<64x512xf32, #tpu.memory_space<vmem_shared>> -> memref<32x512xf32, #tpu.memory_space<vmem_shared>>
      tpu.wait_dma2 semaphore(%arg14 : memref<!tpu.dma_semaphore, #tpu.memory_space<semaphore_mem>>) src(%arg9 : memref<32x512xf32, #tpu.memory_space<vmem>>) dst(%dma_wait3A_263 : memref<32x512xf32, #tpu.memory_space<vmem_shared>>)
      %dma_wait3A_264 = arith.constant 32 : i32
      %dma_wait3A_265 = arith.constant 0 : i32
      %dma_wait3A_266 = tpu.memref_slice %arg10[%dma_wait3A_264, %dma_wait3A_265] : memref<64x512xf32, #tpu.memory_space<vmem_shared>> -> memref<32x512xf32, #tpu.memory_space<vmem_shared>>
      %dma_wait3A_267 = arith.constant 32 : i32
      %dma_wait3A_268 = arith.constant 0 : i32
      %dma_wait3A_269 = tpu.memref_slice %arg10[%dma_wait3A_267, %dma_wait3A_268] : memref<64x512xf32, #tpu.memory_space<vmem_shared>> -> memref<32x512xf32, #tpu.memory_space<vmem_shared>>
      tpu.wait_dma2 semaphore(%arg14 : memref<!tpu.dma_semaphore, #tpu.memory_space<semaphore_mem>>) src(%arg9 : memref<32x512xf32, #tpu.memory_space<vmem>>) dst(%dma_wait3A_269 : memref<32x512xf32, #tpu.memory_space<vmem_shared>>)
    } else {
    }
    %barrier3A = arith.constant 0 : index
    tpu.barrier barrier_id(%barrier3A)
    %mul3A_96 = arith.constant 64 : i32
    %mul3A_97 = arith.muli %select_n3A_30, %mul3A_96 : i32
    %sub3A_98 = arith.subi %scan3A_89, %mul3A_97 : i32
    %add3A_99 = arith.constant 255 : i32
    %add3A_100 = arith.addi %sub3A_98, %add3A_99 : i32
    %jit3A_101 = arith.constant 256 : i32
    %div3A_102 = arith.divsi %add3A_100, %jit3A_101 : i32
    %sign3A_103 = arith.constant 0 : i32
    %sign3A_104 = arith.cmpi sgt, %add3A_100, %sign3A_103 : i32
    %sign3A_105 = arith.extui %sign3A_104 : i1 to i32
    %sign3A_106 = arith.constant 0 : i32
    %sign3A_107 = arith.cmpi slt, %add3A_100, %sign3A_106 : i32
    %sign3A_108 = arith.extui %sign3A_107 : i1 to i32
    %sign3A_109 = arith.subi %sign3A_105, %sign3A_108 : i32
    %sign3A_110 = arith.constant 0 : i32
    %sign3A_111 = arith.cmpi sgt, %jit3A_101, %sign3A_110 : i32
    %sign3A_112 = arith.extui %sign3A_111 : i1 to i32
    %sign3A_113 = arith.constant 0 : i32
    %sign3A_114 = arith.cmpi slt, %jit3A_101, %sign3A_113 : i32
    %sign3A_115 = arith.extui %sign3A_114 : i1 to i32
    %sign3A_116 = arith.subi %sign3A_112, %sign3A_115 : i32
    %ne3A_117 = arith.cmpi ne, %sign3A_109, %sign3A_116 : i32
    %rem3A_118 = arith.remsi %add3A_100, %jit3A_101 : i32
    %ne3A_119 = arith.constant 0 : i32
    %ne3A_120 = arith.cmpi ne, %rem3A_118, %ne3A_119 : i32
    %and3A_121 = arith.andi %ne3A_117, %ne3A_120 : i1
    %sub3A_122 = arith.constant 1 : i32
    %sub3A_123 = arith.subi %div3A_102, %sub3A_122 : i32
    %select_n3A_124 = arith.select %and3A_121, %sub3A_123, %div3A_102 : i32
    %jit3A_125 = arith.constant 0 : i32
    %jit3A_126 = arith.constant 16 : i32
    %max3A = arith.maxsi %jit3A_125, %select_n3A_124 : i32
    %min3A = arith.minsi %jit3A_126, %max3A : i32
    %while3A = arith.constant 14 : i32
    %while3A_127 = arith.constant 0 : i32
    %while3A_128 = arith.subi %while3A, %min3A : i32
    %while3A_129 = arith.addi %min3A, %while3A_128 : i32
    %while3A_130 = arith.constant 1 : i32
    %while3A_131 = arith.divsi %while3A_128, %while3A_130 : i32
    %while3A_132 = arith.muli %while3A_131, %while3A_130 : i32
    %while3A_133 = arith.addi %min3A, %while3A_132 : i32
    %while3A_134 = arith.constant 1 : i32
    %while3A_135 = scf.for %while3A_258 = %min3A to %while3A_133 step %while3A_134 iter_args(%while3A_259 = %while3A_127) -> (i32)  : i32 {
      %mul3A_260 = arith.constant 4 : i32
      %mul3A_261 = arith.muli %while3A_258, %mul3A_260 : i32
      %add3A_262 = arith.addi %select_n3A_30, %mul3A_261 : i32
      %mul3A_263 = arith.constant 64 : i32
      %mul3A_264 = arith.muli %add3A_262, %mul3A_263 : i32
      %add3A_265 = arith.addi %mul3A_32, %mul3A_264 : i32
      %dma_start3A_266 = arith.constant 0 : i32
      %dma_start3A_267 = tpu.memref_slice %arg4[%add3A_265, %dma_start3A_266] : memref<32768x512xf32, #tpu.memory_space<hbm>> -> memref<64x512xf32, #tpu.memory_space<hbm>>
      tpu.enqueue_dma source(%arg10 : memref<64x512xf32, #tpu.memory_space<vmem_shared>>) target(%dma_start3A_267 : memref<64x512xf32, #tpu.memory_space<hbm>>) target_semaphore(%arg13 : memref<!tpu.dma_semaphore, #tpu.memory_space<semaphore_mem>>)
      %while3A_268 = arith.constant 0 : i32
      scf.yield %while3A_268 : i32
    }
    %while3A_136 = arith.constant 1 : i32
    %while3A_137 = scf.for %while3A_258 = %while3A_133 to %while3A_129 step %while3A_136 iter_args(%while3A_259 = %while3A_135) -> (i32)  : i32 {
      %mul3A_260 = arith.constant 4 : i32
      %mul3A_261 = arith.muli %while3A_258, %mul3A_260 : i32
      %add3A_262 = arith.addi %select_n3A_30, %mul3A_261 : i32
      %mul3A_263 = arith.constant 64 : i32
      %mul3A_264 = arith.muli %add3A_262, %mul3A_263 : i32
      %add3A_265 = arith.addi %mul3A_32, %mul3A_264 : i32
      %dma_start3A_266 = arith.constant 0 : i32
      %dma_start3A_267 = tpu.memref_slice %arg4[%add3A_265, %dma_start3A_266] : memref<32768x512xf32, #tpu.memory_space<hbm>> -> memref<64x512xf32, #tpu.memory_space<hbm>>
      tpu.enqueue_dma source(%arg10 : memref<64x512xf32, #tpu.memory_space<vmem_shared>>) target(%dma_start3A_267 : memref<64x512xf32, #tpu.memory_space<hbm>>) target_semaphore(%arg13 : memref<!tpu.dma_semaphore, #tpu.memory_space<semaphore_mem>>)
      %while3A_268 = arith.constant 0 : i32
      scf.yield %while3A_268 : i32
    }
    %add3A_138 = arith.constant 64 : i32
    %add3A_139 = arith.addi %scan3A_89, %add3A_138 : i32
    %sub3A_140 = arith.constant 1 : i32
    %sub3A_141 = arith.subi %add3A_139, %sub3A_140 : i32
    %jit3A_142 = arith.constant 64 : i32
    %div3A_143 = arith.divsi %sub3A_141, %jit3A_142 : i32
    %sign3A_144 = arith.constant 0 : i32
    %sign3A_145 = arith.cmpi sgt, %sub3A_141, %sign3A_144 : i32
    %sign3A_146 = arith.extui %sign3A_145 : i1 to i32
    %sign3A_147 = arith.constant 0 : i32
    %sign3A_148 = arith.cmpi slt, %sub3A_141, %sign3A_147 : i32
    %sign3A_149 = arith.extui %sign3A_148 : i1 to i32
    %sign3A_150 = arith.subi %sign3A_146, %sign3A_149 : i32
    %sign3A_151 = arith.constant 0 : i32
    %sign3A_152 = arith.cmpi sgt, %jit3A_142, %sign3A_151 : i32
    %sign3A_153 = arith.extui %sign3A_152 : i1 to i32
    %sign3A_154 = arith.constant 0 : i32
    %sign3A_155 = arith.cmpi slt, %jit3A_142, %sign3A_154 : i32
    %sign3A_156 = arith.extui %sign3A_155 : i1 to i32
    %sign3A_157 = arith.subi %sign3A_153, %sign3A_156 : i32
    %ne3A_158 = arith.cmpi ne, %sign3A_150, %sign3A_157 : i32
    %rem3A_159 = arith.remsi %sub3A_141, %jit3A_142 : i32
    %ne3A_160 = arith.constant 0 : i32
    %ne3A_161 = arith.cmpi ne, %rem3A_159, %ne3A_160 : i32
    %and3A_162 = arith.andi %ne3A_158, %ne3A_161 : i1
    %sub3A_163 = arith.constant 1 : i32
    %sub3A_164 = arith.subi %div3A_143, %sub3A_163 : i32
    %select_n3A_165 = arith.select %and3A_162, %sub3A_164, %div3A_143 : i32
    %jit3A_166 = arith.constant 0 : i32
    %jit3A_167 = arith.constant 64 : i32
    %max3A_168 = arith.maxsi %jit3A_166, %select_n3A_165 : i32
    %min3A_169 = arith.minsi %jit3A_167, %max3A_168 : i32
    %min3A_170 = arith.constant 8 : i32
    %min3A_171 = arith.minsi %min3A_169, %min3A_170 : i32
    %while3A_172 = arith.constant 0 : i32
    %while3A_173 = arith.constant 0 : i32
    %while3A_174 = arith.subi %min3A_171, %while3A_172 : i32
    %while3A_175 = arith.addi %while3A_172, %while3A_174 : i32
    %while3A_176 = arith.constant 1 : i32
    %while3A_177 = arith.divsi %while3A_174, %while3A_176 : i32
    %while3A_178 = arith.muli %while3A_177, %while3A_176 : i32
    %while3A_179 = arith.addi %while3A_172, %while3A_178 : i32
    %while3A_180 = arith.constant 1 : i32
    %while3A_181 = scf.for %while3A_258 = %while3A_172 to %while3A_179 step %while3A_180 iter_args(%while3A_259 = %while3A_173) -> (i32)  : i32 {
      %mul3A_260 = arith.constant 64 : i32
      %mul3A_261 = arith.muli %while3A_258, %mul3A_260 : i32
      %add3A_262 = arith.constant 0 : i32
      %add3A_263 = arith.addi %mul3A_261, %add3A_262 : i32
      %get3A = arith.index_cast %add3A_263 : i32 to index
      %get3A_264 = tpu.vector_load %arg6[%get3A] {strides = array<i32>} : memref<4096xi32, #tpu.memory_space<vmem>>, vector<16xi32>,
      %broadcast_in_dim3A_265 = arith.constant true
      %broadcast_in_dim3A_266 = vector.broadcast %broadcast_in_dim3A_265 : i1 to vector<16xi1>
      %masked_cumsum3A = tpu.scan <sum>, %get3A_264 masked %broadcast_in_dim3A_266 : vector<16xi32>, vector<16xi1> -> vector<16xi32>
      %add3A_267 = vector.broadcast %while3A_259 : i32 to vector<16xi32>
      %add3A_268 = arith.addi %masked_cumsum3A, %add3A_267 : vector<16xi32>
      %sub3A_269 = arith.constant 1 : i32
      %sub3A_270 = vector.broadcast %sub3A_269 : i32 to vector<16xi32>
      %sub3A_271 = arith.subi %add3A_268, %sub3A_270 : vector<16xi32>
      %jit3A_272 = arith.constant 0 : i32
      %jit3A_273 = arith.constant 511 : i32
      %max3A_274 = vector.broadcast %jit3A_272 : i32 to vector<16xi32>
      %max3A_275 = arith.maxsi %max3A_274, %sub3A_271 : vector<16xi32>
      %min3A_276 = vector.broadcast %jit3A_273 : i32 to vector<16xi32>
      %min3A_277 = arith.minsi %min3A_276, %max3A_275 : vector<16xi32>
      %mul3A_278 = arith.constant 512 : i32
      %mul3A_279 = arith.muli %select_n3A, %mul3A_278 : i32
      %add3A_280 = vector.broadcast %mul3A_279 : i32 to vector<16xi32>
      %add3A_281 = arith.addi %min3A_277, %add3A_280 : vector<16xi32>
      %swap3A = arith.index_cast %while3A_258 : i32 to index
      %swap3A_282 = arith.constant 0 : index
      %swap3A_283 = tpu.vector_load %arg7[%swap3A, %swap3A_282] {strides = array<i32>} : memref<64x64xi32, #tpu.memory_space<vmem>>, vector<16xi32>,
      tpu.vector_store %arg7[%swap3A, %swap3A_282], %add3A_281 {strides = array<i32>} : memref<64x64xi32, #tpu.memory_space<vmem>>, vector<16xi32>,
      %slice3A = vector.extract_strided_slice %add3A_268 {offsets = [15], sizes = [1], strides = [1]} : vector<16xi32> to vector<1xi32>
      %squeeze3A = vector.extract %slice3A[0] : i32 from vector<1xi32>
      %mul3A_284 = arith.constant 64 : i32
      %mul3A_285 = arith.muli %while3A_258, %mul3A_284 : i32
      %add3A_286 = arith.constant 16 : i32
      %add3A_287 = arith.addi %mul3A_285, %add3A_286 : i32
      %get3A_288 = arith.index_cast %add3A_287 : i32 to index
      %get3A_289 = tpu.vector_load %arg6[%get3A_288] {strides = array<i32>} : memref<4096xi32, #tpu.memory_space<vmem>>, vector<16xi32>,
      %broadcast_in_dim3A_290 = arith.constant true
      %broadcast_in_dim3A_291 = vector.broadcast %broadcast_in_dim3A_290 : i1 to vector<16xi1>
      %masked_cumsum3A_292 = tpu.scan <sum>, %get3A_289 masked %broadcast_in_dim3A_291 : vector<16xi32>, vector<16xi1> -> vector<16xi32>
      %add3A_293 = vector.broadcast %squeeze3A : i32 to vector<16xi32>
      %add3A_294 = arith.addi %masked_cumsum3A_292, %add3A_293 : vector<16xi32>
      %sub3A_295 = arith.constant 1 : i32
      %sub3A_296 = vector.broadcast %sub3A_295 : i32 to vector<16xi32>
      %sub3A_297 = arith.subi %add3A_294, %sub3A_296 : vector<16xi32>
      %jit3A_298 = arith.constant 0 : i32
      %jit3A_299 = arith.constant 511 : i32
      %max3A_300 = vector.broadcast %jit3A_298 : i32 to vector<16xi32>
      %max3A_301 = arith.maxsi %max3A_300, %sub3A_297 : vector<16xi32>
      %min3A_302 = vector.broadcast %jit3A_299 : i32 to vector<16xi32>
      %min3A_303 = arith.minsi %min3A_302, %max3A_301 : vector<16xi32>
      %mul3A_304 = arith.constant 512 : i32
      %mul3A_305 = arith.muli %select_n3A, %mul3A_304 : i32
      %add3A_306 = vector.broadcast %mul3A_305 : i32 to vector<16xi32>
      %add3A_307 = arith.addi %min3A_303, %add3A_306 : vector<16xi32>
      %swap3A_308 = arith.index_cast %while3A_258 : i32 to index
      %swap3A_309 = arith.constant 16 : index
      %swap3A_310 = tpu.vector_load %arg7[%swap3A_308, %swap3A_309] {strides = array<i32>} : memref<64x64xi32, #tpu.memory_space<vmem>>, vector<16xi32>,
      tpu.vector_store %arg7[%swap3A_308, %swap3A_309], %add3A_307 {strides = array<i32>} : memref<64x64xi32, #tpu.memory_space<vmem>>, vector<16xi32>,
      %slice3A_311 = vector.extract_strided_slice %add3A_294 {offsets = [15], sizes = [1], strides = [1]} : vector<16xi32> to vector<1xi32>
      %squeeze3A_312 = vector.extract %slice3A_311[0] : i32 from vector<1xi32>
      %mul3A_313 = arith.constant 64 : i32
      %mul3A_314 = arith.muli %while3A_258, %mul3A_313 : i32
      %add3A_315 = arith.constant 32 : i32
      %add3A_316 = arith.addi %mul3A_314, %add3A_315 : i32
      %get3A_317 = arith.index_cast %add3A_316 : i32 to index
      %get3A_318 = tpu.vector_load %arg6[%get3A_317] {strides = array<i32>} : memref<4096xi32, #tpu.memory_space<vmem>>, vector<16xi32>,
      %broadcast_in_dim3A_319 = arith.constant true
      %broadcast_in_dim3A_320 = vector.broadcast %broadcast_in_dim3A_319 : i1 to vector<16xi1>
      %masked_cumsum3A_321 = tpu.scan <sum>, %get3A_318 masked %broadcast_in_dim3A_320 : vector<16xi32>, vector<16xi1> -> vector<16xi32>
      %add3A_322 = vector.broadcast %squeeze3A_312 : i32 to vector<16xi32>
      %add3A_323 = arith.addi %masked_cumsum3A_321, %add3A_322 : vector<16xi32>
      %sub3A_324 = arith.constant 1 : i32
      %sub3A_325 = vector.broadcast %sub3A_324 : i32 to vector<16xi32>
      %sub3A_326 = arith.subi %add3A_323, %sub3A_325 : vector<16xi32>
      %jit3A_327 = arith.constant 0 : i32
      %jit3A_328 = arith.constant 511 : i32
      %max3A_329 = vector.broadcast %jit3A_327 : i32 to vector<16xi32>
      %max3A_330 = arith.maxsi %max3A_329, %sub3A_326 : vector<16xi32>
      %min3A_331 = vector.broadcast %jit3A_328 : i32 to vector<16xi32>
      %min3A_332 = arith.minsi %min3A_331, %max3A_330 : vector<16xi32>
      %mul3A_333 = arith.constant 512 : i32
      %mul3A_334 = arith.muli %select_n3A, %mul3A_333 : i32
      %add3A_335 = vector.broadcast %mul3A_334 : i32 to vector<16xi32>
      %add3A_336 = arith.addi %min3A_332, %add3A_335 : vector<16xi32>
      %swap3A_337 = arith.index_cast %while3A_258 : i32 to index
      %swap3A_338 = arith.constant 32 : index
      %swap3A_339 = tpu.vector_load %arg7[%swap3A_337, %swap3A_338] {strides = array<i32>} : memref<64x64xi32, #tpu.memory_space<vmem>>, vector<16xi32>,
      tpu.vector_store %arg7[%swap3A_337, %swap3A_338], %add3A_336 {strides = array<i32>} : memref<64x64xi32, #tpu.memory_space<vmem>>, vector<16xi32>,
      %slice3A_340 = vector.extract_strided_slice %add3A_323 {offsets = [15], sizes = [1], strides = [1]} : vector<16xi32> to vector<1xi32>
      %squeeze3A_341 = vector.extract %slice3A_340[0] : i32 from vector<1xi32>
      %mul3A_342 = arith.constant 64 : i32
      %mul3A_343 = arith.muli %while3A_258, %mul3A_342 : i32
      %add3A_344 = arith.constant 48 : i32
      %add3A_345 = arith.addi %mul3A_343, %add3A_344 : i32
      %get3A_346 = arith.index_cast %add3A_345 : i32 to index
      %get3A_347 = tpu.vector_load %arg6[%get3A_346] {strides = array<i32>} : memref<4096xi32, #tpu.memory_space<vmem>>, vector<16xi32>,
      %broadcast_in_dim3A_348 = arith.constant true
      %broadcast_in_dim3A_349 = vector.broadcast %broadcast_in_dim3A_348 : i1 to vector<16xi1>
      %masked_cumsum3A_350 = tpu.scan <sum>, %get3A_347 masked %broadcast_in_dim3A_349 : vector<16xi32>, vector<16xi1> -> vector<16xi32>
      %add3A_351 = vector.broadcast %squeeze3A_341 : i32 to vector<16xi32>
      %add3A_352 = arith.addi %masked_cumsum3A_350, %add3A_351 : vector<16xi32>
      %sub3A_353 = arith.constant 1 : i32
      %sub3A_354 = vector.broadcast %sub3A_353 : i32 to vector<16xi32>
      %sub3A_355 = arith.subi %add3A_352, %sub3A_354 : vector<16xi32>
      %jit3A_356 = arith.constant 0 : i32
      %jit3A_357 = arith.constant 511 : i32
      %max3A_358 = vector.broadcast %jit3A_356 : i32 to vector<16xi32>
      %max3A_359 = arith.maxsi %max3A_358, %sub3A_355 : vector<16xi32>
      %min3A_360 = vector.broadcast %jit3A_357 : i32 to vector<16xi32>
      %min3A_361 = arith.minsi %min3A_360, %max3A_359 : vector<16xi32>
      %mul3A_362 = arith.constant 512 : i32
      %mul3A_363 = arith.muli %select_n3A, %mul3A_362 : i32
      %add3A_364 = vector.broadcast %mul3A_363 : i32 to vector<16xi32>
      %add3A_365 = arith.addi %min3A_361, %add3A_364 : vector<16xi32>
      %swap3A_366 = arith.index_cast %while3A_258 : i32 to index
      %swap3A_367 = arith.constant 48 : index
      %swap3A_368 = tpu.vector_load %arg7[%swap3A_366, %swap3A_367] {strides = array<i32>} : memref<64x64xi32, #tpu.memory_space<vmem>>, vector<16xi32>,
      tpu.vector_store %arg7[%swap3A_366, %swap3A_367], %add3A_365 {strides = array<i32>} : memref<64x64xi32, #tpu.memory_space<vmem>>, vector<16xi32>,
      %slice3A_369 = vector.extract_strided_slice %add3A_352 {offsets = [15], sizes = [1], strides = [1]} : vector<16xi32> to vector<1xi32>
      %squeeze3A_370 = vector.extract %slice3A_369[0] : i32 from vector<1xi32>
      scf.yield %squeeze3A_370 : i32
    }
    %while3A_182 = arith.constant 1 : i32
    %while3A_183 = scf.for %while3A_258 = %while3A_179 to %while3A_175 step %while3A_182 iter_args(%while3A_259 = %while3A_181) -> (i32)  : i32 {
      %mul3A_260 = arith.constant 64 : i32
      %mul3A_261 = arith.muli %while3A_258, %mul3A_260 : i32
      %add3A_262 = arith.constant 0 : i32
      %add3A_263 = arith.addi %mul3A_261, %add3A_262 : i32
      %get3A = arith.index_cast %add3A_263 : i32 to index
      %get3A_264 = tpu.vector_load %arg6[%get3A] {strides = array<i32>} : memref<4096xi32, #tpu.memory_space<vmem>>, vector<16xi32>,
      %broadcast_in_dim3A_265 = arith.constant true
      %broadcast_in_dim3A_266 = vector.broadcast %broadcast_in_dim3A_265 : i1 to vector<16xi1>
      %masked_cumsum3A = tpu.scan <sum>, %get3A_264 masked %broadcast_in_dim3A_266 : vector<16xi32>, vector<16xi1> -> vector<16xi32>
      %add3A_267 = vector.broadcast %while3A_259 : i32 to vector<16xi32>
      %add3A_268 = arith.addi %masked_cumsum3A, %add3A_267 : vector<16xi32>
      %sub3A_269 = arith.constant 1 : i32
      %sub3A_270 = vector.broadcast %sub3A_269 : i32 to vector<16xi32>
      %sub3A_271 = arith.subi %add3A_268, %sub3A_270 : vector<16xi32>
      %jit3A_272 = arith.constant 0 : i32
      %jit3A_273 = arith.constant 511 : i32
      %max3A_274 = vector.broadcast %jit3A_272 : i32 to vector<16xi32>
      %max3A_275 = arith.maxsi %max3A_274, %sub3A_271 : vector<16xi32>
      %min3A_276 = vector.broadcast %jit3A_273 : i32 to vector<16xi32>
      %min3A_277 = arith.minsi %min3A_276, %max3A_275 : vector<16xi32>
      %mul3A_278 = arith.constant 512 : i32
      %mul3A_279 = arith.muli %select_n3A, %mul3A_278 : i32
      %add3A_280 = vector.broadcast %mul3A_279 : i32 to vector<16xi32>
      %add3A_281 = arith.addi %min3A_277, %add3A_280 : vector<16xi32>
      %swap3A = arith.index_cast %while3A_258 : i32 to index
      %swap3A_282 = arith.constant 0 : index
      %swap3A_283 = tpu.vector_load %arg7[%swap3A, %swap3A_282] {strides = array<i32>} : memref<64x64xi32, #tpu.memory_space<vmem>>, vector<16xi32>,
      tpu.vector_store %arg7[%swap3A, %swap3A_282], %add3A_281 {strides = array<i32>} : memref<64x64xi32, #tpu.memory_space<vmem>>, vector<16xi32>,
      %slice3A = vector.extract_strided_slice %add3A_268 {offsets = [15], sizes = [1], strides = [1]} : vector<16xi32> to vector<1xi32>
      %squeeze3A = vector.extract %slice3A[0] : i32 from vector<1xi32>
      %mul3A_284 = arith.constant 64 : i32
      %mul3A_285 = arith.muli %while3A_258, %mul3A_284 : i32
      %add3A_286 = arith.constant 16 : i32
      %add3A_287 = arith.addi %mul3A_285, %add3A_286 : i32
      %get3A_288 = arith.index_cast %add3A_287 : i32 to index
      %get3A_289 = tpu.vector_load %arg6[%get3A_288] {strides = array<i32>} : memref<4096xi32, #tpu.memory_space<vmem>>, vector<16xi32>,
      %broadcast_in_dim3A_290 = arith.constant true
      %broadcast_in_dim3A_291 = vector.broadcast %broadcast_in_dim3A_290 : i1 to vector<16xi1>
      %masked_cumsum3A_292 = tpu.scan <sum>, %get3A_289 masked %broadcast_in_dim3A_291 : vector<16xi32>, vector<16xi1> -> vector<16xi32>
      %add3A_293 = vector.broadcast %squeeze3A : i32 to vector<16xi32>
      %add3A_294 = arith.addi %masked_cumsum3A_292, %add3A_293 : vector<16xi32>
      %sub3A_295 = arith.constant 1 : i32
      %sub3A_296 = vector.broadcast %sub3A_295 : i32 to vector<16xi32>
      %sub3A_297 = arith.subi %add3A_294, %sub3A_296 : vector<16xi32>
      %jit3A_298 = arith.constant 0 : i32
      %jit3A_299 = arith.constant 511 : i32
      %max3A_300 = vector.broadcast %jit3A_298 : i32 to vector<16xi32>
      %max3A_301 = arith.maxsi %max3A_300, %sub3A_297 : vector<16xi32>
      %min3A_302 = vector.broadcast %jit3A_299 : i32 to vector<16xi32>
      %min3A_303 = arith.minsi %min3A_302, %max3A_301 : vector<16xi32>
      %mul3A_304 = arith.constant 512 : i32
      %mul3A_305 = arith.muli %select_n3A, %mul3A_304 : i32
      %add3A_306 = vector.broadcast %mul3A_305 : i32 to vector<16xi32>
      %add3A_307 = arith.addi %min3A_303, %add3A_306 : vector<16xi32>
      %swap3A_308 = arith.index_cast %while3A_258 : i32 to index
      %swap3A_309 = arith.constant 16 : index
      %swap3A_310 = tpu.vector_load %arg7[%swap3A_308, %swap3A_309] {strides = array<i32>} : memref<64x64xi32, #tpu.memory_space<vmem>>, vector<16xi32>,
      tpu.vector_store %arg7[%swap3A_308, %swap3A_309], %add3A_307 {strides = array<i32>} : memref<64x64xi32, #tpu.memory_space<vmem>>, vector<16xi32>,
      %slice3A_311 = vector.extract_strided_slice %add3A_294 {offsets = [15], sizes = [1], strides = [1]} : vector<16xi32> to vector<1xi32>
      %squeeze3A_312 = vector.extract %slice3A_311[0] : i32 from vector<1xi32>
      %mul3A_313 = arith.constant 64 : i32
      %mul3A_314 = arith.muli %while3A_258, %mul3A_313 : i32
      %add3A_315 = arith.constant 32 : i32
      %add3A_316 = arith.addi %mul3A_314, %add3A_315 : i32
      %get3A_317 = arith.index_cast %add3A_316 : i32 to index
      %get3A_318 = tpu.vector_load %arg6[%get3A_317] {strides = array<i32>} : memref<4096xi32, #tpu.memory_space<vmem>>, vector<16xi32>,
      %broadcast_in_dim3A_319 = arith.constant true
      %broadcast_in_dim3A_320 = vector.broadcast %broadcast_in_dim3A_319 : i1 to vector<16xi1>
      %masked_cumsum3A_321 = tpu.scan <sum>, %get3A_318 masked %broadcast_in_dim3A_320 : vector<16xi32>, vector<16xi1> -> vector<16xi32>
      %add3A_322 = vector.broadcast %squeeze3A_312 : i32 to vector<16xi32>
      %add3A_323 = arith.addi %masked_cumsum3A_321, %add3A_322 : vector<16xi32>
      %sub3A_324 = arith.constant 1 : i32
      %sub3A_325 = vector.broadcast %sub3A_324 : i32 to vector<16xi32>
      %sub3A_326 = arith.subi %add3A_323, %sub3A_325 : vector<16xi32>
      %jit3A_327 = arith.constant 0 : i32
      %jit3A_328 = arith.constant 511 : i32
      %max3A_329 = vector.broadcast %jit3A_327 : i32 to vector<16xi32>
      %max3A_330 = arith.maxsi %max3A_329, %sub3A_326 : vector<16xi32>
      %min3A_331 = vector.broadcast %jit3A_328 : i32 to vector<16xi32>
      %min3A_332 = arith.minsi %min3A_331, %max3A_330 : vector<16xi32>
      %mul3A_333 = arith.constant 512 : i32
      %mul3A_334 = arith.muli %select_n3A, %mul3A_333 : i32
      %add3A_335 = vector.broadcast %mul3A_334 : i32 to vector<16xi32>
      %add3A_336 = arith.addi %min3A_332, %add3A_335 : vector<16xi32>
      %swap3A_337 = arith.index_cast %while3A_258 : i32 to index
      %swap3A_338 = arith.constant 32 : index
      %swap3A_339 = tpu.vector_load %arg7[%swap3A_337, %swap3A_338] {strides = array<i32>} : memref<64x64xi32, #tpu.memory_space<vmem>>, vector<16xi32>,
      tpu.vector_store %arg7[%swap3A_337, %swap3A_338], %add3A_336 {strides = array<i32>} : memref<64x64xi32, #tpu.memory_space<vmem>>, vector<16xi32>,
      %slice3A_340 = vector.extract_strided_slice %add3A_323 {offsets = [15], sizes = [1], strides = [1]} : vector<16xi32> to vector<1xi32>
      %squeeze3A_341 = vector.extract %slice3A_340[0] : i32 from vector<1xi32>
      %mul3A_342 = arith.constant 64 : i32
      %mul3A_343 = arith.muli %while3A_258, %mul3A_342 : i32
      %add3A_344 = arith.constant 48 : i32
      %add3A_345 = arith.addi %mul3A_343, %add3A_344 : i32
      %get3A_346 = arith.index_cast %add3A_345 : i32 to index
      %get3A_347 = tpu.vector_load %arg6[%get3A_346] {strides = array<i32>} : memref<4096xi32, #tpu.memory_space<vmem>>, vector<16xi32>,
      %broadcast_in_dim3A_348 = arith.constant true
      %broadcast_in_dim3A_349 = vector.broadcast %broadcast_in_dim3A_348 : i1 to vector<16xi1>
      %masked_cumsum3A_350 = tpu.scan <sum>, %get3A_347 masked %broadcast_in_dim3A_349 : vector<16xi32>, vector<16xi1> -> vector<16xi32>
      %add3A_351 = vector.broadcast %squeeze3A_341 : i32 to vector<16xi32>
      %add3A_352 = arith.addi %masked_cumsum3A_350, %add3A_351 : vector<16xi32>
      %sub3A_353 = arith.constant 1 : i32
      %sub3A_354 = vector.broadcast %sub3A_353 : i32 to vector<16xi32>
      %sub3A_355 = arith.subi %add3A_352, %sub3A_354 : vector<16xi32>
      %jit3A_356 = arith.constant 0 : i32
      %jit3A_357 = arith.constant 511 : i32
      %max3A_358 = vector.broadcast %jit3A_356 : i32 to vector<16xi32>
      %max3A_359 = arith.maxsi %max3A_358, %sub3A_355 : vector<16xi32>
      %min3A_360 = vector.broadcast %jit3A_357 : i32 to vector<16xi32>
      %min3A_361 = arith.minsi %min3A_360, %max3A_359 : vector<16xi32>
      %mul3A_362 = arith.constant 512 : i32
      %mul3A_363 = arith.muli %select_n3A, %mul3A_362 : i32
      %add3A_364 = vector.broadcast %mul3A_363 : i32 to vector<16xi32>
      %add3A_365 = arith.addi %min3A_361, %add3A_364 : vector<16xi32>
      %swap3A_366 = arith.index_cast %while3A_258 : i32 to index
      %swap3A_367 = arith.constant 48 : index
      %swap3A_368 = tpu.vector_load %arg7[%swap3A_366, %swap3A_367] {strides = array<i32>} : memref<64x64xi32, #tpu.memory_space<vmem>>, vector<16xi32>,
      tpu.vector_store %arg7[%swap3A_366, %swap3A_367], %add3A_365 {strides = array<i32>} : memref<64x64xi32, #tpu.memory_space<vmem>>, vector<16xi32>,
      %slice3A_369 = vector.extract_strided_slice %add3A_352 {offsets = [15], sizes = [1], strides = [1]} : vector<16xi32> to vector<1xi32>
      %squeeze3A_370 = vector.extract %slice3A_369[0] : i32 from vector<1xi32>
      scf.yield %squeeze3A_370 : i32
    }
    %gt3A = arith.constant 0 : i32
    %gt3A_184 = arith.cmpi sgt, %min3A, %gt3A : i32
    %convert_element_type3A_185 = arith.extui %gt3A_184 : i1 to i32
    %cond3A_186 = arith.constant 0 : i32
    %cond3A_187 = arith.cmpi ne, %convert_element_type3A_185, %cond3A_186 : i32
    scf.if %cond3A_187 {
      %dma_start3A_258 = arith.constant 0 : i32
      %dma_start3A_259 = arith.constant 0 : i32
      %dma_start3A_260 = arith.constant 0 : i32
      %dma_start3A_261 = arith.constant 0 : i32
      %dma_start3A_262 = tpu.memref_slice %arg8[%dma_start3A_258, %dma_start3A_260, %dma_start3A_261] : memref<3x64x512xf32, #tpu.memory_space<vmem>> -> memref<1x64x512xf32, #tpu.memory_space<vmem>>
      %dma_start3A_263 = tpu.memref_squeeze %dma_start3A_262 : memref<1x64x512xf32, #tpu.memory_space<vmem>> -> memref<64x512xf32, #tpu.memory_space<vmem>>
      %dma_start3A_264 = arith.constant 0 : i32
      %dma_start3A_265 = tpu.memref_slice %arg7[%select_n3A_30, %dma_start3A_264] : memref<64x64xi32, #tpu.memory_space<vmem>> -> memref<1x64xi32, #tpu.memory_space<vmem>>
      %dma_start3A_266 = tpu.memref_squeeze %dma_start3A_265 : memref<1x64xi32, #tpu.memory_space<vmem>> -> memref<64xi32, #tpu.memory_space<vmem>>
      %dma_start3A_267 = arith.constant 0 : i32
      %dma_start3A_268 = arith.constant 0 : i32
      %dma_start3A_269 = tpu.memref_slice %arg2[%dma_start3A_267, %dma_start3A_268] : memref<4096x512xf32, #tpu.memory_space<hbm>> -> memref<4096x512xf32, #tpu.memory_space<hbm>>
      %dma_start3A_270 = tpu.memref_slice %arg11[%dma_start3A_259] : memref<3x!tpu.dma_semaphore, #tpu.memory_space<semaphore_mem>> -> memref<1x!tpu.dma_semaphore, #tpu.memory_space<semaphore_mem>>
      %dma_start3A_271 = tpu.memref_squeeze %dma_start3A_270 : memref<1x!tpu.dma_semaphore, #tpu.memory_space<semaphore_mem>> -> memref<!tpu.dma_semaphore, #tpu.memory_space<semaphore_mem>>
      tpu.enqueue_indirect_dma source(%dma_start3A_269 : memref<4096x512xf32, #tpu.memory_space<hbm>>) target(%dma_start3A_263 : memref<64x512xf32, #tpu.memory_space<vmem>>) offsets(%dma_start3A_266 : memref<64xi32, #tpu.memory_space<vmem>>) semaphore(%dma_start3A_271 : memref<!tpu.dma_semaphore, #tpu.memory_space<semaphore_mem>>)
    } else {
    }
    %gt3A_188 = arith.constant 1 : i32
    %gt3A_189 = arith.cmpi sgt, %min3A, %gt3A_188 : i32
    %convert_element_type3A_190 = arith.extui %gt3A_189 : i1 to i32
    %cond3A_191 = arith.constant 0 : i32
    %cond3A_192 = arith.cmpi ne, %convert_element_type3A_190, %cond3A_191 : i32
    scf.if %cond3A_192 {
      %add3A_258 = arith.constant 4 : i32
      %add3A_259 = arith.addi %select_n3A_30, %add3A_258 : i32
      %dma_start3A_260 = arith.constant 1 : i32
      %dma_start3A_261 = arith.constant 1 : i32
      %dma_start3A_262 = arith.constant 0 : i32
      %dma_start3A_263 = arith.constant 0 : i32
      %dma_start3A_264 = tpu.memref_slice %arg8[%dma_start3A_260, %dma_start3A_262, %dma_start3A_263] : memref<3x64x512xf32, #tpu.memory_space<vmem>> -> memref<1x64x512xf32, #tpu.memory_space<vmem>>
      %dma_start3A_265 = tpu.memref_squeeze %dma_start3A_264 : memref<1x64x512xf32, #tpu.memory_space<vmem>> -> memref<64x512xf32, #tpu.memory_space<vmem>>
      %dma_start3A_266 = arith.constant 0 : i32
      %dma_start3A_267 = tpu.memref_slice %arg7[%add3A_259, %dma_start3A_266] : memref<64x64xi32, #tpu.memory_space<vmem>> -> memref<1x64xi32, #tpu.memory_space<vmem>>
      %dma_start3A_268 = tpu.memref_squeeze %dma_start3A_267 : memref<1x64xi32, #tpu.memory_space<vmem>> -> memref<64xi32, #tpu.memory_space<vmem>>
      %dma_start3A_269 = arith.constant 0 : i32
      %dma_start3A_270 = arith.constant 0 : i32
      %dma_start3A_271 = tpu.memref_slice %arg2[%dma_start3A_269, %dma_start3A_270] : memref<4096x512xf32, #tpu.memory_space<hbm>> -> memref<4096x512xf32, #tpu.memory_space<hbm>>
      %dma_start3A_272 = tpu.memref_slice %arg11[%dma_start3A_261] : memref<3x!tpu.dma_semaphore, #tpu.memory_space<semaphore_mem>> -> memref<1x!tpu.dma_semaphore, #tpu.memory_space<semaphore_mem>>
      %dma_start3A_273 = tpu.memref_squeeze %dma_start3A_272 : memref<1x!tpu.dma_semaphore, #tpu.memory_space<semaphore_mem>> -> memref<!tpu.dma_semaphore, #tpu.memory_space<semaphore_mem>>
      tpu.enqueue_indirect_dma source(%dma_start3A_271 : memref<4096x512xf32, #tpu.memory_space<hbm>>) target(%dma_start3A_265 : memref<64x512xf32, #tpu.memory_space<vmem>>) offsets(%dma_start3A_268 : memref<64xi32, #tpu.memory_space<vmem>>) semaphore(%dma_start3A_273 : memref<!tpu.dma_semaphore, #tpu.memory_space<semaphore_mem>>)
    } else {
    }
    %while3A_193 = arith.constant 8 : i32
    %while3A_194 = arith.subi %min3A_169, %while3A_193 : i32
    %while3A_195 = arith.addi %while3A_193, %while3A_194 : i32
    %while3A_196 = arith.constant 1 : i32
    %while3A_197 = arith.divsi %while3A_194, %while3A_196 : i32
    %while3A_198 = arith.muli %while3A_197, %while3A_196 : i32
    %while3A_199 = arith.addi %while3A_193, %while3A_198 : i32
    %while3A_200 = arith.constant 1 : i32
    %while3A_201 = scf.for %while3A_258 = %while3A_193 to %while3A_199 step %while3A_200 iter_args(%while3A_259 = %while3A_183) -> (i32)  : i32 {
      %mul3A_260 = arith.constant 64 : i32
      %mul3A_261 = arith.muli %while3A_258, %mul3A_260 : i32
      %add3A_262 = arith.constant 0 : i32
      %add3A_263 = arith.addi %mul3A_261, %add3A_262 : i32
      %get3A = arith.index_cast %add3A_263 : i32 to index
      %get3A_264 = tpu.vector_load %arg6[%get3A] {strides = array<i32>} : memref<4096xi32, #tpu.memory_space<vmem>>, vector<16xi32>,
      %broadcast_in_dim3A_265 = arith.constant true
      %broadcast_in_dim3A_266 = vector.broadcast %broadcast_in_dim3A_265 : i1 to vector<16xi1>
      %masked_cumsum3A = tpu.scan <sum>, %get3A_264 masked %broadcast_in_dim3A_266 : vector<16xi32>, vector<16xi1> -> vector<16xi32>
      %add3A_267 = vector.broadcast %while3A_259 : i32 to vector<16xi32>
      %add3A_268 = arith.addi %masked_cumsum3A, %add3A_267 : vector<16xi32>
      %sub3A_269 = arith.constant 1 : i32
      %sub3A_270 = vector.broadcast %sub3A_269 : i32 to vector<16xi32>
      %sub3A_271 = arith.subi %add3A_268, %sub3A_270 : vector<16xi32>
      %jit3A_272 = arith.constant 0 : i32
      %jit3A_273 = arith.constant 511 : i32
      %max3A_274 = vector.broadcast %jit3A_272 : i32 to vector<16xi32>
      %max3A_275 = arith.maxsi %max3A_274, %sub3A_271 : vector<16xi32>
      %min3A_276 = vector.broadcast %jit3A_273 : i32 to vector<16xi32>
      %min3A_277 = arith.minsi %min3A_276, %max3A_275 : vector<16xi32>
      %mul3A_278 = arith.constant 512 : i32
      %mul3A_279 = arith.muli %select_n3A, %mul3A_278 : i32
      %add3A_280 = vector.broadcast %mul3A_279 : i32 to vector<16xi32>
      %add3A_281 = arith.addi %min3A_277, %add3A_280 : vector<16xi32>
      %swap3A = arith.index_cast %while3A_258 : i32 to index
      %swap3A_282 = arith.constant 0 : index
      %swap3A_283 = tpu.vector_load %arg7[%swap3A, %swap3A_282] {strides = array<i32>} : memref<64x64xi32, #tpu.memory_space<vmem>>, vector<16xi32>,
      tpu.vector_store %arg7[%swap3A, %swap3A_282], %add3A_281 {strides = array<i32>} : memref<64x64xi32, #tpu.memory_space<vmem>>, vector<16xi32>,
      %slice3A = vector.extract_strided_slice %add3A_268 {offsets = [15], sizes = [1], strides = [1]} : vector<16xi32> to vector<1xi32>
      %squeeze3A = vector.extract %slice3A[0] : i32 from vector<1xi32>
      %mul3A_284 = arith.constant 64 : i32
      %mul3A_285 = arith.muli %while3A_258, %mul3A_284 : i32
      %add3A_286 = arith.constant 16 : i32
      %add3A_287 = arith.addi %mul3A_285, %add3A_286 : i32
      %get3A_288 = arith.index_cast %add3A_287 : i32 to index
      %get3A_289 = tpu.vector_load %arg6[%get3A_288] {strides = array<i32>} : memref<4096xi32, #tpu.memory_space<vmem>>, vector<16xi32>,
      %broadcast_in_dim3A_290 = arith.constant true
      %broadcast_in_dim3A_291 = vector.broadcast %broadcast_in_dim3A_290 : i1 to vector<16xi1>
      %masked_cumsum3A_292 = tpu.scan <sum>, %get3A_289 masked %broadcast_in_dim3A_291 : vector<16xi32>, vector<16xi1> -> vector<16xi32>
      %add3A_293 = vector.broadcast %squeeze3A : i32 to vector<16xi32>
      %add3A_294 = arith.addi %masked_cumsum3A_292, %add3A_293 : vector<16xi32>
      %sub3A_295 = arith.constant 1 : i32
      %sub3A_296 = vector.broadcast %sub3A_295 : i32 to vector<16xi32>
      %sub3A_297 = arith.subi %add3A_294, %sub3A_296 : vector<16xi32>
      %jit3A_298 = arith.constant 0 : i32
      %jit3A_299 = arith.constant 511 : i32
      %max3A_300 = vector.broadcast %jit3A_298 : i32 to vector<16xi32>
      %max3A_301 = arith.maxsi %max3A_300, %sub3A_297 : vector<16xi32>
      %min3A_302 = vector.broadcast %jit3A_299 : i32 to vector<16xi32>
      %min3A_303 = arith.minsi %min3A_302, %max3A_301 : vector<16xi32>
      %mul3A_304 = arith.constant 512 : i32
      %mul3A_305 = arith.muli %select_n3A, %mul3A_304 : i32
      %add3A_306 = vector.broadcast %mul3A_305 : i32 to vector<16xi32>
      %add3A_307 = arith.addi %min3A_303, %add3A_306 : vector<16xi32>
      %swap3A_308 = arith.index_cast %while3A_258 : i32 to index
      %swap3A_309 = arith.constant 16 : index
      %swap3A_310 = tpu.vector_load %arg7[%swap3A_308, %swap3A_309] {strides = array<i32>} : memref<64x64xi32, #tpu.memory_space<vmem>>, vector<16xi32>,
      tpu.vector_store %arg7[%swap3A_308, %swap3A_309], %add3A_307 {strides = array<i32>} : memref<64x64xi32, #tpu.memory_space<vmem>>, vector<16xi32>,
      %slice3A_311 = vector.extract_strided_slice %add3A_294 {offsets = [15], sizes = [1], strides = [1]} : vector<16xi32> to vector<1xi32>
      %squeeze3A_312 = vector.extract %slice3A_311[0] : i32 from vector<1xi32>
      %mul3A_313 = arith.constant 64 : i32
      %mul3A_314 = arith.muli %while3A_258, %mul3A_313 : i32
      %add3A_315 = arith.constant 32 : i32
      %add3A_316 = arith.addi %mul3A_314, %add3A_315 : i32
      %get3A_317 = arith.index_cast %add3A_316 : i32 to index
      %get3A_318 = tpu.vector_load %arg6[%get3A_317] {strides = array<i32>} : memref<4096xi32, #tpu.memory_space<vmem>>, vector<16xi32>,
      %broadcast_in_dim3A_319 = arith.constant true
      %broadcast_in_dim3A_320 = vector.broadcast %broadcast_in_dim3A_319 : i1 to vector<16xi1>
      %masked_cumsum3A_321 = tpu.scan <sum>, %get3A_318 masked %broadcast_in_dim3A_320 : vector<16xi32>, vector<16xi1> -> vector<16xi32>
      %add3A_322 = vector.broadcast %squeeze3A_312 : i32 to vector<16xi32>
      %add3A_323 = arith.addi %masked_cumsum3A_321, %add3A_322 : vector<16xi32>
      %sub3A_324 = arith.constant 1 : i32
      %sub3A_325 = vector.broadcast %sub3A_324 : i32 to vector<16xi32>
      %sub3A_326 = arith.subi %add3A_323, %sub3A_325 : vector<16xi32>
      %jit3A_327 = arith.constant 0 : i32
      %jit3A_328 = arith.constant 511 : i32
      %max3A_329 = vector.broadcast %jit3A_327 : i32 to vector<16xi32>
      %max3A_330 = arith.maxsi %max3A_329, %sub3A_326 : vector<16xi32>
      %min3A_331 = vector.broadcast %jit3A_328 : i32 to vector<16xi32>
      %min3A_332 = arith.minsi %min3A_331, %max3A_330 : vector<16xi32>
      %mul3A_333 = arith.constant 512 : i32
      %mul3A_334 = arith.muli %select_n3A, %mul3A_333 : i32
      %add3A_335 = vector.broadcast %mul3A_334 : i32 to vector<16xi32>
      %add3A_336 = arith.addi %min3A_332, %add3A_335 : vector<16xi32>
      %swap3A_337 = arith.index_cast %while3A_258 : i32 to index
      %swap3A_338 = arith.constant 32 : index
      %swap3A_339 = tpu.vector_load %arg7[%swap3A_337, %swap3A_338] {strides = array<i32>} : memref<64x64xi32, #tpu.memory_space<vmem>>, vector<16xi32>,
      tpu.vector_store %arg7[%swap3A_337, %swap3A_338], %add3A_336 {strides = array<i32>} : memref<64x64xi32, #tpu.memory_space<vmem>>, vector<16xi32>,
      %slice3A_340 = vector.extract_strided_slice %add3A_323 {offsets = [15], sizes = [1], strides = [1]} : vector<16xi32> to vector<1xi32>
      %squeeze3A_341 = vector.extract %slice3A_340[0] : i32 from vector<1xi32>
      %mul3A_342 = arith.constant 64 : i32
      %mul3A_343 = arith.muli %while3A_258, %mul3A_342 : i32
      %add3A_344 = arith.constant 48 : i32
      %add3A_345 = arith.addi %mul3A_343, %add3A_344 : i32
      %get3A_346 = arith.index_cast %add3A_345 : i32 to index
      %get3A_347 = tpu.vector_load %arg6[%get3A_346] {strides = array<i32>} : memref<4096xi32, #tpu.memory_space<vmem>>, vector<16xi32>,
      %broadcast_in_dim3A_348 = arith.constant true
      %broadcast_in_dim3A_349 = vector.broadcast %broadcast_in_dim3A_348 : i1 to vector<16xi1>
      %masked_cumsum3A_350 = tpu.scan <sum>, %get3A_347 masked %broadcast_in_dim3A_349 : vector<16xi32>, vector<16xi1> -> vector<16xi32>
      %add3A_351 = vector.broadcast %squeeze3A_341 : i32 to vector<16xi32>
      %add3A_352 = arith.addi %masked_cumsum3A_350, %add3A_351 : vector<16xi32>
      %sub3A_353 = arith.constant 1 : i32
      %sub3A_354 = vector.broadcast %sub3A_353 : i32 to vector<16xi32>
      %sub3A_355 = arith.subi %add3A_352, %sub3A_354 : vector<16xi32>
      %jit3A_356 = arith.constant 0 : i32
      %jit3A_357 = arith.constant 511 : i32
      %max3A_358 = vector.broadcast %jit3A_356 : i32 to vector<16xi32>
      %max3A_359 = arith.maxsi %max3A_358, %sub3A_355 : vector<16xi32>
      %min3A_360 = vector.broadcast %jit3A_357 : i32 to vector<16xi32>
      %min3A_361 = arith.minsi %min3A_360, %max3A_359 : vector<16xi32>
      %mul3A_362 = arith.constant 512 : i32
      %mul3A_363 = arith.muli %select_n3A, %mul3A_362 : i32
      %add3A_364 = vector.broadcast %mul3A_363 : i32 to vector<16xi32>
      %add3A_365 = arith.addi %min3A_361, %add3A_364 : vector<16xi32>
      %swap3A_366 = arith.index_cast %while3A_258 : i32 to index
      %swap3A_367 = arith.constant 48 : index
      %swap3A_368 = tpu.vector_load %arg7[%swap3A_366, %swap3A_367] {strides = array<i32>} : memref<64x64xi32, #tpu.memory_space<vmem>>, vector<16xi32>,
      tpu.vector_store %arg7[%swap3A_366, %swap3A_367], %add3A_365 {strides = array<i32>} : memref<64x64xi32, #tpu.memory_space<vmem>>, vector<16xi32>,
      %slice3A_369 = vector.extract_strided_slice %add3A_352 {offsets = [15], sizes = [1], strides = [1]} : vector<16xi32> to vector<1xi32>
      %squeeze3A_370 = vector.extract %slice3A_369[0] : i32 from vector<1xi32>
      scf.yield %squeeze3A_370 : i32
    }
    %while3A_202 = arith.constant 1 : i32
    %while3A_203 = scf.for %while3A_258 = %while3A_199 to %while3A_195 step %while3A_202 iter_args(%while3A_259 = %while3A_201) -> (i32)  : i32 {
      %mul3A_260 = arith.constant 64 : i32
      %mul3A_261 = arith.muli %while3A_258, %mul3A_260 : i32
      %add3A_262 = arith.constant 0 : i32
      %add3A_263 = arith.addi %mul3A_261, %add3A_262 : i32
      %get3A = arith.index_cast %add3A_263 : i32 to index
      %get3A_264 = tpu.vector_load %arg6[%get3A] {strides = array<i32>} : memref<4096xi32, #tpu.memory_space<vmem>>, vector<16xi32>,
      %broadcast_in_dim3A_265 = arith.constant true
      %broadcast_in_dim3A_266 = vector.broadcast %broadcast_in_dim3A_265 : i1 to vector<16xi1>
      %masked_cumsum3A = tpu.scan <sum>, %get3A_264 masked %broadcast_in_dim3A_266 : vector<16xi32>, vector<16xi1> -> vector<16xi32>
      %add3A_267 = vector.broadcast %while3A_259 : i32 to vector<16xi32>
      %add3A_268 = arith.addi %masked_cumsum3A, %add3A_267 : vector<16xi32>
      %sub3A_269 = arith.constant 1 : i32
      %sub3A_270 = vector.broadcast %sub3A_269 : i32 to vector<16xi32>
      %sub3A_271 = arith.subi %add3A_268, %sub3A_270 : vector<16xi32>
      %jit3A_272 = arith.constant 0 : i32
      %jit3A_273 = arith.constant 511 : i32
      %max3A_274 = vector.broadcast %jit3A_272 : i32 to vector<16xi32>
      %max3A_275 = arith.maxsi %max3A_274, %sub3A_271 : vector<16xi32>
      %min3A_276 = vector.broadcast %jit3A_273 : i32 to vector<16xi32>
      %min3A_277 = arith.minsi %min3A_276, %max3A_275 : vector<16xi32>
      %mul3A_278 = arith.constant 512 : i32
      %mul3A_279 = arith.muli %select_n3A, %mul3A_278 : i32
      %add3A_280 = vector.broadcast %mul3A_279 : i32 to vector<16xi32>
      %add3A_281 = arith.addi %min3A_277, %add3A_280 : vector<16xi32>
      %swap3A = arith.index_cast %while3A_258 : i32 to index
      %swap3A_282 = arith.constant 0 : index
      %swap3A_283 = tpu.vector_load %arg7[%swap3A, %swap3A_282] {strides = array<i32>} : memref<64x64xi32, #tpu.memory_space<vmem>>, vector<16xi32>,
      tpu.vector_store %arg7[%swap3A, %swap3A_282], %add3A_281 {strides = array<i32>} : memref<64x64xi32, #tpu.memory_space<vmem>>, vector<16xi32>,
      %slice3A = vector.extract_strided_slice %add3A_268 {offsets = [15], sizes = [1], strides = [1]} : vector<16xi32> to vector<1xi32>
      %squeeze3A = vector.extract %slice3A[0] : i32 from vector<1xi32>
      %mul3A_284 = arith.constant 64 : i32
      %mul3A_285 = arith.muli %while3A_258, %mul3A_284 : i32
      %add3A_286 = arith.constant 16 : i32
      %add3A_287 = arith.addi %mul3A_285, %add3A_286 : i32
      %get3A_288 = arith.index_cast %add3A_287 : i32 to index
      %get3A_289 = tpu.vector_load %arg6[%get3A_288] {strides = array<i32>} : memref<4096xi32, #tpu.memory_space<vmem>>, vector<16xi32>,
      %broadcast_in_dim3A_290 = arith.constant true
      %broadcast_in_dim3A_291 = vector.broadcast %broadcast_in_dim3A_290 : i1 to vector<16xi1>
      %masked_cumsum3A_292 = tpu.scan <sum>, %get3A_289 masked %broadcast_in_dim3A_291 : vector<16xi32>, vector<16xi1> -> vector<16xi32>
      %add3A_293 = vector.broadcast %squeeze3A : i32 to vector<16xi32>
      %add3A_294 = arith.addi %masked_cumsum3A_292, %add3A_293 : vector<16xi32>
      %sub3A_295 = arith.constant 1 : i32
      %sub3A_296 = vector.broadcast %sub3A_295 : i32 to vector<16xi32>
      %sub3A_297 = arith.subi %add3A_294, %sub3A_296 : vector<16xi32>
      %jit3A_298 = arith.constant 0 : i32
      %jit3A_299 = arith.constant 511 : i32
      %max3A_300 = vector.broadcast %jit3A_298 : i32 to vector<16xi32>
      %max3A_301 = arith.maxsi %max3A_300, %sub3A_297 : vector<16xi32>
      %min3A_302 = vector.broadcast %jit3A_299 : i32 to vector<16xi32>
      %min3A_303 = arith.minsi %min3A_302, %max3A_301 : vector<16xi32>
      %mul3A_304 = arith.constant 512 : i32
      %mul3A_305 = arith.muli %select_n3A, %mul3A_304 : i32
      %add3A_306 = vector.broadcast %mul3A_305 : i32 to vector<16xi32>
      %add3A_307 = arith.addi %min3A_303, %add3A_306 : vector<16xi32>
      %swap3A_308 = arith.index_cast %while3A_258 : i32 to index
      %swap3A_309 = arith.constant 16 : index
      %swap3A_310 = tpu.vector_load %arg7[%swap3A_308, %swap3A_309] {strides = array<i32>} : memref<64x64xi32, #tpu.memory_space<vmem>>, vector<16xi32>,
      tpu.vector_store %arg7[%swap3A_308, %swap3A_309], %add3A_307 {strides = array<i32>} : memref<64x64xi32, #tpu.memory_space<vmem>>, vector<16xi32>,
      %slice3A_311 = vector.extract_strided_slice %add3A_294 {offsets = [15], sizes = [1], strides = [1]} : vector<16xi32> to vector<1xi32>
      %squeeze3A_312 = vector.extract %slice3A_311[0] : i32 from vector<1xi32>
      %mul3A_313 = arith.constant 64 : i32
      %mul3A_314 = arith.muli %while3A_258, %mul3A_313 : i32
      %add3A_315 = arith.constant 32 : i32
      %add3A_316 = arith.addi %mul3A_314, %add3A_315 : i32
      %get3A_317 = arith.index_cast %add3A_316 : i32 to index
      %get3A_318 = tpu.vector_load %arg6[%get3A_317] {strides = array<i32>} : memref<4096xi32, #tpu.memory_space<vmem>>, vector<16xi32>,
      %broadcast_in_dim3A_319 = arith.constant true
      %broadcast_in_dim3A_320 = vector.broadcast %broadcast_in_dim3A_319 : i1 to vector<16xi1>
      %masked_cumsum3A_321 = tpu.scan <sum>, %get3A_318 masked %broadcast_in_dim3A_320 : vector<16xi32>, vector<16xi1> -> vector<16xi32>
      %add3A_322 = vector.broadcast %squeeze3A_312 : i32 to vector<16xi32>
      %add3A_323 = arith.addi %masked_cumsum3A_321, %add3A_322 : vector<16xi32>
      %sub3A_324 = arith.constant 1 : i32
      %sub3A_325 = vector.broadcast %sub3A_324 : i32 to vector<16xi32>
      %sub3A_326 = arith.subi %add3A_323, %sub3A_325 : vector<16xi32>
      %jit3A_327 = arith.constant 0 : i32
      %jit3A_328 = arith.constant 511 : i32
      %max3A_329 = vector.broadcast %jit3A_327 : i32 to vector<16xi32>
      %max3A_330 = arith.maxsi %max3A_329, %sub3A_326 : vector<16xi32>
      %min3A_331 = vector.broadcast %jit3A_328 : i32 to vector<16xi32>
      %min3A_332 = arith.minsi %min3A_331, %max3A_330 : vector<16xi32>
      %mul3A_333 = arith.constant 512 : i32
      %mul3A_334 = arith.muli %select_n3A, %mul3A_333 : i32
      %add3A_335 = vector.broadcast %mul3A_334 : i32 to vector<16xi32>
      %add3A_336 = arith.addi %min3A_332, %add3A_335 : vector<16xi32>
      %swap3A_337 = arith.index_cast %while3A_258 : i32 to index
      %swap3A_338 = arith.constant 32 : index
      %swap3A_339 = tpu.vector_load %arg7[%swap3A_337, %swap3A_338] {strides = array<i32>} : memref<64x64xi32, #tpu.memory_space<vmem>>, vector<16xi32>,
      tpu.vector_store %arg7[%swap3A_337, %swap3A_338], %add3A_336 {strides = array<i32>} : memref<64x64xi32, #tpu.memory_space<vmem>>, vector<16xi32>,
      %slice3A_340 = vector.extract_strided_slice %add3A_323 {offsets = [15], sizes = [1], strides = [1]} : vector<16xi32> to vector<1xi32>
      %squeeze3A_341 = vector.extract %slice3A_340[0] : i32 from vector<1xi32>
      %mul3A_342 = arith.constant 64 : i32
      %mul3A_343 = arith.muli %while3A_258, %mul3A_342 : i32
      %add3A_344 = arith.constant 48 : i32
      %add3A_345 = arith.addi %mul3A_343, %add3A_344 : i32
      %get3A_346 = arith.index_cast %add3A_345 : i32 to index
      %get3A_347 = tpu.vector_load %arg6[%get3A_346] {strides = array<i32>} : memref<4096xi32, #tpu.memory_space<vmem>>, vector<16xi32>,
      %broadcast_in_dim3A_348 = arith.constant true
      %broadcast_in_dim3A_349 = vector.broadcast %broadcast_in_dim3A_348 : i1 to vector<16xi1>
      %masked_cumsum3A_350 = tpu.scan <sum>, %get3A_347 masked %broadcast_in_dim3A_349 : vector<16xi32>, vector<16xi1> -> vector<16xi32>
      %add3A_351 = vector.broadcast %squeeze3A_341 : i32 to vector<16xi32>
      %add3A_352 = arith.addi %masked_cumsum3A_350, %add3A_351 : vector<16xi32>
      %sub3A_353 = arith.constant 1 : i32
      %sub3A_354 = vector.broadcast %sub3A_353 : i32 to vector<16xi32>
      %sub3A_355 = arith.subi %add3A_352, %sub3A_354 : vector<16xi32>
      %jit3A_356 = arith.constant 0 : i32
      %jit3A_357 = arith.constant 511 : i32
      %max3A_358 = vector.broadcast %jit3A_356 : i32 to vector<16xi32>
      %max3A_359 = arith.maxsi %max3A_358, %sub3A_355 : vector<16xi32>
      %min3A_360 = vector.broadcast %jit3A_357 : i32 to vector<16xi32>
      %min3A_361 = arith.minsi %min3A_360, %max3A_359 : vector<16xi32>
      %mul3A_362 = arith.constant 512 : i32
      %mul3A_363 = arith.muli %select_n3A, %mul3A_362 : i32
      %add3A_364 = vector.broadcast %mul3A_363 : i32 to vector<16xi32>
      %add3A_365 = arith.addi %min3A_361, %add3A_364 : vector<16xi32>
      %swap3A_366 = arith.index_cast %while3A_258 : i32 to index
      %swap3A_367 = arith.constant 48 : index
      %swap3A_368 = tpu.vector_load %arg7[%swap3A_366, %swap3A_367] {strides = array<i32>} : memref<64x64xi32, #tpu.memory_space<vmem>>, vector<16xi32>,
      tpu.vector_store %arg7[%swap3A_366, %swap3A_367], %add3A_365 {strides = array<i32>} : memref<64x64xi32, #tpu.memory_space<vmem>>, vector<16xi32>,
      %slice3A_369 = vector.extract_strided_slice %add3A_352 {offsets = [15], sizes = [1], strides = [1]} : vector<16xi32> to vector<1xi32>
      %squeeze3A_370 = vector.extract %slice3A_369[0] : i32 from vector<1xi32>
      scf.yield %squeeze3A_370 : i32
    }
    %while3A_204 = arith.constant 0 : i32
    %while3A_205 = arith.constant 0 : i32
    %while3A_206 = arith.subi %min3A, %while3A_204 : i32
    %while3A_207 = arith.addi %while3A_204, %while3A_206 : i32
    %while3A_208 = arith.constant 1 : i32
    %while3A_209 = arith.divsi %while3A_206, %while3A_208 : i32
    %while3A_210 = arith.muli %while3A_209, %while3A_208 : i32
    %while3A_211 = arith.addi %while3A_204, %while3A_210 : i32
    %while3A_212 = arith.constant 1 : i32
    %while3A_213 = scf.for %while3A_258 = %while3A_204 to %while3A_211 step %while3A_212 iter_args(%while3A_259 = %while3A_205) -> (i32)  : i32 {
      %mul3A_260 = arith.constant 4 : i32
      %mul3A_261 = arith.muli %while3A_258, %mul3A_260 : i32
      %add3A_262 = arith.addi %select_n3A_30, %mul3A_261 : i32
      %rem3A_263 = arith.constant 3 : i32
      %rem3A_264 = arith.remsi %while3A_258, %rem3A_263 : i32
      %dma_wait3A_265 = arith.constant 0 : i32
      %dma_wait3A_266 = arith.constant 0 : i32
      %dma_wait3A_267 = tpu.memref_slice %arg8[%rem3A_264, %dma_wait3A_265, %dma_wait3A_266] : memref<3x64x512xf32, #tpu.memory_space<vmem>> -> memref<1x64x512xf32, #tpu.memory_space<vmem>>
      %dma_wait3A_268 = tpu.memref_squeeze %dma_wait3A_267 : memref<1x64x512xf32, #tpu.memory_space<vmem>> -> memref<64x512xf32, #tpu.memory_space<vmem>>
      %dma_wait3A_269 = arith.constant 0 : i32
      %dma_wait3A_270 = tpu.memref_slice %arg7[%add3A_262, %dma_wait3A_269] : memref<64x64xi32, #tpu.memory_space<vmem>> -> memref<1x64xi32, #tpu.memory_space<vmem>>
      %dma_wait3A_271 = tpu.memref_squeeze %dma_wait3A_270 : memref<1x64xi32, #tpu.memory_space<vmem>> -> memref<64xi32, #tpu.memory_space<vmem>>
      %dma_wait3A_272 = arith.constant 0 : i32
      %dma_wait3A_273 = arith.constant 0 : i32
      %dma_wait3A_274 = tpu.memref_slice %arg2[%dma_wait3A_272, %dma_wait3A_273] : memref<4096x512xf32, #tpu.memory_space<hbm>> -> memref<4096x512xf32, #tpu.memory_space<hbm>>
      %dma_wait3A_275 = tpu.memref_slice %arg11[%rem3A_264] : memref<3x!tpu.dma_semaphore, #tpu.memory_space<semaphore_mem>> -> memref<1x!tpu.dma_semaphore, #tpu.memory_space<semaphore_mem>>
      %dma_wait3A_276 = tpu.memref_squeeze %dma_wait3A_275 : memref<1x!tpu.dma_semaphore, #tpu.memory_space<semaphore_mem>> -> memref<!tpu.dma_semaphore, #tpu.memory_space<semaphore_mem>>
      tpu.wait_indirect_dma semaphore(%dma_wait3A_276 : memref<!tpu.dma_semaphore, #tpu.memory_space<semaphore_mem>>) src(%dma_wait3A_274 : memref<4096x512xf32, #tpu.memory_space<hbm>>) dst(%dma_wait3A_268 : memref<64x512xf32, #tpu.memory_space<vmem>>)
      %mul3A_277 = arith.constant 64 : i32
      %mul3A_278 = arith.muli %add3A_262, %mul3A_277 : i32
      %sub3A_279 = arith.subi %scan3A_89, %mul3A_278 : i32
      %jit3A_280 = arith.constant 0 : i32
      %jit3A_281 = arith.constant 64 : i32
      %max3A_282 = arith.maxsi %jit3A_280, %sub3A_279 : i32
      %min3A_283 = arith.minsi %jit3A_281, %max3A_282 : i32
      %lt3A_284 = arith.constant 64 : i32
      %lt3A_285 = arith.cmpi slt, %min3A_283, %lt3A_284 : i32
      %convert_element_type3A_286 = arith.extui %lt3A_285 : i1 to i32
      %cond3A_287 = arith.constant 0 : i32
      %cond3A_288 = arith.cmpi ne, %convert_element_type3A_286, %cond3A_287 : i32
      scf.if %cond3A_288 {
        %while3A_313 = arith.constant 64 : i32
        %while3A_314 = arith.constant 0 : i32
        %while3A_315 = arith.subi %while3A_313, %min3A_283 : i32
        %while3A_316 = arith.addi %min3A_283, %while3A_315 : i32
        %while3A_317 = arith.constant 1 : i32
        %while3A_318 = arith.divsi %while3A_315, %while3A_317 : i32
        %while3A_319 = arith.muli %while3A_318, %while3A_317 : i32
        %while3A_320 = arith.addi %min3A_283, %while3A_319 : i32
        %while3A_321 = arith.constant 1 : i32
        %while3A_322 = scf.for %while3A_325 = %min3A_283 to %while3A_320 step %while3A_321 iter_args(%while3A_326 = %while3A_314) -> (i32)  : i32 {
          %broadcast_in_dim3A_327 = arith.constant 0.000000e+00 : f32
          %broadcast_in_dim3A_328 = vector.broadcast %broadcast_in_dim3A_327 : f32 to vector<16xf32>
          %swap3A = arith.index_cast %rem3A_264 : i32 to index
          %swap3A_329 = arith.index_cast %while3A_325 : i32 to index
          %swap3A_330 = arith.constant 0 : index
          %swap3A_331 = tpu.vector_load %arg8[%swap3A, %swap3A_329, %swap3A_330] {strides = array<i32>} : memref<3x64x512xf32, #tpu.memory_space<vmem>>, vector<16xf32>,
          tpu.vector_store %arg8[%swap3A, %swap3A_329, %swap3A_330], %broadcast_in_dim3A_328 {strides = array<i32>} : memref<3x64x512xf32, #tpu.memory_space<vmem>>, vector<16xf32>,
          %broadcast_in_dim3A_332 = arith.constant 0.000000e+00 : f32
          %broadcast_in_dim3A_333 = vector.broadcast %broadcast_in_dim3A_332 : f32 to vector<16xf32>
          %swap3A_334 = arith.index_cast %rem3A_264 : i32 to index
          %swap3A_335 = arith.index_cast %while3A_325 : i32 to index
          %swap3A_336 = arith.constant 16 : index
          %swap3A_337 = tpu.vector_load %arg8[%swap3A_334, %swap3A_335, %swap3A_336] {strides = array<i32>} : memref<3x64x512xf32, #tpu.memory_space<vmem>>, vector<16xf32>,
          tpu.vector_store %arg8[%swap3A_334, %swap3A_335, %swap3A_336], %broadcast_in_dim3A_333 {strides = array<i32>} : memref<3x64x512xf32, #tpu.memory_space<vmem>>, vector<16xf32>,
          %broadcast_in_dim3A_338 = arith.constant 0.000000e+00 : f32
          %broadcast_in_dim3A_339 = vector.broadcast %broadcast_in_dim3A_338 : f32 to vector<16xf32>
          %swap3A_340 = arith.index_cast %rem3A_264 : i32 to index
          %swap3A_341 = arith.index_cast %while3A_325 : i32 to index
          %swap3A_342 = arith.constant 32 : index
          %swap3A_343 = tpu.vector_load %arg8[%swap3A_340, %swap3A_341, %swap3A_342] {strides = array<i32>} : memref<3x64x512xf32, #tpu.memory_space<vmem>>, vector<16xf32>,
          tpu.vector_store %arg8[%swap3A_340, %swap3A_341, %swap3A_342], %broadcast_in_dim3A_339 {strides = array<i32>} : memref<3x64x512xf32, #tpu.memory_space<vmem>>, vector<16xf32>,
          %broadcast_in_dim3A_344 = arith.constant 0.000000e+00 : f32
          %broadcast_in_dim3A_345 = vector.broadcast %broadcast_in_dim3A_344 : f32 to vector<16xf32>
          %swap3A_346 = arith.index_cast %rem3A_264 : i32 to index
          %swap3A_347 = arith.index_cast %while3A_325 : i32 to index
          %swap3A_348 = arith.constant 48 : index
          %swap3A_349 = tpu.vector_load %arg8[%swap3A_346, %swap3A_347, %swap3A_348] {strides = array<i32>} : memref<3x64x512xf32, #tpu.memory_space<vmem>>, vector<16xf32>,
          tpu.vector_store %arg8[%swap3A_346, %swap3A_347, %swap3A_348], %broadcast_in_dim3A_345 {strides = array<i32>} : memref<3x64x512xf32, #tpu.memory_space<vmem>>, vector<16xf32>,
          %broadcast_in_dim3A_350 = arith.constant 0.000000e+00 : f32
          %broadcast_in_dim3A_351 = vector.broadcast %broadcast_in_dim3A_350 : f32 to vector<16xf32>
          %swap3A_352 = arith.index_cast %rem3A_264 : i32 to index
          %swap3A_353 = arith.index_cast %while3A_325 : i32 to index
          %swap3A_354 = arith.constant 64 : index
          %swap3A_355 = tpu.vector_load %arg8[%swap3A_352, %swap3A_353, %swap3A_354] {strides = array<i32>} : memref<3x64x512xf32, #tpu.memory_space<vmem>>, vector<16xf32>,
          tpu.vector_store %arg8[%swap3A_352, %swap3A_353, %swap3A_354], %broadcast_in_dim3A_351 {strides = array<i32>} : memref<3x64x512xf32, #tpu.memory_space<vmem>>, vector<16xf32>,
          %broadcast_in_dim3A_356 = arith.constant 0.000000e+00 : f32
          %broadcast_in_dim3A_357 = vector.broadcast %broadcast_in_dim3A_356 : f32 to vector<16xf32>
          %swap3A_358 = arith.index_cast %rem3A_264 : i32 to index
          %swap3A_359 = arith.index_cast %while3A_325 : i32 to index
          %swap3A_360 = arith.constant 80 : index
          %swap3A_361 = tpu.vector_load %arg8[%swap3A_358, %swap3A_359, %swap3A_360] {strides = array<i32>} : memref<3x64x512xf32, #tpu.memory_space<vmem>>, vector<16xf32>,
          tpu.vector_store %arg8[%swap3A_358, %swap3A_359, %swap3A_360], %broadcast_in_dim3A_357 {strides = array<i32>} : memref<3x64x512xf32, #tpu.memory_space<vmem>>, vector<16xf32>,
          %broadcast_in_dim3A_362 = arith.constant 0.000000e+00 : f32
          %broadcast_in_dim3A_363 = vector.broadcast %broadcast_in_dim3A_362 : f32 to vector<16xf32>
          %swap3A_364 = arith.index_cast %rem3A_264 : i32 to index
          %swap3A_365 = arith.index_cast %while3A_325 : i32 to index
          %swap3A_366 = arith.constant 96 : index
          %swap3A_367 = tpu.vector_load %arg8[%swap3A_364, %swap3A_365, %swap3A_366] {strides = array<i32>} : memref<3x64x512xf32, #tpu.memory_space<vmem>>, vector<16xf32>,
          tpu.vector_store %arg8[%swap3A_364, %swap3A_365, %swap3A_366], %broadcast_in_dim3A_363 {strides = array<i32>} : memref<3x64x512xf32, #tpu.memory_space<vmem>>, vector<16xf32>,
          %broadcast_in_dim3A_368 = arith.constant 0.000000e+00 : f32
          %broadcast_in_dim3A_369 = vector.broadcast %broadcast_in_dim3A_368 : f32 to vector<16xf32>
          %swap3A_370 = arith.index_cast %rem3A_264 : i32 to index
          %swap3A_371 = arith.index_cast %while3A_325 : i32 to index
          %swap3A_372 = arith.constant 112 : index
          %swap3A_373 = tpu.vector_load %arg8[%swap3A_370, %swap3A_371, %swap3A_372] {strides = array<i32>} : memref<3x64x512xf32, #tpu.memory_space<vmem>>, vector<16xf32>,
          tpu.vector_store %arg8[%swap3A_370, %swap3A_371, %swap3A_372], %broadcast_in_dim3A_369 {strides = array<i32>} : memref<3x64x512xf32, #tpu.memory_space<vmem>>, vector<16xf32>,
          %broadcast_in_dim3A_374 = arith.constant 0.000000e+00 : f32
          %broadcast_in_dim3A_375 = vector.broadcast %broadcast_in_dim3A_374 : f32 to vector<16xf32>
          %swap3A_376 = arith.index_cast %rem3A_264 : i32 to index
          %swap3A_377 = arith.index_cast %while3A_325 : i32 to index
          %swap3A_378 = arith.constant 128 : index
          %swap3A_379 = tpu.vector_load %arg8[%swap3A_376, %swap3A_377, %swap3A_378] {strides = array<i32>} : memref<3x64x512xf32, #tpu.memory_space<vmem>>, vector<16xf32>,
          tpu.vector_store %arg8[%swap3A_376, %swap3A_377, %swap3A_378], %broadcast_in_dim3A_375 {strides = array<i32>} : memref<3x64x512xf32, #tpu.memory_space<vmem>>, vector<16xf32>,
          %broadcast_in_dim3A_380 = arith.constant 0.000000e+00 : f32
          %broadcast_in_dim3A_381 = vector.broadcast %broadcast_in_dim3A_380 : f32 to vector<16xf32>
          %swap3A_382 = arith.index_cast %rem3A_264 : i32 to index
          %swap3A_383 = arith.index_cast %while3A_325 : i32 to index
          %swap3A_384 = arith.constant 144 : index
          %swap3A_385 = tpu.vector_load %arg8[%swap3A_382, %swap3A_383, %swap3A_384] {strides = array<i32>} : memref<3x64x512xf32, #tpu.memory_space<vmem>>, vector<16xf32>,
          tpu.vector_store %arg8[%swap3A_382, %swap3A_383, %swap3A_384], %broadcast_in_dim3A_381 {strides = array<i32>} : memref<3x64x512xf32, #tpu.memory_space<vmem>>, vector<16xf32>,
          %broadcast_in_dim3A_386 = arith.constant 0.000000e+00 : f32
          %broadcast_in_dim3A_387 = vector.broadcast %broadcast_in_dim3A_386 : f32 to vector<16xf32>
          %swap3A_388 = arith.index_cast %rem3A_264 : i32 to index
          %swap3A_389 = arith.index_cast %while3A_325 : i32 to index
          %swap3A_390 = arith.constant 160 : index
          %swap3A_391 = tpu.vector_load %arg8[%swap3A_388, %swap3A_389, %swap3A_390] {strides = array<i32>} : memref<3x64x512xf32, #tpu.memory_space<vmem>>, vector<16xf32>,
          tpu.vector_store %arg8[%swap3A_388, %swap3A_389, %swap3A_390], %broadcast_in_dim3A_387 {strides = array<i32>} : memref<3x64x512xf32, #tpu.memory_space<vmem>>, vector<16xf32>,
          %broadcast_in_dim3A_392 = arith.constant 0.000000e+00 : f32
          %broadcast_in_dim3A_393 = vector.broadcast %broadcast_in_dim3A_392 : f32 to vector<16xf32>
          %swap3A_394 = arith.index_cast %rem3A_264 : i32 to index
          %swap3A_395 = arith.index_cast %while3A_325 : i32 to index
          %swap3A_396 = arith.constant 176 : index
          %swap3A_397 = tpu.vector_load %arg8[%swap3A_394, %swap3A_395, %swap3A_396] {strides = array<i32>} : memref<3x64x512xf32, #tpu.memory_space<vmem>>, vector<16xf32>,
          tpu.vector_store %arg8[%swap3A_394, %swap3A_395, %swap3A_396], %broadcast_in_dim3A_393 {strides = array<i32>} : memref<3x64x512xf32, #tpu.memory_space<vmem>>, vector<16xf32>,
          %broadcast_in_dim3A_398 = arith.constant 0.000000e+00 : f32
          %broadcast_in_dim3A_399 = vector.broadcast %broadcast_in_dim3A_398 : f32 to vector<16xf32>
          %swap3A_400 = arith.index_cast %rem3A_264 : i32 to index
          %swap3A_401 = arith.index_cast %while3A_325 : i32 to index
          %swap3A_402 = arith.constant 192 : index
          %swap3A_403 = tpu.vector_load %arg8[%swap3A_400, %swap3A_401, %swap3A_402] {strides = array<i32>} : memref<3x64x512xf32, #tpu.memory_space<vmem>>, vector<16xf32>,
          tpu.vector_store %arg8[%swap3A_400, %swap3A_401, %swap3A_402], %broadcast_in_dim3A_399 {strides = array<i32>} : memref<3x64x512xf32, #tpu.memory_space<vmem>>, vector<16xf32>,
          %broadcast_in_dim3A_404 = arith.constant 0.000000e+00 : f32
          %broadcast_in_dim3A_405 = vector.broadcast %broadcast_in_dim3A_404 : f32 to vector<16xf32>
          %swap3A_406 = arith.index_cast %rem3A_264 : i32 to index
          %swap3A_407 = arith.index_cast %while3A_325 : i32 to index
          %swap3A_408 = arith.constant 208 : index
          %swap3A_409 = tpu.vector_load %arg8[%swap3A_406, %swap3A_407, %swap3A_408] {strides = array<i32>} : memref<3x64x512xf32, #tpu.memory_space<vmem>>, vector<16xf32>,
          tpu.vector_store %arg8[%swap3A_406, %swap3A_407, %swap3A_408], %broadcast_in_dim3A_405 {strides = array<i32>} : memref<3x64x512xf32, #tpu.memory_space<vmem>>, vector<16xf32>,
          %broadcast_in_dim3A_410 = arith.constant 0.000000e+00 : f32
          %broadcast_in_dim3A_411 = vector.broadcast %broadcast_in_dim3A_410 : f32 to vector<16xf32>
          %swap3A_412 = arith.index_cast %rem3A_264 : i32 to index
          %swap3A_413 = arith.index_cast %while3A_325 : i32 to index
          %swap3A_414 = arith.constant 224 : index
          %swap3A_415 = tpu.vector_load %arg8[%swap3A_412, %swap3A_413, %swap3A_414] {strides = array<i32>} : memref<3x64x512xf32, #tpu.memory_space<vmem>>, vector<16xf32>,
          tpu.vector_store %arg8[%swap3A_412, %swap3A_413, %swap3A_414], %broadcast_in_dim3A_411 {strides = array<i32>} : memref<3x64x512xf32, #tpu.memory_space<vmem>>, vector<16xf32>,
          %broadcast_in_dim3A_416 = arith.constant 0.000000e+00 : f32
          %broadcast_in_dim3A_417 = vector.broadcast %broadcast_in_dim3A_416 : f32 to vector<16xf32>
          %swap3A_418 = arith.index_cast %rem3A_264 : i32 to index
          %swap3A_419 = arith.index_cast %while3A_325 : i32 to index
          %swap3A_420 = arith.constant 240 : index
          %swap3A_421 = tpu.vector_load %arg8[%swap3A_418, %swap3A_419, %swap3A_420] {strides = array<i32>} : memref<3x64x512xf32, #tpu.memory_space<vmem>>, vector<16xf32>,
          tpu.vector_store %arg8[%swap3A_418, %swap3A_419, %swap3A_420], %broadcast_in_dim3A_417 {strides = array<i32>} : memref<3x64x512xf32, #tpu.memory_space<vmem>>, vector<16xf32>,
          %broadcast_in_dim3A_422 = arith.constant 0.000000e+00 : f32
          %broadcast_in_dim3A_423 = vector.broadcast %broadcast_in_dim3A_422 : f32 to vector<16xf32>
          %swap3A_424 = arith.index_cast %rem3A_264 : i32 to index
          %swap3A_425 = arith.index_cast %while3A_325 : i32 to index
          %swap3A_426 = arith.constant 256 : index
          %swap3A_427 = tpu.vector_load %arg8[%swap3A_424, %swap3A_425, %swap3A_426] {strides = array<i32>} : memref<3x64x512xf32, #tpu.memory_space<vmem>>, vector<16xf32>,
          tpu.vector_store %arg8[%swap3A_424, %swap3A_425, %swap3A_426], %broadcast_in_dim3A_423 {strides = array<i32>} : memref<3x64x512xf32, #tpu.memory_space<vmem>>, vector<16xf32>,
          %broadcast_in_dim3A_428 = arith.constant 0.000000e+00 : f32
          %broadcast_in_dim3A_429 = vector.broadcast %broadcast_in_dim3A_428 : f32 to vector<16xf32>
          %swap3A_430 = arith.index_cast %rem3A_264 : i32 to index
          %swap3A_431 = arith.index_cast %while3A_325 : i32 to index
          %swap3A_432 = arith.constant 272 : index
          %swap3A_433 = tpu.vector_load %arg8[%swap3A_430, %swap3A_431, %swap3A_432] {strides = array<i32>} : memref<3x64x512xf32, #tpu.memory_space<vmem>>, vector<16xf32>,
          tpu.vector_store %arg8[%swap3A_430, %swap3A_431, %swap3A_432], %broadcast_in_dim3A_429 {strides = array<i32>} : memref<3x64x512xf32, #tpu.memory_space<vmem>>, vector<16xf32>,
          %broadcast_in_dim3A_434 = arith.constant 0.000000e+00 : f32
          %broadcast_in_dim3A_435 = vector.broadcast %broadcast_in_dim3A_434 : f32 to vector<16xf32>
          %swap3A_436 = arith.index_cast %rem3A_264 : i32 to index
          %swap3A_437 = arith.index_cast %while3A_325 : i32 to index
          %swap3A_438 = arith.constant 288 : index
          %swap3A_439 = tpu.vector_load %arg8[%swap3A_436, %swap3A_437, %swap3A_438] {strides = array<i32>} : memref<3x64x512xf32, #tpu.memory_space<vmem>>, vector<16xf32>,
          tpu.vector_store %arg8[%swap3A_436, %swap3A_437, %swap3A_438], %broadcast_in_dim3A_435 {strides = array<i32>} : memref<3x64x512xf32, #tpu.memory_space<vmem>>, vector<16xf32>,
          %broadcast_in_dim3A_440 = arith.constant 0.000000e+00 : f32
          %broadcast_in_dim3A_441 = vector.broadcast %broadcast_in_dim3A_440 : f32 to vector<16xf32>
          %swap3A_442 = arith.index_cast %rem3A_264 : i32 to index
          %swap3A_443 = arith.index_cast %while3A_325 : i32 to index
          %swap3A_444 = arith.constant 304 : index
          %swap3A_445 = tpu.vector_load %arg8[%swap3A_442, %swap3A_443, %swap3A_444] {strides = array<i32>} : memref<3x64x512xf32, #tpu.memory_space<vmem>>, vector<16xf32>,
          tpu.vector_store %arg8[%swap3A_442, %swap3A_443, %swap3A_444], %broadcast_in_dim3A_441 {strides = array<i32>} : memref<3x64x512xf32, #tpu.memory_space<vmem>>, vector<16xf32>,
          %broadcast_in_dim3A_446 = arith.constant 0.000000e+00 : f32
          %broadcast_in_dim3A_447 = vector.broadcast %broadcast_in_dim3A_446 : f32 to vector<16xf32>
          %swap3A_448 = arith.index_cast %rem3A_264 : i32 to index
          %swap3A_449 = arith.index_cast %while3A_325 : i32 to index
          %swap3A_450 = arith.constant 320 : index
          %swap3A_451 = tpu.vector_load %arg8[%swap3A_448, %swap3A_449, %swap3A_450] {strides = array<i32>} : memref<3x64x512xf32, #tpu.memory_space<vmem>>, vector<16xf32>,
          tpu.vector_store %arg8[%swap3A_448, %swap3A_449, %swap3A_450], %broadcast_in_dim3A_447 {strides = array<i32>} : memref<3x64x512xf32, #tpu.memory_space<vmem>>, vector<16xf32>,
          %broadcast_in_dim3A_452 = arith.constant 0.000000e+00 : f32
          %broadcast_in_dim3A_453 = vector.broadcast %broadcast_in_dim3A_452 : f32 to vector<16xf32>
          %swap3A_454 = arith.index_cast %rem3A_264 : i32 to index
          %swap3A_455 = arith.index_cast %while3A_325 : i32 to index
          %swap3A_456 = arith.constant 336 : index
          %swap3A_457 = tpu.vector_load %arg8[%swap3A_454, %swap3A_455, %swap3A_456] {strides = array<i32>} : memref<3x64x512xf32, #tpu.memory_space<vmem>>, vector<16xf32>,
          tpu.vector_store %arg8[%swap3A_454, %swap3A_455, %swap3A_456], %broadcast_in_dim3A_453 {strides = array<i32>} : memref<3x64x512xf32, #tpu.memory_space<vmem>>, vector<16xf32>,
          %broadcast_in_dim3A_458 = arith.constant 0.000000e+00 : f32
          %broadcast_in_dim3A_459 = vector.broadcast %broadcast_in_dim3A_458 : f32 to vector<16xf32>
          %swap3A_460 = arith.index_cast %rem3A_264 : i32 to index
          %swap3A_461 = arith.index_cast %while3A_325 : i32 to index
          %swap3A_462 = arith.constant 352 : index
          %swap3A_463 = tpu.vector_load %arg8[%swap3A_460, %swap3A_461, %swap3A_462] {strides = array<i32>} : memref<3x64x512xf32, #tpu.memory_space<vmem>>, vector<16xf32>,
          tpu.vector_store %arg8[%swap3A_460, %swap3A_461, %swap3A_462], %broadcast_in_dim3A_459 {strides = array<i32>} : memref<3x64x512xf32, #tpu.memory_space<vmem>>, vector<16xf32>,
          %broadcast_in_dim3A_464 = arith.constant 0.000000e+00 : f32
          %broadcast_in_dim3A_465 = vector.broadcast %broadcast_in_dim3A_464 : f32 to vector<16xf32>
          %swap3A_466 = arith.index_cast %rem3A_264 : i32 to index
          %swap3A_467 = arith.index_cast %while3A_325 : i32 to index
          %swap3A_468 = arith.constant 368 : index
          %swap3A_469 = tpu.vector_load %arg8[%swap3A_466, %swap3A_467, %swap3A_468] {strides = array<i32>} : memref<3x64x512xf32, #tpu.memory_space<vmem>>, vector<16xf32>,
          tpu.vector_store %arg8[%swap3A_466, %swap3A_467, %swap3A_468], %broadcast_in_dim3A_465 {strides = array<i32>} : memref<3x64x512xf32, #tpu.memory_space<vmem>>, vector<16xf32>,
          %broadcast_in_dim3A_470 = arith.constant 0.000000e+00 : f32
          %broadcast_in_dim3A_471 = vector.broadcast %broadcast_in_dim3A_470 : f32 to vector<16xf32>
          %swap3A_472 = arith.index_cast %rem3A_264 : i32 to index
          %swap3A_473 = arith.index_cast %while3A_325 : i32 to index
          %swap3A_474 = arith.constant 384 : index
          %swap3A_475 = tpu.vector_load %arg8[%swap3A_472, %swap3A_473, %swap3A_474] {strides = array<i32>} : memref<3x64x512xf32, #tpu.memory_space<vmem>>, vector<16xf32>,
          tpu.vector_store %arg8[%swap3A_472, %swap3A_473, %swap3A_474], %broadcast_in_dim3A_471 {strides = array<i32>} : memref<3x64x512xf32, #tpu.memory_space<vmem>>, vector<16xf32>,
          %broadcast_in_dim3A_476 = arith.constant 0.000000e+00 : f32
          %broadcast_in_dim3A_477 = vector.broadcast %broadcast_in_dim3A_476 : f32 to vector<16xf32>
          %swap3A_478 = arith.index_cast %rem3A_264 : i32 to index
          %swap3A_479 = arith.index_cast %while3A_325 : i32 to index
          %swap3A_480 = arith.constant 400 : index
          %swap3A_481 = tpu.vector_load %arg8[%swap3A_478, %swap3A_479, %swap3A_480] {strides = array<i32>} : memref<3x64x512xf32, #tpu.memory_space<vmem>>, vector<16xf32>,
          tpu.vector_store %arg8[%swap3A_478, %swap3A_479, %swap3A_480], %broadcast_in_dim3A_477 {strides = array<i32>} : memref<3x64x512xf32, #tpu.memory_space<vmem>>, vector<16xf32>,
          %broadcast_in_dim3A_482 = arith.constant 0.000000e+00 : f32
          %broadcast_in_dim3A_483 = vector.broadcast %broadcast_in_dim3A_482 : f32 to vector<16xf32>
          %swap3A_484 = arith.index_cast %rem3A_264 : i32 to index
          %swap3A_485 = arith.index_cast %while3A_325 : i32 to index
          %swap3A_486 = arith.constant 416 : index
          %swap3A_487 = tpu.vector_load %arg8[%swap3A_484, %swap3A_485, %swap3A_486] {strides = array<i32>} : memref<3x64x512xf32, #tpu.memory_space<vmem>>, vector<16xf32>,
          tpu.vector_store %arg8[%swap3A_484, %swap3A_485, %swap3A_486], %broadcast_in_dim3A_483 {strides = array<i32>} : memref<3x64x512xf32, #tpu.memory_space<vmem>>, vector<16xf32>,
          %broadcast_in_dim3A_488 = arith.constant 0.000000e+00 : f32
          %broadcast_in_dim3A_489 = vector.broadcast %broadcast_in_dim3A_488 : f32 to vector<16xf32>
          %swap3A_490 = arith.index_cast %rem3A_264 : i32 to index
          %swap3A_491 = arith.index_cast %while3A_325 : i32 to index
          %swap3A_492 = arith.constant 432 : index
          %swap3A_493 = tpu.vector_load %arg8[%swap3A_490, %swap3A_491, %swap3A_492] {strides = array<i32>} : memref<3x64x512xf32, #tpu.memory_space<vmem>>, vector<16xf32>,
          tpu.vector_store %arg8[%swap3A_490, %swap3A_491, %swap3A_492], %broadcast_in_dim3A_489 {strides = array<i32>} : memref<3x64x512xf32, #tpu.memory_space<vmem>>, vector<16xf32>,
          %broadcast_in_dim3A_494 = arith.constant 0.000000e+00 : f32
          %broadcast_in_dim3A_495 = vector.broadcast %broadcast_in_dim3A_494 : f32 to vector<16xf32>
          %swap3A_496 = arith.index_cast %rem3A_264 : i32 to index
          %swap3A_497 = arith.index_cast %while3A_325 : i32 to index
          %swap3A_498 = arith.constant 448 : index
          %swap3A_499 = tpu.vector_load %arg8[%swap3A_496, %swap3A_497, %swap3A_498] {strides = array<i32>} : memref<3x64x512xf32, #tpu.memory_space<vmem>>, vector<16xf32>,
          tpu.vector_store %arg8[%swap3A_496, %swap3A_497, %swap3A_498], %broadcast_in_dim3A_495 {strides = array<i32>} : memref<3x64x512xf32, #tpu.memory_space<vmem>>, vector<16xf32>,
          %broadcast_in_dim3A_500 = arith.constant 0.000000e+00 : f32
          %broadcast_in_dim3A_501 = vector.broadcast %broadcast_in_dim3A_500 : f32 to vector<16xf32>
          %swap3A_502 = arith.index_cast %rem3A_264 : i32 to index
          %swap3A_503 = arith.index_cast %while3A_325 : i32 to index
          %swap3A_504 = arith.constant 464 : index
          %swap3A_505 = tpu.vector_load %arg8[%swap3A_502, %swap3A_503, %swap3A_504] {strides = array<i32>} : memref<3x64x512xf32, #tpu.memory_space<vmem>>, vector<16xf32>,
          tpu.vector_store %arg8[%swap3A_502, %swap3A_503, %swap3A_504], %broadcast_in_dim3A_501 {strides = array<i32>} : memref<3x64x512xf32, #tpu.memory_space<vmem>>, vector<16xf32>,
          %broadcast_in_dim3A_506 = arith.constant 0.000000e+00 : f32
          %broadcast_in_dim3A_507 = vector.broadcast %broadcast_in_dim3A_506 : f32 to vector<16xf32>
          %swap3A_508 = arith.index_cast %rem3A_264 : i32 to index
          %swap3A_509 = arith.index_cast %while3A_325 : i32 to index
          %swap3A_510 = arith.constant 480 : index
          %swap3A_511 = tpu.vector_load %arg8[%swap3A_508, %swap3A_509, %swap3A_510] {strides = array<i32>} : memref<3x64x512xf32, #tpu.memory_space<vmem>>, vector<16xf32>,
          tpu.vector_store %arg8[%swap3A_508, %swap3A_509, %swap3A_510], %broadcast_in_dim3A_507 {strides = array<i32>} : memref<3x64x512xf32, #tpu.memory_space<vmem>>, vector<16xf32>,
          %broadcast_in_dim3A_512 = arith.constant 0.000000e+00 : f32
          %broadcast_in_dim3A_513 = vector.broadcast %broadcast_in_dim3A_512 : f32 to vector<16xf32>
          %swap3A_514 = arith.index_cast %rem3A_264 : i32 to index
          %swap3A_515 = arith.index_cast %while3A_325 : i32 to index
          %swap3A_516 = arith.constant 496 : index
          %swap3A_517 = tpu.vector_load %arg8[%swap3A_514, %swap3A_515, %swap3A_516] {strides = array<i32>} : memref<3x64x512xf32, #tpu.memory_space<vmem>>, vector<16xf32>,
          tpu.vector_store %arg8[%swap3A_514, %swap3A_515, %swap3A_516], %broadcast_in_dim3A_513 {strides = array<i32>} : memref<3x64x512xf32, #tpu.memory_space<vmem>>, vector<16xf32>,
          %while3A_518 = arith.constant 0 : i32
          scf.yield %while3A_518 : i32
        }
        %while3A_323 = arith.constant 1 : i32
        %while3A_324 = scf.for %while3A_325 = %while3A_320 to %while3A_316 step %while3A_323 iter_args(%while3A_326 = %while3A_322) -> (i32)  : i32 {
          %broadcast_in_dim3A_327 = arith.constant 0.000000e+00 : f32
          %broadcast_in_dim3A_328 = vector.broadcast %broadcast_in_dim3A_327 : f32 to vector<16xf32>
          %swap3A = arith.index_cast %rem3A_264 : i32 to index
          %swap3A_329 = arith.index_cast %while3A_325 : i32 to index
          %swap3A_330 = arith.constant 0 : index
          %swap3A_331 = tpu.vector_load %arg8[%swap3A, %swap3A_329, %swap3A_330] {strides = array<i32>} : memref<3x64x512xf32, #tpu.memory_space<vmem>>, vector<16xf32>,
          tpu.vector_store %arg8[%swap3A, %swap3A_329, %swap3A_330], %broadcast_in_dim3A_328 {strides = array<i32>} : memref<3x64x512xf32, #tpu.memory_space<vmem>>, vector<16xf32>,
          %broadcast_in_dim3A_332 = arith.constant 0.000000e+00 : f32
          %broadcast_in_dim3A_333 = vector.broadcast %broadcast_in_dim3A_332 : f32 to vector<16xf32>
          %swap3A_334 = arith.index_cast %rem3A_264 : i32 to index
          %swap3A_335 = arith.index_cast %while3A_325 : i32 to index
          %swap3A_336 = arith.constant 16 : index
          %swap3A_337 = tpu.vector_load %arg8[%swap3A_334, %swap3A_335, %swap3A_336] {strides = array<i32>} : memref<3x64x512xf32, #tpu.memory_space<vmem>>, vector<16xf32>,
          tpu.vector_store %arg8[%swap3A_334, %swap3A_335, %swap3A_336], %broadcast_in_dim3A_333 {strides = array<i32>} : memref<3x64x512xf32, #tpu.memory_space<vmem>>, vector<16xf32>,
          %broadcast_in_dim3A_338 = arith.constant 0.000000e+00 : f32
          %broadcast_in_dim3A_339 = vector.broadcast %broadcast_in_dim3A_338 : f32 to vector<16xf32>
          %swap3A_340 = arith.index_cast %rem3A_264 : i32 to index
          %swap3A_341 = arith.index_cast %while3A_325 : i32 to index
          %swap3A_342 = arith.constant 32 : index
          %swap3A_343 = tpu.vector_load %arg8[%swap3A_340, %swap3A_341, %swap3A_342] {strides = array<i32>} : memref<3x64x512xf32, #tpu.memory_space<vmem>>, vector<16xf32>,
          tpu.vector_store %arg8[%swap3A_340, %swap3A_341, %swap3A_342], %broadcast_in_dim3A_339 {strides = array<i32>} : memref<3x64x512xf32, #tpu.memory_space<vmem>>, vector<16xf32>,
          %broadcast_in_dim3A_344 = arith.constant 0.000000e+00 : f32
          %broadcast_in_dim3A_345 = vector.broadcast %broadcast_in_dim3A_344 : f32 to vector<16xf32>
          %swap3A_346 = arith.index_cast %rem3A_264 : i32 to index
          %swap3A_347 = arith.index_cast %while3A_325 : i32 to index
          %swap3A_348 = arith.constant 48 : index
          %swap3A_349 = tpu.vector_load %arg8[%swap3A_346, %swap3A_347, %swap3A_348] {strides = array<i32>} : memref<3x64x512xf32, #tpu.memory_space<vmem>>, vector<16xf32>,
          tpu.vector_store %arg8[%swap3A_346, %swap3A_347, %swap3A_348], %broadcast_in_dim3A_345 {strides = array<i32>} : memref<3x64x512xf32, #tpu.memory_space<vmem>>, vector<16xf32>,
          %broadcast_in_dim3A_350 = arith.constant 0.000000e+00 : f32
          %broadcast_in_dim3A_351 = vector.broadcast %broadcast_in_dim3A_350 : f32 to vector<16xf32>
          %swap3A_352 = arith.index_cast %rem3A_264 : i32 to index
          %swap3A_353 = arith.index_cast %while3A_325 : i32 to index
          %swap3A_354 = arith.constant 64 : index
          %swap3A_355 = tpu.vector_load %arg8[%swap3A_352, %swap3A_353, %swap3A_354] {strides = array<i32>} : memref<3x64x512xf32, #tpu.memory_space<vmem>>, vector<16xf32>,
          tpu.vector_store %arg8[%swap3A_352, %swap3A_353, %swap3A_354], %broadcast_in_dim3A_351 {strides = array<i32>} : memref<3x64x512xf32, #tpu.memory_space<vmem>>, vector<16xf32>,
          %broadcast_in_dim3A_356 = arith.constant 0.000000e+00 : f32
          %broadcast_in_dim3A_357 = vector.broadcast %broadcast_in_dim3A_356 : f32 to vector<16xf32>
          %swap3A_358 = arith.index_cast %rem3A_264 : i32 to index
          %swap3A_359 = arith.index_cast %while3A_325 : i32 to index
          %swap3A_360 = arith.constant 80 : index
          %swap3A_361 = tpu.vector_load %arg8[%swap3A_358, %swap3A_359, %swap3A_360] {strides = array<i32>} : memref<3x64x512xf32, #tpu.memory_space<vmem>>, vector<16xf32>,
          tpu.vector_store %arg8[%swap3A_358, %swap3A_359, %swap3A_360], %broadcast_in_dim3A_357 {strides = array<i32>} : memref<3x64x512xf32, #tpu.memory_space<vmem>>, vector<16xf32>,
          %broadcast_in_dim3A_362 = arith.constant 0.000000e+00 : f32
          %broadcast_in_dim3A_363 = vector.broadcast %broadcast_in_dim3A_362 : f32 to vector<16xf32>
          %swap3A_364 = arith.index_cast %rem3A_264 : i32 to index
          %swap3A_365 = arith.index_cast %while3A_325 : i32 to index
          %swap3A_366 = arith.constant 96 : index
          %swap3A_367 = tpu.vector_load %arg8[%swap3A_364, %swap3A_365, %swap3A_366] {strides = array<i32>} : memref<3x64x512xf32, #tpu.memory_space<vmem>>, vector<16xf32>,
          tpu.vector_store %arg8[%swap3A_364, %swap3A_365, %swap3A_366], %broadcast_in_dim3A_363 {strides = array<i32>} : memref<3x64x512xf32, #tpu.memory_space<vmem>>, vector<16xf32>,
          %broadcast_in_dim3A_368 = arith.constant 0.000000e+00 : f32
          %broadcast_in_dim3A_369 = vector.broadcast %broadcast_in_dim3A_368 : f32 to vector<16xf32>
          %swap3A_370 = arith.index_cast %rem3A_264 : i32 to index
          %swap3A_371 = arith.index_cast %while3A_325 : i32 to index
          %swap3A_372 = arith.constant 112 : index
          %swap3A_373 = tpu.vector_load %arg8[%swap3A_370, %swap3A_371, %swap3A_372] {strides = array<i32>} : memref<3x64x512xf32, #tpu.memory_space<vmem>>, vector<16xf32>,
          tpu.vector_store %arg8[%swap3A_370, %swap3A_371, %swap3A_372], %broadcast_in_dim3A_369 {strides = array<i32>} : memref<3x64x512xf32, #tpu.memory_space<vmem>>, vector<16xf32>,
          %broadcast_in_dim3A_374 = arith.constant 0.000000e+00 : f32
          %broadcast_in_dim3A_375 = vector.broadcast %broadcast_in_dim3A_374 : f32 to vector<16xf32>
          %swap3A_376 = arith.index_cast %rem3A_264 : i32 to index
          %swap3A_377 = arith.index_cast %while3A_325 : i32 to index
          %swap3A_378 = arith.constant 128 : index
          %swap3A_379 = tpu.vector_load %arg8[%swap3A_376, %swap3A_377, %swap3A_378] {strides = array<i32>} : memref<3x64x512xf32, #tpu.memory_space<vmem>>, vector<16xf32>,
          tpu.vector_store %arg8[%swap3A_376, %swap3A_377, %swap3A_378], %broadcast_in_dim3A_375 {strides = array<i32>} : memref<3x64x512xf32, #tpu.memory_space<vmem>>, vector<16xf32>,
          %broadcast_in_dim3A_380 = arith.constant 0.000000e+00 : f32
          %broadcast_in_dim3A_381 = vector.broadcast %broadcast_in_dim3A_380 : f32 to vector<16xf32>
          %swap3A_382 = arith.index_cast %rem3A_264 : i32 to index
          %swap3A_383 = arith.index_cast %while3A_325 : i32 to index
          %swap3A_384 = arith.constant 144 : index
          %swap3A_385 = tpu.vector_load %arg8[%swap3A_382, %swap3A_383, %swap3A_384] {strides = array<i32>} : memref<3x64x512xf32, #tpu.memory_space<vmem>>, vector<16xf32>,
          tpu.vector_store %arg8[%swap3A_382, %swap3A_383, %swap3A_384], %broadcast_in_dim3A_381 {strides = array<i32>} : memref<3x64x512xf32, #tpu.memory_space<vmem>>, vector<16xf32>,
          %broadcast_in_dim3A_386 = arith.constant 0.000000e+00 : f32
          %broadcast_in_dim3A_387 = vector.broadcast %broadcast_in_dim3A_386 : f32 to vector<16xf32>
          %swap3A_388 = arith.index_cast %rem3A_264 : i32 to index
          %swap3A_389 = arith.index_cast %while3A_325 : i32 to index
          %swap3A_390 = arith.constant 160 : index
          %swap3A_391 = tpu.vector_load %arg8[%swap3A_388, %swap3A_389, %swap3A_390] {strides = array<i32>} : memref<3x64x512xf32, #tpu.memory_space<vmem>>, vector<16xf32>,
          tpu.vector_store %arg8[%swap3A_388, %swap3A_389, %swap3A_390], %broadcast_in_dim3A_387 {strides = array<i32>} : memref<3x64x512xf32, #tpu.memory_space<vmem>>, vector<16xf32>,
          %broadcast_in_dim3A_392 = arith.constant 0.000000e+00 : f32
          %broadcast_in_dim3A_393 = vector.broadcast %broadcast_in_dim3A_392 : f32 to vector<16xf32>
          %swap3A_394 = arith.index_cast %rem3A_264 : i32 to index
          %swap3A_395 = arith.index_cast %while3A_325 : i32 to index
          %swap3A_396 = arith.constant 176 : index
          %swap3A_397 = tpu.vector_load %arg8[%swap3A_394, %swap3A_395, %swap3A_396] {strides = array<i32>} : memref<3x64x512xf32, #tpu.memory_space<vmem>>, vector<16xf32>,
          tpu.vector_store %arg8[%swap3A_394, %swap3A_395, %swap3A_396], %broadcast_in_dim3A_393 {strides = array<i32>} : memref<3x64x512xf32, #tpu.memory_space<vmem>>, vector<16xf32>,
          %broadcast_in_dim3A_398 = arith.constant 0.000000e+00 : f32
          %broadcast_in_dim3A_399 = vector.broadcast %broadcast_in_dim3A_398 : f32 to vector<16xf32>
          %swap3A_400 = arith.index_cast %rem3A_264 : i32 to index
          %swap3A_401 = arith.index_cast %while3A_325 : i32 to index
          %swap3A_402 = arith.constant 192 : index
          %swap3A_403 = tpu.vector_load %arg8[%swap3A_400, %swap3A_401, %swap3A_402] {strides = array<i32>} : memref<3x64x512xf32, #tpu.memory_space<vmem>>, vector<16xf32>,
          tpu.vector_store %arg8[%swap3A_400, %swap3A_401, %swap3A_402], %broadcast_in_dim3A_399 {strides = array<i32>} : memref<3x64x512xf32, #tpu.memory_space<vmem>>, vector<16xf32>,
          %broadcast_in_dim3A_404 = arith.constant 0.000000e+00 : f32
          %broadcast_in_dim3A_405 = vector.broadcast %broadcast_in_dim3A_404 : f32 to vector<16xf32>
          %swap3A_406 = arith.index_cast %rem3A_264 : i32 to index
          %swap3A_407 = arith.index_cast %while3A_325 : i32 to index
          %swap3A_408 = arith.constant 208 : index
          %swap3A_409 = tpu.vector_load %arg8[%swap3A_406, %swap3A_407, %swap3A_408] {strides = array<i32>} : memref<3x64x512xf32, #tpu.memory_space<vmem>>, vector<16xf32>,
          tpu.vector_store %arg8[%swap3A_406, %swap3A_407, %swap3A_408], %broadcast_in_dim3A_405 {strides = array<i32>} : memref<3x64x512xf32, #tpu.memory_space<vmem>>, vector<16xf32>,
          %broadcast_in_dim3A_410 = arith.constant 0.000000e+00 : f32
          %broadcast_in_dim3A_411 = vector.broadcast %broadcast_in_dim3A_410 : f32 to vector<16xf32>
          %swap3A_412 = arith.index_cast %rem3A_264 : i32 to index
          %swap3A_413 = arith.index_cast %while3A_325 : i32 to index
          %swap3A_414 = arith.constant 224 : index
          %swap3A_415 = tpu.vector_load %arg8[%swap3A_412, %swap3A_413, %swap3A_414] {strides = array<i32>} : memref<3x64x512xf32, #tpu.memory_space<vmem>>, vector<16xf32>,
          tpu.vector_store %arg8[%swap3A_412, %swap3A_413, %swap3A_414], %broadcast_in_dim3A_411 {strides = array<i32>} : memref<3x64x512xf32, #tpu.memory_space<vmem>>, vector<16xf32>,
          %broadcast_in_dim3A_416 = arith.constant 0.000000e+00 : f32
          %broadcast_in_dim3A_417 = vector.broadcast %broadcast_in_dim3A_416 : f32 to vector<16xf32>
          %swap3A_418 = arith.index_cast %rem3A_264 : i32 to index
          %swap3A_419 = arith.index_cast %while3A_325 : i32 to index
          %swap3A_420 = arith.constant 240 : index
          %swap3A_421 = tpu.vector_load %arg8[%swap3A_418, %swap3A_419, %swap3A_420] {strides = array<i32>} : memref<3x64x512xf32, #tpu.memory_space<vmem>>, vector<16xf32>,
          tpu.vector_store %arg8[%swap3A_418, %swap3A_419, %swap3A_420], %broadcast_in_dim3A_417 {strides = array<i32>} : memref<3x64x512xf32, #tpu.memory_space<vmem>>, vector<16xf32>,
          %broadcast_in_dim3A_422 = arith.constant 0.000000e+00 : f32
          %broadcast_in_dim3A_423 = vector.broadcast %broadcast_in_dim3A_422 : f32 to vector<16xf32>
          %swap3A_424 = arith.index_cast %rem3A_264 : i32 to index
          %swap3A_425 = arith.index_cast %while3A_325 : i32 to index
          %swap3A_426 = arith.constant 256 : index
          %swap3A_427 = tpu.vector_load %arg8[%swap3A_424, %swap3A_425, %swap3A_426] {strides = array<i32>} : memref<3x64x512xf32, #tpu.memory_space<vmem>>, vector<16xf32>,
          tpu.vector_store %arg8[%swap3A_424, %swap3A_425, %swap3A_426], %broadcast_in_dim3A_423 {strides = array<i32>} : memref<3x64x512xf32, #tpu.memory_space<vmem>>, vector<16xf32>,
          %broadcast_in_dim3A_428 = arith.constant 0.000000e+00 : f32
          %broadcast_in_dim3A_429 = vector.broadcast %broadcast_in_dim3A_428 : f32 to vector<16xf32>
          %swap3A_430 = arith.index_cast %rem3A_264 : i32 to index
          %swap3A_431 = arith.index_cast %while3A_325 : i32 to index
          %swap3A_432 = arith.constant 272 : index
          %swap3A_433 = tpu.vector_load %arg8[%swap3A_430, %swap3A_431, %swap3A_432] {strides = array<i32>} : memref<3x64x512xf32, #tpu.memory_space<vmem>>, vector<16xf32>,
          tpu.vector_store %arg8[%swap3A_430, %swap3A_431, %swap3A_432], %broadcast_in_dim3A_429 {strides = array<i32>} : memref<3x64x512xf32, #tpu.memory_space<vmem>>, vector<16xf32>,
          %broadcast_in_dim3A_434 = arith.constant 0.000000e+00 : f32
          %broadcast_in_dim3A_435 = vector.broadcast %broadcast_in_dim3A_434 : f32 to vector<16xf32>
          %swap3A_436 = arith.index_cast %rem3A_264 : i32 to index
          %swap3A_437 = arith.index_cast %while3A_325 : i32 to index
          %swap3A_438 = arith.constant 288 : index
          %swap3A_439 = tpu.vector_load %arg8[%swap3A_436, %swap3A_437, %swap3A_438] {strides = array<i32>} : memref<3x64x512xf32, #tpu.memory_space<vmem>>, vector<16xf32>,
          tpu.vector_store %arg8[%swap3A_436, %swap3A_437, %swap3A_438], %broadcast_in_dim3A_435 {strides = array<i32>} : memref<3x64x512xf32, #tpu.memory_space<vmem>>, vector<16xf32>,
          %broadcast_in_dim3A_440 = arith.constant 0.000000e+00 : f32
          %broadcast_in_dim3A_441 = vector.broadcast %broadcast_in_dim3A_440 : f32 to vector<16xf32>
          %swap3A_442 = arith.index_cast %rem3A_264 : i32 to index
          %swap3A_443 = arith.index_cast %while3A_325 : i32 to index
          %swap3A_444 = arith.constant 304 : index
          %swap3A_445 = tpu.vector_load %arg8[%swap3A_442, %swap3A_443, %swap3A_444] {strides = array<i32>} : memref<3x64x512xf32, #tpu.memory_space<vmem>>, vector<16xf32>,
          tpu.vector_store %arg8[%swap3A_442, %swap3A_443, %swap3A_444], %broadcast_in_dim3A_441 {strides = array<i32>} : memref<3x64x512xf32, #tpu.memory_space<vmem>>, vector<16xf32>,
          %broadcast_in_dim3A_446 = arith.constant 0.000000e+00 : f32
          %broadcast_in_dim3A_447 = vector.broadcast %broadcast_in_dim3A_446 : f32 to vector<16xf32>
          %swap3A_448 = arith.index_cast %rem3A_264 : i32 to index
          %swap3A_449 = arith.index_cast %while3A_325 : i32 to index
          %swap3A_450 = arith.constant 320 : index
          %swap3A_451 = tpu.vector_load %arg8[%swap3A_448, %swap3A_449, %swap3A_450] {strides = array<i32>} : memref<3x64x512xf32, #tpu.memory_space<vmem>>, vector<16xf32>,
          tpu.vector_store %arg8[%swap3A_448, %swap3A_449, %swap3A_450], %broadcast_in_dim3A_447 {strides = array<i32>} : memref<3x64x512xf32, #tpu.memory_space<vmem>>, vector<16xf32>,
          %broadcast_in_dim3A_452 = arith.constant 0.000000e+00 : f32
          %broadcast_in_dim3A_453 = vector.broadcast %broadcast_in_dim3A_452 : f32 to vector<16xf32>
          %swap3A_454 = arith.index_cast %rem3A_264 : i32 to index
          %swap3A_455 = arith.index_cast %while3A_325 : i32 to index
          %swap3A_456 = arith.constant 336 : index
          %swap3A_457 = tpu.vector_load %arg8[%swap3A_454, %swap3A_455, %swap3A_456] {strides = array<i32>} : memref<3x64x512xf32, #tpu.memory_space<vmem>>, vector<16xf32>,
          tpu.vector_store %arg8[%swap3A_454, %swap3A_455, %swap3A_456], %broadcast_in_dim3A_453 {strides = array<i32>} : memref<3x64x512xf32, #tpu.memory_space<vmem>>, vector<16xf32>,
          %broadcast_in_dim3A_458 = arith.constant 0.000000e+00 : f32
          %broadcast_in_dim3A_459 = vector.broadcast %broadcast_in_dim3A_458 : f32 to vector<16xf32>
          %swap3A_460 = arith.index_cast %rem3A_264 : i32 to index
          %swap3A_461 = arith.index_cast %while3A_325 : i32 to index
          %swap3A_462 = arith.constant 352 : index
          %swap3A_463 = tpu.vector_load %arg8[%swap3A_460, %swap3A_461, %swap3A_462] {strides = array<i32>} : memref<3x64x512xf32, #tpu.memory_space<vmem>>, vector<16xf32>,
          tpu.vector_store %arg8[%swap3A_460, %swap3A_461, %swap3A_462], %broadcast_in_dim3A_459 {strides = array<i32>} : memref<3x64x512xf32, #tpu.memory_space<vmem>>, vector<16xf32>,
          %broadcast_in_dim3A_464 = arith.constant 0.000000e+00 : f32
          %broadcast_in_dim3A_465 = vector.broadcast %broadcast_in_dim3A_464 : f32 to vector<16xf32>
          %swap3A_466 = arith.index_cast %rem3A_264 : i32 to index
          %swap3A_467 = arith.index_cast %while3A_325 : i32 to index
          %swap3A_468 = arith.constant 368 : index
          %swap3A_469 = tpu.vector_load %arg8[%swap3A_466, %swap3A_467, %swap3A_468] {strides = array<i32>} : memref<3x64x512xf32, #tpu.memory_space<vmem>>, vector<16xf32>,
          tpu.vector_store %arg8[%swap3A_466, %swap3A_467, %swap3A_468], %broadcast_in_dim3A_465 {strides = array<i32>} : memref<3x64x512xf32, #tpu.memory_space<vmem>>, vector<16xf32>,
          %broadcast_in_dim3A_470 = arith.constant 0.000000e+00 : f32
          %broadcast_in_dim3A_471 = vector.broadcast %broadcast_in_dim3A_470 : f32 to vector<16xf32>
          %swap3A_472 = arith.index_cast %rem3A_264 : i32 to index
          %swap3A_473 = arith.index_cast %while3A_325 : i32 to index
          %swap3A_474 = arith.constant 384 : index
          %swap3A_475 = tpu.vector_load %arg8[%swap3A_472, %swap3A_473, %swap3A_474] {strides = array<i32>} : memref<3x64x512xf32, #tpu.memory_space<vmem>>, vector<16xf32>,
          tpu.vector_store %arg8[%swap3A_472, %swap3A_473, %swap3A_474], %broadcast_in_dim3A_471 {strides = array<i32>} : memref<3x64x512xf32, #tpu.memory_space<vmem>>, vector<16xf32>,
          %broadcast_in_dim3A_476 = arith.constant 0.000000e+00 : f32
          %broadcast_in_dim3A_477 = vector.broadcast %broadcast_in_dim3A_476 : f32 to vector<16xf32>
          %swap3A_478 = arith.index_cast %rem3A_264 : i32 to index
          %swap3A_479 = arith.index_cast %while3A_325 : i32 to index
          %swap3A_480 = arith.constant 400 : index
          %swap3A_481 = tpu.vector_load %arg8[%swap3A_478, %swap3A_479, %swap3A_480] {strides = array<i32>} : memref<3x64x512xf32, #tpu.memory_space<vmem>>, vector<16xf32>,
          tpu.vector_store %arg8[%swap3A_478, %swap3A_479, %swap3A_480], %broadcast_in_dim3A_477 {strides = array<i32>} : memref<3x64x512xf32, #tpu.memory_space<vmem>>, vector<16xf32>,
          %broadcast_in_dim3A_482 = arith.constant 0.000000e+00 : f32
          %broadcast_in_dim3A_483 = vector.broadcast %broadcast_in_dim3A_482 : f32 to vector<16xf32>
          %swap3A_484 = arith.index_cast %rem3A_264 : i32 to index
          %swap3A_485 = arith.index_cast %while3A_325 : i32 to index
          %swap3A_486 = arith.constant 416 : index
          %swap3A_487 = tpu.vector_load %arg8[%swap3A_484, %swap3A_485, %swap3A_486] {strides = array<i32>} : memref<3x64x512xf32, #tpu.memory_space<vmem>>, vector<16xf32>,
          tpu.vector_store %arg8[%swap3A_484, %swap3A_485, %swap3A_486], %broadcast_in_dim3A_483 {strides = array<i32>} : memref<3x64x512xf32, #tpu.memory_space<vmem>>, vector<16xf32>,
          %broadcast_in_dim3A_488 = arith.constant 0.000000e+00 : f32
          %broadcast_in_dim3A_489 = vector.broadcast %broadcast_in_dim3A_488 : f32 to vector<16xf32>
          %swap3A_490 = arith.index_cast %rem3A_264 : i32 to index
          %swap3A_491 = arith.index_cast %while3A_325 : i32 to index
          %swap3A_492 = arith.constant 432 : index
          %swap3A_493 = tpu.vector_load %arg8[%swap3A_490, %swap3A_491, %swap3A_492] {strides = array<i32>} : memref<3x64x512xf32, #tpu.memory_space<vmem>>, vector<16xf32>,
          tpu.vector_store %arg8[%swap3A_490, %swap3A_491, %swap3A_492], %broadcast_in_dim3A_489 {strides = array<i32>} : memref<3x64x512xf32, #tpu.memory_space<vmem>>, vector<16xf32>,
          %broadcast_in_dim3A_494 = arith.constant 0.000000e+00 : f32
          %broadcast_in_dim3A_495 = vector.broadcast %broadcast_in_dim3A_494 : f32 to vector<16xf32>
          %swap3A_496 = arith.index_cast %rem3A_264 : i32 to index
          %swap3A_497 = arith.index_cast %while3A_325 : i32 to index
          %swap3A_498 = arith.constant 448 : index
          %swap3A_499 = tpu.vector_load %arg8[%swap3A_496, %swap3A_497, %swap3A_498] {strides = array<i32>} : memref<3x64x512xf32, #tpu.memory_space<vmem>>, vector<16xf32>,
          tpu.vector_store %arg8[%swap3A_496, %swap3A_497, %swap3A_498], %broadcast_in_dim3A_495 {strides = array<i32>} : memref<3x64x512xf32, #tpu.memory_space<vmem>>, vector<16xf32>,
          %broadcast_in_dim3A_500 = arith.constant 0.000000e+00 : f32
          %broadcast_in_dim3A_501 = vector.broadcast %broadcast_in_dim3A_500 : f32 to vector<16xf32>
          %swap3A_502 = arith.index_cast %rem3A_264 : i32 to index
          %swap3A_503 = arith.index_cast %while3A_325 : i32 to index
          %swap3A_504 = arith.constant 464 : index
          %swap3A_505 = tpu.vector_load %arg8[%swap3A_502, %swap3A_503, %swap3A_504] {strides = array<i32>} : memref<3x64x512xf32, #tpu.memory_space<vmem>>, vector<16xf32>,
          tpu.vector_store %arg8[%swap3A_502, %swap3A_503, %swap3A_504], %broadcast_in_dim3A_501 {strides = array<i32>} : memref<3x64x512xf32, #tpu.memory_space<vmem>>, vector<16xf32>,
          %broadcast_in_dim3A_506 = arith.constant 0.000000e+00 : f32
          %broadcast_in_dim3A_507 = vector.broadcast %broadcast_in_dim3A_506 : f32 to vector<16xf32>
          %swap3A_508 = arith.index_cast %rem3A_264 : i32 to index
          %swap3A_509 = arith.index_cast %while3A_325 : i32 to index
          %swap3A_510 = arith.constant 480 : index
          %swap3A_511 = tpu.vector_load %arg8[%swap3A_508, %swap3A_509, %swap3A_510] {strides = array<i32>} : memref<3x64x512xf32, #tpu.memory_space<vmem>>, vector<16xf32>,
          tpu.vector_store %arg8[%swap3A_508, %swap3A_509, %swap3A_510], %broadcast_in_dim3A_507 {strides = array<i32>} : memref<3x64x512xf32, #tpu.memory_space<vmem>>, vector<16xf32>,
          %broadcast_in_dim3A_512 = arith.constant 0.000000e+00 : f32
          %broadcast_in_dim3A_513 = vector.broadcast %broadcast_in_dim3A_512 : f32 to vector<16xf32>
          %swap3A_514 = arith.index_cast %rem3A_264 : i32 to index
          %swap3A_515 = arith.index_cast %while3A_325 : i32 to index
          %swap3A_516 = arith.constant 496 : index
          %swap3A_517 = tpu.vector_load %arg8[%swap3A_514, %swap3A_515, %swap3A_516] {strides = array<i32>} : memref<3x64x512xf32, #tpu.memory_space<vmem>>, vector<16xf32>,
          tpu.vector_store %arg8[%swap3A_514, %swap3A_515, %swap3A_516], %broadcast_in_dim3A_513 {strides = array<i32>} : memref<3x64x512xf32, #tpu.memory_space<vmem>>, vector<16xf32>,
          %while3A_518 = arith.constant 0 : i32
          scf.yield %while3A_518 : i32
        }
      } else {
      }
      %mul3A_289 = arith.constant 64 : i32
      %mul3A_290 = arith.muli %add3A_262, %mul3A_289 : i32
      %add3A_291 = arith.addi %mul3A_32, %mul3A_290 : i32
      %dma_start3A_292 = arith.constant 0 : i32
      %dma_start3A_293 = arith.constant 0 : i32
      %dma_start3A_294 = tpu.memref_slice %arg8[%rem3A_264, %dma_start3A_292, %dma_start3A_293] : memref<3x64x512xf32, #tpu.memory_space<vmem>> -> memref<1x64x512xf32, #tpu.memory_space<vmem>>
      %dma_start3A_295 = tpu.memref_squeeze %dma_start3A_294 : memref<1x64x512xf32, #tpu.memory_space<vmem>> -> memref<64x512xf32, #tpu.memory_space<vmem>>
      %dma_start3A_296 = arith.constant 0 : i32
      %dma_start3A_297 = tpu.memref_slice %arg4[%add3A_291, %dma_start3A_296] : memref<32768x512xf32, #tpu.memory_space<hbm>> -> memref<64x512xf32, #tpu.memory_space<hbm>>
      %dma_start3A_298 = tpu.memref_slice %arg12[%rem3A_264] : memref<3x!tpu.dma_semaphore, #tpu.memory_space<semaphore_mem>> -> memref<1x!tpu.dma_semaphore, #tpu.memory_space<semaphore_mem>>
      %dma_start3A_299 = tpu.memref_squeeze %dma_start3A_298 : memref<1x!tpu.dma_semaphore, #tpu.memory_space<semaphore_mem>> -> memref<!tpu.dma_semaphore, #tpu.memory_space<semaphore_mem>>
      %dma_start3A_300 = arith.constant 0 : i32
      %dma_start3A_301 = tpu.memref_slice %arg4[%add3A_291, %dma_start3A_300] : memref<32768x512xf32, #tpu.memory_space<hbm>> -> memref<64x512xf32, #tpu.memory_space<hbm>>
      %dma_start3A_302 = arith.constant 0 : i32
      %dma_start3A_303 = arith.constant 0 : i32
      %dma_start3A_304 = tpu.memref_slice %arg8[%rem3A_264, %dma_start3A_302, %dma_start3A_303] : memref<3x64x512xf32, #tpu.memory_space<vmem>> -> memref<1x64x512xf32, #tpu.memory_space<vmem>>
      %dma_start3A_305 = tpu.memref_squeeze %dma_start3A_304 : memref<1x64x512xf32, #tpu.memory_space<vmem>> -> memref<64x512xf32, #tpu.memory_space<vmem>>
      tpu.enqueue_dma source(%dma_start3A_305 : memref<64x512xf32, #tpu.memory_space<vmem>>) target(%dma_start3A_301 : memref<64x512xf32, #tpu.memory_space<hbm>>) target_semaphore(%dma_start3A_299 : memref<!tpu.dma_semaphore, #tpu.memory_space<semaphore_mem>>)
      %add3A_306 = arith.constant 2 : i32
      %add3A_307 = arith.addi %while3A_258, %add3A_306 : i32
      %lt3A_308 = arith.cmpi slt, %add3A_307, %min3A : i32
      %convert_element_type3A_309 = arith.extui %lt3A_308 : i1 to i32
      %cond3A_310 = arith.constant 0 : i32
      %cond3A_311 = arith.cmpi ne, %convert_element_type3A_309, %cond3A_310 : i32
      scf.if %cond3A_311 {
        %add3A_313 = arith.constant 2 : i32
        %add3A_314 = arith.addi %while3A_258, %add3A_313 : i32
        %rem3A_315 = arith.constant 3 : i32
        %rem3A_316 = arith.remsi %add3A_314, %rem3A_315 : i32
        %ge3A_317 = arith.constant 1 : i32
        %ge3A_318 = arith.cmpi sge, %while3A_258, %ge3A_317 : i32
        %convert_element_type3A_319 = arith.extui %ge3A_318 : i1 to i32
        %cond3A_320 = arith.constant 0 : i32
        %cond3A_321 = arith.cmpi ne, %convert_element_type3A_319, %cond3A_320 : i32
        scf.if %cond3A_321 {
          %dma_wait3A_336 = arith.constant 0 : i32
          %dma_wait3A_337 = arith.constant 0 : i32
          %dma_wait3A_338 = tpu.memref_slice %arg8[%rem3A_316, %dma_wait3A_336, %dma_wait3A_337] : memref<3x64x512xf32, #tpu.memory_space<vmem>> -> memref<1x64x512xf32, #tpu.memory_space<vmem>>
          %dma_wait3A_339 = tpu.memref_squeeze %dma_wait3A_338 : memref<1x64x512xf32, #tpu.memory_space<vmem>> -> memref<64x512xf32, #tpu.memory_space<vmem>>
          %dma_wait3A_340 = arith.constant 0 : i32
          %dma_wait3A_341 = tpu.memref_slice %arg4[%mul3A_32, %dma_wait3A_340] : memref<32768x512xf32, #tpu.memory_space<hbm>> -> memref<64x512xf32, #tpu.memory_space<hbm>>
          %dma_wait3A_342 = tpu.memref_slice %arg12[%rem3A_316] : memref<3x!tpu.dma_semaphore, #tpu.memory_space<semaphore_mem>> -> memref<1x!tpu.dma_semaphore, #tpu.memory_space<semaphore_mem>>
          %dma_wait3A_343 = tpu.memref_squeeze %dma_wait3A_342 : memref<1x!tpu.dma_semaphore, #tpu.memory_space<semaphore_mem>> -> memref<!tpu.dma_semaphore, #tpu.memory_space<semaphore_mem>>
          %dma_wait3A_344 = arith.constant 0 : i32
          %dma_wait3A_345 = tpu.memref_slice %arg4[%mul3A_32, %dma_wait3A_344] : memref<32768x512xf32, #tpu.memory_space<hbm>> -> memref<64x512xf32, #tpu.memory_space<hbm>>
          %dma_wait3A_346 = arith.constant 0 : i32
          %dma_wait3A_347 = arith.constant 0 : i32
          %dma_wait3A_348 = tpu.memref_slice %arg8[%rem3A_316, %dma_wait3A_346, %dma_wait3A_347] : memref<3x64x512xf32, #tpu.memory_space<vmem>> -> memref<1x64x512xf32, #tpu.memory_space<vmem>>
          %dma_wait3A_349 = tpu.memref_squeeze %dma_wait3A_348 : memref<1x64x512xf32, #tpu.memory_space<vmem>> -> memref<64x512xf32, #tpu.memory_space<vmem>>
          tpu.wait_dma2 semaphore(%dma_wait3A_343 : memref<!tpu.dma_semaphore, #tpu.memory_space<semaphore_mem>>) src(%dma_wait3A_349 : memref<64x512xf32, #tpu.memory_space<vmem>>) dst(%dma_wait3A_345 : memref<64x512xf32, #tpu.memory_space<hbm>>)
        } else {
        }
        %add3A_322 = arith.constant 8 : i32
        %add3A_323 = arith.addi %add3A_262, %add3A_322 : i32
        %dma_start3A_324 = arith.constant 0 : i32
        %dma_start3A_325 = arith.constant 0 : i32
        %dma_start3A_326 = tpu.memref_slice %arg8[%rem3A_316, %dma_start3A_324, %dma_start3A_325] : memref<3x64x512xf32, #tpu.memory_space<vmem>> -> memref<1x64x512xf32, #tpu.memory_space<vmem>>
        %dma_start3A_327 = tpu.memref_squeeze %dma_start3A_326 : memref<1x64x512xf32, #tpu.memory_space<vmem>> -> memref<64x512xf32, #tpu.memory_space<vmem>>
        %dma_start3A_328 = arith.constant 0 : i32
        %dma_start3A_329 = tpu.memref_slice %arg7[%add3A_323, %dma_start3A_328] : memref<64x64xi32, #tpu.memory_space<vmem>> -> memref<1x64xi32, #tpu.memory_space<vmem>>
        %dma_start3A_330 = tpu.memref_squeeze %dma_start3A_329 : memref<1x64xi32, #tpu.memory_space<vmem>> -> memref<64xi32, #tpu.memory_space<vmem>>
        %dma_start3A_331 = arith.constant 0 : i32
        %dma_start3A_332 = arith.constant 0 : i32
        %dma_start3A_333 = tpu.memref_slice %arg2[%dma_start3A_331, %dma_start3A_332] : memref<4096x512xf32, #tpu.memory_space<hbm>> -> memref<4096x512xf32, #tpu.memory_space<hbm>>
        %dma_start3A_334 = tpu.memref_slice %arg11[%rem3A_316] : memref<3x!tpu.dma_semaphore, #tpu.memory_space<semaphore_mem>> -> memref<1x!tpu.dma_semaphore, #tpu.memory_space<semaphore_mem>>
        %dma_start3A_335 = tpu.memref_squeeze %dma_start3A_334 : memref<1x!tpu.dma_semaphore, #tpu.memory_space<semaphore_mem>> -> memref<!tpu.dma_semaphore, #tpu.memory_space<semaphore_mem>>
        tpu.enqueue_indirect_dma source(%dma_start3A_333 : memref<4096x512xf32, #tpu.memory_space<hbm>>) target(%dma_start3A_327 : memref<64x512xf32, #tpu.memory_space<vmem>>) offsets(%dma_start3A_330 : memref<64xi32, #tpu.memory_space<vmem>>) semaphore(%dma_start3A_335 : memref<!tpu.dma_semaphore, #tpu.memory_space<semaphore_mem>>)
      } else {
      }
      %while3A_312 = arith.constant 0 : i32
      scf.yield %while3A_312 : i32
    }
    %while3A_214 = arith.constant 1 : i32
    %while3A_215 = scf.for %while3A_258 = %while3A_211 to %while3A_207 step %while3A_214 iter_args(%while3A_259 = %while3A_213) -> (i32)  : i32 {
      %mul3A_260 = arith.constant 4 : i32
      %mul3A_261 = arith.muli %while3A_258, %mul3A_260 : i32
      %add3A_262 = arith.addi %select_n3A_30, %mul3A_261 : i32
      %rem3A_263 = arith.constant 3 : i32
      %rem3A_264 = arith.remsi %while3A_258, %rem3A_263 : i32
      %dma_wait3A_265 = arith.constant 0 : i32
      %dma_wait3A_266 = arith.constant 0 : i32
      %dma_wait3A_267 = tpu.memref_slice %arg8[%rem3A_264, %dma_wait3A_265, %dma_wait3A_266] : memref<3x64x512xf32, #tpu.memory_space<vmem>> -> memref<1x64x512xf32, #tpu.memory_space<vmem>>
      %dma_wait3A_268 = tpu.memref_squeeze %dma_wait3A_267 : memref<1x64x512xf32, #tpu.memory_space<vmem>> -> memref<64x512xf32, #tpu.memory_space<vmem>>
      %dma_wait3A_269 = arith.constant 0 : i32
      %dma_wait3A_270 = tpu.memref_slice %arg7[%add3A_262, %dma_wait3A_269] : memref<64x64xi32, #tpu.memory_space<vmem>> -> memref<1x64xi32, #tpu.memory_space<vmem>>
      %dma_wait3A_271 = tpu.memref_squeeze %dma_wait3A_270 : memref<1x64xi32, #tpu.memory_space<vmem>> -> memref<64xi32, #tpu.memory_space<vmem>>
      %dma_wait3A_272 = arith.constant 0 : i32
      %dma_wait3A_273 = arith.constant 0 : i32
      %dma_wait3A_274 = tpu.memref_slice %arg2[%dma_wait3A_272, %dma_wait3A_273] : memref<4096x512xf32, #tpu.memory_space<hbm>> -> memref<4096x512xf32, #tpu.memory_space<hbm>>
      %dma_wait3A_275 = tpu.memref_slice %arg11[%rem3A_264] : memref<3x!tpu.dma_semaphore, #tpu.memory_space<semaphore_mem>> -> memref<1x!tpu.dma_semaphore, #tpu.memory_space<semaphore_mem>>
      %dma_wait3A_276 = tpu.memref_squeeze %dma_wait3A_275 : memref<1x!tpu.dma_semaphore, #tpu.memory_space<semaphore_mem>> -> memref<!tpu.dma_semaphore, #tpu.memory_space<semaphore_mem>>
      tpu.wait_indirect_dma semaphore(%dma_wait3A_276 : memref<!tpu.dma_semaphore, #tpu.memory_space<semaphore_mem>>) src(%dma_wait3A_274 : memref<4096x512xf32, #tpu.memory_space<hbm>>) dst(%dma_wait3A_268 : memref<64x512xf32, #tpu.memory_space<vmem>>)
      %mul3A_277 = arith.constant 64 : i32
      %mul3A_278 = arith.muli %add3A_262, %mul3A_277 : i32
      %sub3A_279 = arith.subi %scan3A_89, %mul3A_278 : i32
      %jit3A_280 = arith.constant 0 : i32
      %jit3A_281 = arith.constant 64 : i32
      %max3A_282 = arith.maxsi %jit3A_280, %sub3A_279 : i32
      %min3A_283 = arith.minsi %jit3A_281, %max3A_282 : i32
      %lt3A_284 = arith.constant 64 : i32
      %lt3A_285 = arith.cmpi slt, %min3A_283, %lt3A_284 : i32
      %convert_element_type3A_286 = arith.extui %lt3A_285 : i1 to i32
      %cond3A_287 = arith.constant 0 : i32
      %cond3A_288 = arith.cmpi ne, %convert_element_type3A_286, %cond3A_287 : i32
      scf.if %cond3A_288 {
        %while3A_313 = arith.constant 64 : i32
        %while3A_314 = arith.constant 0 : i32
        %while3A_315 = arith.subi %while3A_313, %min3A_283 : i32
        %while3A_316 = arith.addi %min3A_283, %while3A_315 : i32
        %while3A_317 = arith.constant 1 : i32
        %while3A_318 = arith.divsi %while3A_315, %while3A_317 : i32
        %while3A_319 = arith.muli %while3A_318, %while3A_317 : i32
        %while3A_320 = arith.addi %min3A_283, %while3A_319 : i32
        %while3A_321 = arith.constant 1 : i32
        %while3A_322 = scf.for %while3A_325 = %min3A_283 to %while3A_320 step %while3A_321 iter_args(%while3A_326 = %while3A_314) -> (i32)  : i32 {
          %broadcast_in_dim3A_327 = arith.constant 0.000000e+00 : f32
          %broadcast_in_dim3A_328 = vector.broadcast %broadcast_in_dim3A_327 : f32 to vector<16xf32>
          %swap3A = arith.index_cast %rem3A_264 : i32 to index
          %swap3A_329 = arith.index_cast %while3A_325 : i32 to index
          %swap3A_330 = arith.constant 0 : index
          %swap3A_331 = tpu.vector_load %arg8[%swap3A, %swap3A_329, %swap3A_330] {strides = array<i32>} : memref<3x64x512xf32, #tpu.memory_space<vmem>>, vector<16xf32>,
          tpu.vector_store %arg8[%swap3A, %swap3A_329, %swap3A_330], %broadcast_in_dim3A_328 {strides = array<i32>} : memref<3x64x512xf32, #tpu.memory_space<vmem>>, vector<16xf32>,
          %broadcast_in_dim3A_332 = arith.constant 0.000000e+00 : f32
          %broadcast_in_dim3A_333 = vector.broadcast %broadcast_in_dim3A_332 : f32 to vector<16xf32>
          %swap3A_334 = arith.index_cast %rem3A_264 : i32 to index
          %swap3A_335 = arith.index_cast %while3A_325 : i32 to index
          %swap3A_336 = arith.constant 16 : index
          %swap3A_337 = tpu.vector_load %arg8[%swap3A_334, %swap3A_335, %swap3A_336] {strides = array<i32>} : memref<3x64x512xf32, #tpu.memory_space<vmem>>, vector<16xf32>,
          tpu.vector_store %arg8[%swap3A_334, %swap3A_335, %swap3A_336], %broadcast_in_dim3A_333 {strides = array<i32>} : memref<3x64x512xf32, #tpu.memory_space<vmem>>, vector<16xf32>,
          %broadcast_in_dim3A_338 = arith.constant 0.000000e+00 : f32
          %broadcast_in_dim3A_339 = vector.broadcast %broadcast_in_dim3A_338 : f32 to vector<16xf32>
          %swap3A_340 = arith.index_cast %rem3A_264 : i32 to index
          %swap3A_341 = arith.index_cast %while3A_325 : i32 to index
          %swap3A_342 = arith.constant 32 : index
          %swap3A_343 = tpu.vector_load %arg8[%swap3A_340, %swap3A_341, %swap3A_342] {strides = array<i32>} : memref<3x64x512xf32, #tpu.memory_space<vmem>>, vector<16xf32>,
          tpu.vector_store %arg8[%swap3A_340, %swap3A_341, %swap3A_342], %broadcast_in_dim3A_339 {strides = array<i32>} : memref<3x64x512xf32, #tpu.memory_space<vmem>>, vector<16xf32>,
          %broadcast_in_dim3A_344 = arith.constant 0.000000e+00 : f32
          %broadcast_in_dim3A_345 = vector.broadcast %broadcast_in_dim3A_344 : f32 to vector<16xf32>
          %swap3A_346 = arith.index_cast %rem3A_264 : i32 to index
          %swap3A_347 = arith.index_cast %while3A_325 : i32 to index
          %swap3A_348 = arith.constant 48 : index
          %swap3A_349 = tpu.vector_load %arg8[%swap3A_346, %swap3A_347, %swap3A_348] {strides = array<i32>} : memref<3x64x512xf32, #tpu.memory_space<vmem>>, vector<16xf32>,
          tpu.vector_store %arg8[%swap3A_346, %swap3A_347, %swap3A_348], %broadcast_in_dim3A_345 {strides = array<i32>} : memref<3x64x512xf32, #tpu.memory_space<vmem>>, vector<16xf32>,
          %broadcast_in_dim3A_350 = arith.constant 0.000000e+00 : f32
          %broadcast_in_dim3A_351 = vector.broadcast %broadcast_in_dim3A_350 : f32 to vector<16xf32>
          %swap3A_352 = arith.index_cast %rem3A_264 : i32 to index
          %swap3A_353 = arith.index_cast %while3A_325 : i32 to index
          %swap3A_354 = arith.constant 64 : index
          %swap3A_355 = tpu.vector_load %arg8[%swap3A_352, %swap3A_353, %swap3A_354] {strides = array<i32>} : memref<3x64x512xf32, #tpu.memory_space<vmem>>, vector<16xf32>,
          tpu.vector_store %arg8[%swap3A_352, %swap3A_353, %swap3A_354], %broadcast_in_dim3A_351 {strides = array<i32>} : memref<3x64x512xf32, #tpu.memory_space<vmem>>, vector<16xf32>,
          %broadcast_in_dim3A_356 = arith.constant 0.000000e+00 : f32
          %broadcast_in_dim3A_357 = vector.broadcast %broadcast_in_dim3A_356 : f32 to vector<16xf32>
          %swap3A_358 = arith.index_cast %rem3A_264 : i32 to index
          %swap3A_359 = arith.index_cast %while3A_325 : i32 to index
          %swap3A_360 = arith.constant 80 : index
          %swap3A_361 = tpu.vector_load %arg8[%swap3A_358, %swap3A_359, %swap3A_360] {strides = array<i32>} : memref<3x64x512xf32, #tpu.memory_space<vmem>>, vector<16xf32>,
          tpu.vector_store %arg8[%swap3A_358, %swap3A_359, %swap3A_360], %broadcast_in_dim3A_357 {strides = array<i32>} : memref<3x64x512xf32, #tpu.memory_space<vmem>>, vector<16xf32>,
          %broadcast_in_dim3A_362 = arith.constant 0.000000e+00 : f32
          %broadcast_in_dim3A_363 = vector.broadcast %broadcast_in_dim3A_362 : f32 to vector<16xf32>
          %swap3A_364 = arith.index_cast %rem3A_264 : i32 to index
          %swap3A_365 = arith.index_cast %while3A_325 : i32 to index
          %swap3A_366 = arith.constant 96 : index
          %swap3A_367 = tpu.vector_load %arg8[%swap3A_364, %swap3A_365, %swap3A_366] {strides = array<i32>} : memref<3x64x512xf32, #tpu.memory_space<vmem>>, vector<16xf32>,
          tpu.vector_store %arg8[%swap3A_364, %swap3A_365, %swap3A_366], %broadcast_in_dim3A_363 {strides = array<i32>} : memref<3x64x512xf32, #tpu.memory_space<vmem>>, vector<16xf32>,
          %broadcast_in_dim3A_368 = arith.constant 0.000000e+00 : f32
          %broadcast_in_dim3A_369 = vector.broadcast %broadcast_in_dim3A_368 : f32 to vector<16xf32>
          %swap3A_370 = arith.index_cast %rem3A_264 : i32 to index
          %swap3A_371 = arith.index_cast %while3A_325 : i32 to index
          %swap3A_372 = arith.constant 112 : index
          %swap3A_373 = tpu.vector_load %arg8[%swap3A_370, %swap3A_371, %swap3A_372] {strides = array<i32>} : memref<3x64x512xf32, #tpu.memory_space<vmem>>, vector<16xf32>,
          tpu.vector_store %arg8[%swap3A_370, %swap3A_371, %swap3A_372], %broadcast_in_dim3A_369 {strides = array<i32>} : memref<3x64x512xf32, #tpu.memory_space<vmem>>, vector<16xf32>,
          %broadcast_in_dim3A_374 = arith.constant 0.000000e+00 : f32
          %broadcast_in_dim3A_375 = vector.broadcast %broadcast_in_dim3A_374 : f32 to vector<16xf32>
          %swap3A_376 = arith.index_cast %rem3A_264 : i32 to index
          %swap3A_377 = arith.index_cast %while3A_325 : i32 to index
          %swap3A_378 = arith.constant 128 : index
          %swap3A_379 = tpu.vector_load %arg8[%swap3A_376, %swap3A_377, %swap3A_378] {strides = array<i32>} : memref<3x64x512xf32, #tpu.memory_space<vmem>>, vector<16xf32>,
          tpu.vector_store %arg8[%swap3A_376, %swap3A_377, %swap3A_378], %broadcast_in_dim3A_375 {strides = array<i32>} : memref<3x64x512xf32, #tpu.memory_space<vmem>>, vector<16xf32>,
          %broadcast_in_dim3A_380 = arith.constant 0.000000e+00 : f32
          %broadcast_in_dim3A_381 = vector.broadcast %broadcast_in_dim3A_380 : f32 to vector<16xf32>
          %swap3A_382 = arith.index_cast %rem3A_264 : i32 to index
          %swap3A_383 = arith.index_cast %while3A_325 : i32 to index
          %swap3A_384 = arith.constant 144 : index
          %swap3A_385 = tpu.vector_load %arg8[%swap3A_382, %swap3A_383, %swap3A_384] {strides = array<i32>} : memref<3x64x512xf32, #tpu.memory_space<vmem>>, vector<16xf32>,
          tpu.vector_store %arg8[%swap3A_382, %swap3A_383, %swap3A_384], %broadcast_in_dim3A_381 {strides = array<i32>} : memref<3x64x512xf32, #tpu.memory_space<vmem>>, vector<16xf32>,
          %broadcast_in_dim3A_386 = arith.constant 0.000000e+00 : f32
          %broadcast_in_dim3A_387 = vector.broadcast %broadcast_in_dim3A_386 : f32 to vector<16xf32>
          %swap3A_388 = arith.index_cast %rem3A_264 : i32 to index
          %swap3A_389 = arith.index_cast %while3A_325 : i32 to index
          %swap3A_390 = arith.constant 160 : index
          %swap3A_391 = tpu.vector_load %arg8[%swap3A_388, %swap3A_389, %swap3A_390] {strides = array<i32>} : memref<3x64x512xf32, #tpu.memory_space<vmem>>, vector<16xf32>,
          tpu.vector_store %arg8[%swap3A_388, %swap3A_389, %swap3A_390], %broadcast_in_dim3A_387 {strides = array<i32>} : memref<3x64x512xf32, #tpu.memory_space<vmem>>, vector<16xf32>,
          %broadcast_in_dim3A_392 = arith.constant 0.000000e+00 : f32
          %broadcast_in_dim3A_393 = vector.broadcast %broadcast_in_dim3A_392 : f32 to vector<16xf32>
          %swap3A_394 = arith.index_cast %rem3A_264 : i32 to index
          %swap3A_395 = arith.index_cast %while3A_325 : i32 to index
          %swap3A_396 = arith.constant 176 : index
          %swap3A_397 = tpu.vector_load %arg8[%swap3A_394, %swap3A_395, %swap3A_396] {strides = array<i32>} : memref<3x64x512xf32, #tpu.memory_space<vmem>>, vector<16xf32>,
          tpu.vector_store %arg8[%swap3A_394, %swap3A_395, %swap3A_396], %broadcast_in_dim3A_393 {strides = array<i32>} : memref<3x64x512xf32, #tpu.memory_space<vmem>>, vector<16xf32>,
          %broadcast_in_dim3A_398 = arith.constant 0.000000e+00 : f32
          %broadcast_in_dim3A_399 = vector.broadcast %broadcast_in_dim3A_398 : f32 to vector<16xf32>
          %swap3A_400 = arith.index_cast %rem3A_264 : i32 to index
          %swap3A_401 = arith.index_cast %while3A_325 : i32 to index
          %swap3A_402 = arith.constant 192 : index
          %swap3A_403 = tpu.vector_load %arg8[%swap3A_400, %swap3A_401, %swap3A_402] {strides = array<i32>} : memref<3x64x512xf32, #tpu.memory_space<vmem>>, vector<16xf32>,
          tpu.vector_store %arg8[%swap3A_400, %swap3A_401, %swap3A_402], %broadcast_in_dim3A_399 {strides = array<i32>} : memref<3x64x512xf32, #tpu.memory_space<vmem>>, vector<16xf32>,
          %broadcast_in_dim3A_404 = arith.constant 0.000000e+00 : f32
          %broadcast_in_dim3A_405 = vector.broadcast %broadcast_in_dim3A_404 : f32 to vector<16xf32>
          %swap3A_406 = arith.index_cast %rem3A_264 : i32 to index
          %swap3A_407 = arith.index_cast %while3A_325 : i32 to index
          %swap3A_408 = arith.constant 208 : index
          %swap3A_409 = tpu.vector_load %arg8[%swap3A_406, %swap3A_407, %swap3A_408] {strides = array<i32>} : memref<3x64x512xf32, #tpu.memory_space<vmem>>, vector<16xf32>,
          tpu.vector_store %arg8[%swap3A_406, %swap3A_407, %swap3A_408], %broadcast_in_dim3A_405 {strides = array<i32>} : memref<3x64x512xf32, #tpu.memory_space<vmem>>, vector<16xf32>,
          %broadcast_in_dim3A_410 = arith.constant 0.000000e+00 : f32
          %broadcast_in_dim3A_411 = vector.broadcast %broadcast_in_dim3A_410 : f32 to vector<16xf32>
          %swap3A_412 = arith.index_cast %rem3A_264 : i32 to index
          %swap3A_413 = arith.index_cast %while3A_325 : i32 to index
          %swap3A_414 = arith.constant 224 : index
          %swap3A_415 = tpu.vector_load %arg8[%swap3A_412, %swap3A_413, %swap3A_414] {strides = array<i32>} : memref<3x64x512xf32, #tpu.memory_space<vmem>>, vector<16xf32>,
          tpu.vector_store %arg8[%swap3A_412, %swap3A_413, %swap3A_414], %broadcast_in_dim3A_411 {strides = array<i32>} : memref<3x64x512xf32, #tpu.memory_space<vmem>>, vector<16xf32>,
          %broadcast_in_dim3A_416 = arith.constant 0.000000e+00 : f32
          %broadcast_in_dim3A_417 = vector.broadcast %broadcast_in_dim3A_416 : f32 to vector<16xf32>
          %swap3A_418 = arith.index_cast %rem3A_264 : i32 to index
          %swap3A_419 = arith.index_cast %while3A_325 : i32 to index
          %swap3A_420 = arith.constant 240 : index
          %swap3A_421 = tpu.vector_load %arg8[%swap3A_418, %swap3A_419, %swap3A_420] {strides = array<i32>} : memref<3x64x512xf32, #tpu.memory_space<vmem>>, vector<16xf32>,
          tpu.vector_store %arg8[%swap3A_418, %swap3A_419, %swap3A_420], %broadcast_in_dim3A_417 {strides = array<i32>} : memref<3x64x512xf32, #tpu.memory_space<vmem>>, vector<16xf32>,
          %broadcast_in_dim3A_422 = arith.constant 0.000000e+00 : f32
          %broadcast_in_dim3A_423 = vector.broadcast %broadcast_in_dim3A_422 : f32 to vector<16xf32>
          %swap3A_424 = arith.index_cast %rem3A_264 : i32 to index
          %swap3A_425 = arith.index_cast %while3A_325 : i32 to index
          %swap3A_426 = arith.constant 256 : index
          %swap3A_427 = tpu.vector_load %arg8[%swap3A_424, %swap3A_425, %swap3A_426] {strides = array<i32>} : memref<3x64x512xf32, #tpu.memory_space<vmem>>, vector<16xf32>,
          tpu.vector_store %arg8[%swap3A_424, %swap3A_425, %swap3A_426], %broadcast_in_dim3A_423 {strides = array<i32>} : memref<3x64x512xf32, #tpu.memory_space<vmem>>, vector<16xf32>,
          %broadcast_in_dim3A_428 = arith.constant 0.000000e+00 : f32
          %broadcast_in_dim3A_429 = vector.broadcast %broadcast_in_dim3A_428 : f32 to vector<16xf32>
          %swap3A_430 = arith.index_cast %rem3A_264 : i32 to index
          %swap3A_431 = arith.index_cast %while3A_325 : i32 to index
          %swap3A_432 = arith.constant 272 : index
          %swap3A_433 = tpu.vector_load %arg8[%swap3A_430, %swap3A_431, %swap3A_432] {strides = array<i32>} : memref<3x64x512xf32, #tpu.memory_space<vmem>>, vector<16xf32>,
          tpu.vector_store %arg8[%swap3A_430, %swap3A_431, %swap3A_432], %broadcast_in_dim3A_429 {strides = array<i32>} : memref<3x64x512xf32, #tpu.memory_space<vmem>>, vector<16xf32>,
          %broadcast_in_dim3A_434 = arith.constant 0.000000e+00 : f32
          %broadcast_in_dim3A_435 = vector.broadcast %broadcast_in_dim3A_434 : f32 to vector<16xf32>
          %swap3A_436 = arith.index_cast %rem3A_264 : i32 to index
          %swap3A_437 = arith.index_cast %while3A_325 : i32 to index
          %swap3A_438 = arith.constant 288 : index
          %swap3A_439 = tpu.vector_load %arg8[%swap3A_436, %swap3A_437, %swap3A_438] {strides = array<i32>} : memref<3x64x512xf32, #tpu.memory_space<vmem>>, vector<16xf32>,
          tpu.vector_store %arg8[%swap3A_436, %swap3A_437, %swap3A_438], %broadcast_in_dim3A_435 {strides = array<i32>} : memref<3x64x512xf32, #tpu.memory_space<vmem>>, vector<16xf32>,
          %broadcast_in_dim3A_440 = arith.constant 0.000000e+00 : f32
          %broadcast_in_dim3A_441 = vector.broadcast %broadcast_in_dim3A_440 : f32 to vector<16xf32>
          %swap3A_442 = arith.index_cast %rem3A_264 : i32 to index
          %swap3A_443 = arith.index_cast %while3A_325 : i32 to index
          %swap3A_444 = arith.constant 304 : index
          %swap3A_445 = tpu.vector_load %arg8[%swap3A_442, %swap3A_443, %swap3A_444] {strides = array<i32>} : memref<3x64x512xf32, #tpu.memory_space<vmem>>, vector<16xf32>,
          tpu.vector_store %arg8[%swap3A_442, %swap3A_443, %swap3A_444], %broadcast_in_dim3A_441 {strides = array<i32>} : memref<3x64x512xf32, #tpu.memory_space<vmem>>, vector<16xf32>,
          %broadcast_in_dim3A_446 = arith.constant 0.000000e+00 : f32
          %broadcast_in_dim3A_447 = vector.broadcast %broadcast_in_dim3A_446 : f32 to vector<16xf32>
          %swap3A_448 = arith.index_cast %rem3A_264 : i32 to index
          %swap3A_449 = arith.index_cast %while3A_325 : i32 to index
          %swap3A_450 = arith.constant 320 : index
          %swap3A_451 = tpu.vector_load %arg8[%swap3A_448, %swap3A_449, %swap3A_450] {strides = array<i32>} : memref<3x64x512xf32, #tpu.memory_space<vmem>>, vector<16xf32>,
          tpu.vector_store %arg8[%swap3A_448, %swap3A_449, %swap3A_450], %broadcast_in_dim3A_447 {strides = array<i32>} : memref<3x64x512xf32, #tpu.memory_space<vmem>>, vector<16xf32>,
          %broadcast_in_dim3A_452 = arith.constant 0.000000e+00 : f32
          %broadcast_in_dim3A_453 = vector.broadcast %broadcast_in_dim3A_452 : f32 to vector<16xf32>
          %swap3A_454 = arith.index_cast %rem3A_264 : i32 to index
          %swap3A_455 = arith.index_cast %while3A_325 : i32 to index
          %swap3A_456 = arith.constant 336 : index
          %swap3A_457 = tpu.vector_load %arg8[%swap3A_454, %swap3A_455, %swap3A_456] {strides = array<i32>} : memref<3x64x512xf32, #tpu.memory_space<vmem>>, vector<16xf32>,
          tpu.vector_store %arg8[%swap3A_454, %swap3A_455, %swap3A_456], %broadcast_in_dim3A_453 {strides = array<i32>} : memref<3x64x512xf32, #tpu.memory_space<vmem>>, vector<16xf32>,
          %broadcast_in_dim3A_458 = arith.constant 0.000000e+00 : f32
          %broadcast_in_dim3A_459 = vector.broadcast %broadcast_in_dim3A_458 : f32 to vector<16xf32>
          %swap3A_460 = arith.index_cast %rem3A_264 : i32 to index
          %swap3A_461 = arith.index_cast %while3A_325 : i32 to index
          %swap3A_462 = arith.constant 352 : index
          %swap3A_463 = tpu.vector_load %arg8[%swap3A_460, %swap3A_461, %swap3A_462] {strides = array<i32>} : memref<3x64x512xf32, #tpu.memory_space<vmem>>, vector<16xf32>,
          tpu.vector_store %arg8[%swap3A_460, %swap3A_461, %swap3A_462], %broadcast_in_dim3A_459 {strides = array<i32>} : memref<3x64x512xf32, #tpu.memory_space<vmem>>, vector<16xf32>,
          %broadcast_in_dim3A_464 = arith.constant 0.000000e+00 : f32
          %broadcast_in_dim3A_465 = vector.broadcast %broadcast_in_dim3A_464 : f32 to vector<16xf32>
          %swap3A_466 = arith.index_cast %rem3A_264 : i32 to index
          %swap3A_467 = arith.index_cast %while3A_325 : i32 to index
          %swap3A_468 = arith.constant 368 : index
          %swap3A_469 = tpu.vector_load %arg8[%swap3A_466, %swap3A_467, %swap3A_468] {strides = array<i32>} : memref<3x64x512xf32, #tpu.memory_space<vmem>>, vector<16xf32>,
          tpu.vector_store %arg8[%swap3A_466, %swap3A_467, %swap3A_468], %broadcast_in_dim3A_465 {strides = array<i32>} : memref<3x64x512xf32, #tpu.memory_space<vmem>>, vector<16xf32>,
          %broadcast_in_dim3A_470 = arith.constant 0.000000e+00 : f32
          %broadcast_in_dim3A_471 = vector.broadcast %broadcast_in_dim3A_470 : f32 to vector<16xf32>
          %swap3A_472 = arith.index_cast %rem3A_264 : i32 to index
          %swap3A_473 = arith.index_cast %while3A_325 : i32 to index
          %swap3A_474 = arith.constant 384 : index
          %swap3A_475 = tpu.vector_load %arg8[%swap3A_472, %swap3A_473, %swap3A_474] {strides = array<i32>} : memref<3x64x512xf32, #tpu.memory_space<vmem>>, vector<16xf32>,
          tpu.vector_store %arg8[%swap3A_472, %swap3A_473, %swap3A_474], %broadcast_in_dim3A_471 {strides = array<i32>} : memref<3x64x512xf32, #tpu.memory_space<vmem>>, vector<16xf32>,
          %broadcast_in_dim3A_476 = arith.constant 0.000000e+00 : f32
          %broadcast_in_dim3A_477 = vector.broadcast %broadcast_in_dim3A_476 : f32 to vector<16xf32>
          %swap3A_478 = arith.index_cast %rem3A_264 : i32 to index
          %swap3A_479 = arith.index_cast %while3A_325 : i32 to index
          %swap3A_480 = arith.constant 400 : index
          %swap3A_481 = tpu.vector_load %arg8[%swap3A_478, %swap3A_479, %swap3A_480] {strides = array<i32>} : memref<3x64x512xf32, #tpu.memory_space<vmem>>, vector<16xf32>,
          tpu.vector_store %arg8[%swap3A_478, %swap3A_479, %swap3A_480], %broadcast_in_dim3A_477 {strides = array<i32>} : memref<3x64x512xf32, #tpu.memory_space<vmem>>, vector<16xf32>,
          %broadcast_in_dim3A_482 = arith.constant 0.000000e+00 : f32
          %broadcast_in_dim3A_483 = vector.broadcast %broadcast_in_dim3A_482 : f32 to vector<16xf32>
          %swap3A_484 = arith.index_cast %rem3A_264 : i32 to index
          %swap3A_485 = arith.index_cast %while3A_325 : i32 to index
          %swap3A_486 = arith.constant 416 : index
          %swap3A_487 = tpu.vector_load %arg8[%swap3A_484, %swap3A_485, %swap3A_486] {strides = array<i32>} : memref<3x64x512xf32, #tpu.memory_space<vmem>>, vector<16xf32>,
          tpu.vector_store %arg8[%swap3A_484, %swap3A_485, %swap3A_486], %broadcast_in_dim3A_483 {strides = array<i32>} : memref<3x64x512xf32, #tpu.memory_space<vmem>>, vector<16xf32>,
          %broadcast_in_dim3A_488 = arith.constant 0.000000e+00 : f32
          %broadcast_in_dim3A_489 = vector.broadcast %broadcast_in_dim3A_488 : f32 to vector<16xf32>
          %swap3A_490 = arith.index_cast %rem3A_264 : i32 to index
          %swap3A_491 = arith.index_cast %while3A_325 : i32 to index
          %swap3A_492 = arith.constant 432 : index
          %swap3A_493 = tpu.vector_load %arg8[%swap3A_490, %swap3A_491, %swap3A_492] {strides = array<i32>} : memref<3x64x512xf32, #tpu.memory_space<vmem>>, vector<16xf32>,
          tpu.vector_store %arg8[%swap3A_490, %swap3A_491, %swap3A_492], %broadcast_in_dim3A_489 {strides = array<i32>} : memref<3x64x512xf32, #tpu.memory_space<vmem>>, vector<16xf32>,
          %broadcast_in_dim3A_494 = arith.constant 0.000000e+00 : f32
          %broadcast_in_dim3A_495 = vector.broadcast %broadcast_in_dim3A_494 : f32 to vector<16xf32>
          %swap3A_496 = arith.index_cast %rem3A_264 : i32 to index
          %swap3A_497 = arith.index_cast %while3A_325 : i32 to index
          %swap3A_498 = arith.constant 448 : index
          %swap3A_499 = tpu.vector_load %arg8[%swap3A_496, %swap3A_497, %swap3A_498] {strides = array<i32>} : memref<3x64x512xf32, #tpu.memory_space<vmem>>, vector<16xf32>,
          tpu.vector_store %arg8[%swap3A_496, %swap3A_497, %swap3A_498], %broadcast_in_dim3A_495 {strides = array<i32>} : memref<3x64x512xf32, #tpu.memory_space<vmem>>, vector<16xf32>,
          %broadcast_in_dim3A_500 = arith.constant 0.000000e+00 : f32
          %broadcast_in_dim3A_501 = vector.broadcast %broadcast_in_dim3A_500 : f32 to vector<16xf32>
          %swap3A_502 = arith.index_cast %rem3A_264 : i32 to index
          %swap3A_503 = arith.index_cast %while3A_325 : i32 to index
          %swap3A_504 = arith.constant 464 : index
          %swap3A_505 = tpu.vector_load %arg8[%swap3A_502, %swap3A_503, %swap3A_504] {strides = array<i32>} : memref<3x64x512xf32, #tpu.memory_space<vmem>>, vector<16xf32>,
          tpu.vector_store %arg8[%swap3A_502, %swap3A_503, %swap3A_504], %broadcast_in_dim3A_501 {strides = array<i32>} : memref<3x64x512xf32, #tpu.memory_space<vmem>>, vector<16xf32>,
          %broadcast_in_dim3A_506 = arith.constant 0.000000e+00 : f32
          %broadcast_in_dim3A_507 = vector.broadcast %broadcast_in_dim3A_506 : f32 to vector<16xf32>
          %swap3A_508 = arith.index_cast %rem3A_264 : i32 to index
          %swap3A_509 = arith.index_cast %while3A_325 : i32 to index
          %swap3A_510 = arith.constant 480 : index
          %swap3A_511 = tpu.vector_load %arg8[%swap3A_508, %swap3A_509, %swap3A_510] {strides = array<i32>} : memref<3x64x512xf32, #tpu.memory_space<vmem>>, vector<16xf32>,
          tpu.vector_store %arg8[%swap3A_508, %swap3A_509, %swap3A_510], %broadcast_in_dim3A_507 {strides = array<i32>} : memref<3x64x512xf32, #tpu.memory_space<vmem>>, vector<16xf32>,
          %broadcast_in_dim3A_512 = arith.constant 0.000000e+00 : f32
          %broadcast_in_dim3A_513 = vector.broadcast %broadcast_in_dim3A_512 : f32 to vector<16xf32>
          %swap3A_514 = arith.index_cast %rem3A_264 : i32 to index
          %swap3A_515 = arith.index_cast %while3A_325 : i32 to index
          %swap3A_516 = arith.constant 496 : index
          %swap3A_517 = tpu.vector_load %arg8[%swap3A_514, %swap3A_515, %swap3A_516] {strides = array<i32>} : memref<3x64x512xf32, #tpu.memory_space<vmem>>, vector<16xf32>,
          tpu.vector_store %arg8[%swap3A_514, %swap3A_515, %swap3A_516], %broadcast_in_dim3A_513 {strides = array<i32>} : memref<3x64x512xf32, #tpu.memory_space<vmem>>, vector<16xf32>,
          %while3A_518 = arith.constant 0 : i32
          scf.yield %while3A_518 : i32
        }
        %while3A_323 = arith.constant 1 : i32
        %while3A_324 = scf.for %while3A_325 = %while3A_320 to %while3A_316 step %while3A_323 iter_args(%while3A_326 = %while3A_322) -> (i32)  : i32 {
          %broadcast_in_dim3A_327 = arith.constant 0.000000e+00 : f32
          %broadcast_in_dim3A_328 = vector.broadcast %broadcast_in_dim3A_327 : f32 to vector<16xf32>
          %swap3A = arith.index_cast %rem3A_264 : i32 to index
          %swap3A_329 = arith.index_cast %while3A_325 : i32 to index
          %swap3A_330 = arith.constant 0 : index
          %swap3A_331 = tpu.vector_load %arg8[%swap3A, %swap3A_329, %swap3A_330] {strides = array<i32>} : memref<3x64x512xf32, #tpu.memory_space<vmem>>, vector<16xf32>,
          tpu.vector_store %arg8[%swap3A, %swap3A_329, %swap3A_330], %broadcast_in_dim3A_328 {strides = array<i32>} : memref<3x64x512xf32, #tpu.memory_space<vmem>>, vector<16xf32>,
          %broadcast_in_dim3A_332 = arith.constant 0.000000e+00 : f32
          %broadcast_in_dim3A_333 = vector.broadcast %broadcast_in_dim3A_332 : f32 to vector<16xf32>
          %swap3A_334 = arith.index_cast %rem3A_264 : i32 to index
          %swap3A_335 = arith.index_cast %while3A_325 : i32 to index
          %swap3A_336 = arith.constant 16 : index
          %swap3A_337 = tpu.vector_load %arg8[%swap3A_334, %swap3A_335, %swap3A_336] {strides = array<i32>} : memref<3x64x512xf32, #tpu.memory_space<vmem>>, vector<16xf32>,
          tpu.vector_store %arg8[%swap3A_334, %swap3A_335, %swap3A_336], %broadcast_in_dim3A_333 {strides = array<i32>} : memref<3x64x512xf32, #tpu.memory_space<vmem>>, vector<16xf32>,
          %broadcast_in_dim3A_338 = arith.constant 0.000000e+00 : f32
          %broadcast_in_dim3A_339 = vector.broadcast %broadcast_in_dim3A_338 : f32 to vector<16xf32>
          %swap3A_340 = arith.index_cast %rem3A_264 : i32 to index
          %swap3A_341 = arith.index_cast %while3A_325 : i32 to index
          %swap3A_342 = arith.constant 32 : index
          %swap3A_343 = tpu.vector_load %arg8[%swap3A_340, %swap3A_341, %swap3A_342] {strides = array<i32>} : memref<3x64x512xf32, #tpu.memory_space<vmem>>, vector<16xf32>,
          tpu.vector_store %arg8[%swap3A_340, %swap3A_341, %swap3A_342], %broadcast_in_dim3A_339 {strides = array<i32>} : memref<3x64x512xf32, #tpu.memory_space<vmem>>, vector<16xf32>,
          %broadcast_in_dim3A_344 = arith.constant 0.000000e+00 : f32
          %broadcast_in_dim3A_345 = vector.broadcast %broadcast_in_dim3A_344 : f32 to vector<16xf32>
          %swap3A_346 = arith.index_cast %rem3A_264 : i32 to index
          %swap3A_347 = arith.index_cast %while3A_325 : i32 to index
          %swap3A_348 = arith.constant 48 : index
          %swap3A_349 = tpu.vector_load %arg8[%swap3A_346, %swap3A_347, %swap3A_348] {strides = array<i32>} : memref<3x64x512xf32, #tpu.memory_space<vmem>>, vector<16xf32>,
          tpu.vector_store %arg8[%swap3A_346, %swap3A_347, %swap3A_348], %broadcast_in_dim3A_345 {strides = array<i32>} : memref<3x64x512xf32, #tpu.memory_space<vmem>>, vector<16xf32>,
          %broadcast_in_dim3A_350 = arith.constant 0.000000e+00 : f32
          %broadcast_in_dim3A_351 = vector.broadcast %broadcast_in_dim3A_350 : f32 to vector<16xf32>
          %swap3A_352 = arith.index_cast %rem3A_264 : i32 to index
          %swap3A_353 = arith.index_cast %while3A_325 : i32 to index
          %swap3A_354 = arith.constant 64 : index
          %swap3A_355 = tpu.vector_load %arg8[%swap3A_352, %swap3A_353, %swap3A_354] {strides = array<i32>} : memref<3x64x512xf32, #tpu.memory_space<vmem>>, vector<16xf32>,
          tpu.vector_store %arg8[%swap3A_352, %swap3A_353, %swap3A_354], %broadcast_in_dim3A_351 {strides = array<i32>} : memref<3x64x512xf32, #tpu.memory_space<vmem>>, vector<16xf32>,
          %broadcast_in_dim3A_356 = arith.constant 0.000000e+00 : f32
          %broadcast_in_dim3A_357 = vector.broadcast %broadcast_in_dim3A_356 : f32 to vector<16xf32>
          %swap3A_358 = arith.index_cast %rem3A_264 : i32 to index
          %swap3A_359 = arith.index_cast %while3A_325 : i32 to index
          %swap3A_360 = arith.constant 80 : index
          %swap3A_361 = tpu.vector_load %arg8[%swap3A_358, %swap3A_359, %swap3A_360] {strides = array<i32>} : memref<3x64x512xf32, #tpu.memory_space<vmem>>, vector<16xf32>,
          tpu.vector_store %arg8[%swap3A_358, %swap3A_359, %swap3A_360], %broadcast_in_dim3A_357 {strides = array<i32>} : memref<3x64x512xf32, #tpu.memory_space<vmem>>, vector<16xf32>,
          %broadcast_in_dim3A_362 = arith.constant 0.000000e+00 : f32
          %broadcast_in_dim3A_363 = vector.broadcast %broadcast_in_dim3A_362 : f32 to vector<16xf32>
          %swap3A_364 = arith.index_cast %rem3A_264 : i32 to index
          %swap3A_365 = arith.index_cast %while3A_325 : i32 to index
          %swap3A_366 = arith.constant 96 : index
          %swap3A_367 = tpu.vector_load %arg8[%swap3A_364, %swap3A_365, %swap3A_366] {strides = array<i32>} : memref<3x64x512xf32, #tpu.memory_space<vmem>>, vector<16xf32>,
          tpu.vector_store %arg8[%swap3A_364, %swap3A_365, %swap3A_366], %broadcast_in_dim3A_363 {strides = array<i32>} : memref<3x64x512xf32, #tpu.memory_space<vmem>>, vector<16xf32>,
          %broadcast_in_dim3A_368 = arith.constant 0.000000e+00 : f32
          %broadcast_in_dim3A_369 = vector.broadcast %broadcast_in_dim3A_368 : f32 to vector<16xf32>
          %swap3A_370 = arith.index_cast %rem3A_264 : i32 to index
          %swap3A_371 = arith.index_cast %while3A_325 : i32 to index
          %swap3A_372 = arith.constant 112 : index
          %swap3A_373 = tpu.vector_load %arg8[%swap3A_370, %swap3A_371, %swap3A_372] {strides = array<i32>} : memref<3x64x512xf32, #tpu.memory_space<vmem>>, vector<16xf32>,
          tpu.vector_store %arg8[%swap3A_370, %swap3A_371, %swap3A_372], %broadcast_in_dim3A_369 {strides = array<i32>} : memref<3x64x512xf32, #tpu.memory_space<vmem>>, vector<16xf32>,
          %broadcast_in_dim3A_374 = arith.constant 0.000000e+00 : f32
          %broadcast_in_dim3A_375 = vector.broadcast %broadcast_in_dim3A_374 : f32 to vector<16xf32>
          %swap3A_376 = arith.index_cast %rem3A_264 : i32 to index
          %swap3A_377 = arith.index_cast %while3A_325 : i32 to index
          %swap3A_378 = arith.constant 128 : index
          %swap3A_379 = tpu.vector_load %arg8[%swap3A_376, %swap3A_377, %swap3A_378] {strides = array<i32>} : memref<3x64x512xf32, #tpu.memory_space<vmem>>, vector<16xf32>,
          tpu.vector_store %arg8[%swap3A_376, %swap3A_377, %swap3A_378], %broadcast_in_dim3A_375 {strides = array<i32>} : memref<3x64x512xf32, #tpu.memory_space<vmem>>, vector<16xf32>,
          %broadcast_in_dim3A_380 = arith.constant 0.000000e+00 : f32
          %broadcast_in_dim3A_381 = vector.broadcast %broadcast_in_dim3A_380 : f32 to vector<16xf32>
          %swap3A_382 = arith.index_cast %rem3A_264 : i32 to index
          %swap3A_383 = arith.index_cast %while3A_325 : i32 to index
          %swap3A_384 = arith.constant 144 : index
          %swap3A_385 = tpu.vector_load %arg8[%swap3A_382, %swap3A_383, %swap3A_384] {strides = array<i32>} : memref<3x64x512xf32, #tpu.memory_space<vmem>>, vector<16xf32>,
          tpu.vector_store %arg8[%swap3A_382, %swap3A_383, %swap3A_384], %broadcast_in_dim3A_381 {strides = array<i32>} : memref<3x64x512xf32, #tpu.memory_space<vmem>>, vector<16xf32>,
          %broadcast_in_dim3A_386 = arith.constant 0.000000e+00 : f32
          %broadcast_in_dim3A_387 = vector.broadcast %broadcast_in_dim3A_386 : f32 to vector<16xf32>
          %swap3A_388 = arith.index_cast %rem3A_264 : i32 to index
          %swap3A_389 = arith.index_cast %while3A_325 : i32 to index
          %swap3A_390 = arith.constant 160 : index
          %swap3A_391 = tpu.vector_load %arg8[%swap3A_388, %swap3A_389, %swap3A_390] {strides = array<i32>} : memref<3x64x512xf32, #tpu.memory_space<vmem>>, vector<16xf32>,
          tpu.vector_store %arg8[%swap3A_388, %swap3A_389, %swap3A_390], %broadcast_in_dim3A_387 {strides = array<i32>} : memref<3x64x512xf32, #tpu.memory_space<vmem>>, vector<16xf32>,
          %broadcast_in_dim3A_392 = arith.constant 0.000000e+00 : f32
          %broadcast_in_dim3A_393 = vector.broadcast %broadcast_in_dim3A_392 : f32 to vector<16xf32>
          %swap3A_394 = arith.index_cast %rem3A_264 : i32 to index
          %swap3A_395 = arith.index_cast %while3A_325 : i32 to index
          %swap3A_396 = arith.constant 176 : index
          %swap3A_397 = tpu.vector_load %arg8[%swap3A_394, %swap3A_395, %swap3A_396] {strides = array<i32>} : memref<3x64x512xf32, #tpu.memory_space<vmem>>, vector<16xf32>,
          tpu.vector_store %arg8[%swap3A_394, %swap3A_395, %swap3A_396], %broadcast_in_dim3A_393 {strides = array<i32>} : memref<3x64x512xf32, #tpu.memory_space<vmem>>, vector<16xf32>,
          %broadcast_in_dim3A_398 = arith.constant 0.000000e+00 : f32
          %broadcast_in_dim3A_399 = vector.broadcast %broadcast_in_dim3A_398 : f32 to vector<16xf32>
          %swap3A_400 = arith.index_cast %rem3A_264 : i32 to index
          %swap3A_401 = arith.index_cast %while3A_325 : i32 to index
          %swap3A_402 = arith.constant 192 : index
          %swap3A_403 = tpu.vector_load %arg8[%swap3A_400, %swap3A_401, %swap3A_402] {strides = array<i32>} : memref<3x64x512xf32, #tpu.memory_space<vmem>>, vector<16xf32>,
          tpu.vector_store %arg8[%swap3A_400, %swap3A_401, %swap3A_402], %broadcast_in_dim3A_399 {strides = array<i32>} : memref<3x64x512xf32, #tpu.memory_space<vmem>>, vector<16xf32>,
          %broadcast_in_dim3A_404 = arith.constant 0.000000e+00 : f32
          %broadcast_in_dim3A_405 = vector.broadcast %broadcast_in_dim3A_404 : f32 to vector<16xf32>
          %swap3A_406 = arith.index_cast %rem3A_264 : i32 to index
          %swap3A_407 = arith.index_cast %while3A_325 : i32 to index
          %swap3A_408 = arith.constant 208 : index
          %swap3A_409 = tpu.vector_load %arg8[%swap3A_406, %swap3A_407, %swap3A_408] {strides = array<i32>} : memref<3x64x512xf32, #tpu.memory_space<vmem>>, vector<16xf32>,
          tpu.vector_store %arg8[%swap3A_406, %swap3A_407, %swap3A_408], %broadcast_in_dim3A_405 {strides = array<i32>} : memref<3x64x512xf32, #tpu.memory_space<vmem>>, vector<16xf32>,
          %broadcast_in_dim3A_410 = arith.constant 0.000000e+00 : f32
          %broadcast_in_dim3A_411 = vector.broadcast %broadcast_in_dim3A_410 : f32 to vector<16xf32>
          %swap3A_412 = arith.index_cast %rem3A_264 : i32 to index
          %swap3A_413 = arith.index_cast %while3A_325 : i32 to index
          %swap3A_414 = arith.constant 224 : index
          %swap3A_415 = tpu.vector_load %arg8[%swap3A_412, %swap3A_413, %swap3A_414] {strides = array<i32>} : memref<3x64x512xf32, #tpu.memory_space<vmem>>, vector<16xf32>,
          tpu.vector_store %arg8[%swap3A_412, %swap3A_413, %swap3A_414], %broadcast_in_dim3A_411 {strides = array<i32>} : memref<3x64x512xf32, #tpu.memory_space<vmem>>, vector<16xf32>,
          %broadcast_in_dim3A_416 = arith.constant 0.000000e+00 : f32
          %broadcast_in_dim3A_417 = vector.broadcast %broadcast_in_dim3A_416 : f32 to vector<16xf32>
          %swap3A_418 = arith.index_cast %rem3A_264 : i32 to index
          %swap3A_419 = arith.index_cast %while3A_325 : i32 to index
          %swap3A_420 = arith.constant 240 : index
          %swap3A_421 = tpu.vector_load %arg8[%swap3A_418, %swap3A_419, %swap3A_420] {strides = array<i32>} : memref<3x64x512xf32, #tpu.memory_space<vmem>>, vector<16xf32>,
          tpu.vector_store %arg8[%swap3A_418, %swap3A_419, %swap3A_420], %broadcast_in_dim3A_417 {strides = array<i32>} : memref<3x64x512xf32, #tpu.memory_space<vmem>>, vector<16xf32>,
          %broadcast_in_dim3A_422 = arith.constant 0.000000e+00 : f32
          %broadcast_in_dim3A_423 = vector.broadcast %broadcast_in_dim3A_422 : f32 to vector<16xf32>
          %swap3A_424 = arith.index_cast %rem3A_264 : i32 to index
          %swap3A_425 = arith.index_cast %while3A_325 : i32 to index
          %swap3A_426 = arith.constant 256 : index
          %swap3A_427 = tpu.vector_load %arg8[%swap3A_424, %swap3A_425, %swap3A_426] {strides = array<i32>} : memref<3x64x512xf32, #tpu.memory_space<vmem>>, vector<16xf32>,
          tpu.vector_store %arg8[%swap3A_424, %swap3A_425, %swap3A_426], %broadcast_in_dim3A_423 {strides = array<i32>} : memref<3x64x512xf32, #tpu.memory_space<vmem>>, vector<16xf32>,
          %broadcast_in_dim3A_428 = arith.constant 0.000000e+00 : f32
          %broadcast_in_dim3A_429 = vector.broadcast %broadcast_in_dim3A_428 : f32 to vector<16xf32>
          %swap3A_430 = arith.index_cast %rem3A_264 : i32 to index
          %swap3A_431 = arith.index_cast %while3A_325 : i32 to index
          %swap3A_432 = arith.constant 272 : index
          %swap3A_433 = tpu.vector_load %arg8[%swap3A_430, %swap3A_431, %swap3A_432] {strides = array<i32>} : memref<3x64x512xf32, #tpu.memory_space<vmem>>, vector<16xf32>,
          tpu.vector_store %arg8[%swap3A_430, %swap3A_431, %swap3A_432], %broadcast_in_dim3A_429 {strides = array<i32>} : memref<3x64x512xf32, #tpu.memory_space<vmem>>, vector<16xf32>,
          %broadcast_in_dim3A_434 = arith.constant 0.000000e+00 : f32
          %broadcast_in_dim3A_435 = vector.broadcast %broadcast_in_dim3A_434 : f32 to vector<16xf32>
          %swap3A_436 = arith.index_cast %rem3A_264 : i32 to index
          %swap3A_437 = arith.index_cast %while3A_325 : i32 to index
          %swap3A_438 = arith.constant 288 : index
          %swap3A_439 = tpu.vector_load %arg8[%swap3A_436, %swap3A_437, %swap3A_438] {strides = array<i32>} : memref<3x64x512xf32, #tpu.memory_space<vmem>>, vector<16xf32>,
          tpu.vector_store %arg8[%swap3A_436, %swap3A_437, %swap3A_438], %broadcast_in_dim3A_435 {strides = array<i32>} : memref<3x64x512xf32, #tpu.memory_space<vmem>>, vector<16xf32>,
          %broadcast_in_dim3A_440 = arith.constant 0.000000e+00 : f32
          %broadcast_in_dim3A_441 = vector.broadcast %broadcast_in_dim3A_440 : f32 to vector<16xf32>
          %swap3A_442 = arith.index_cast %rem3A_264 : i32 to index
          %swap3A_443 = arith.index_cast %while3A_325 : i32 to index
          %swap3A_444 = arith.constant 304 : index
          %swap3A_445 = tpu.vector_load %arg8[%swap3A_442, %swap3A_443, %swap3A_444] {strides = array<i32>} : memref<3x64x512xf32, #tpu.memory_space<vmem>>, vector<16xf32>,
          tpu.vector_store %arg8[%swap3A_442, %swap3A_443, %swap3A_444], %broadcast_in_dim3A_441 {strides = array<i32>} : memref<3x64x512xf32, #tpu.memory_space<vmem>>, vector<16xf32>,
          %broadcast_in_dim3A_446 = arith.constant 0.000000e+00 : f32
          %broadcast_in_dim3A_447 = vector.broadcast %broadcast_in_dim3A_446 : f32 to vector<16xf32>
          %swap3A_448 = arith.index_cast %rem3A_264 : i32 to index
          %swap3A_449 = arith.index_cast %while3A_325 : i32 to index
          %swap3A_450 = arith.constant 320 : index
          %swap3A_451 = tpu.vector_load %arg8[%swap3A_448, %swap3A_449, %swap3A_450] {strides = array<i32>} : memref<3x64x512xf32, #tpu.memory_space<vmem>>, vector<16xf32>,
          tpu.vector_store %arg8[%swap3A_448, %swap3A_449, %swap3A_450], %broadcast_in_dim3A_447 {strides = array<i32>} : memref<3x64x512xf32, #tpu.memory_space<vmem>>, vector<16xf32>,
          %broadcast_in_dim3A_452 = arith.constant 0.000000e+00 : f32
          %broadcast_in_dim3A_453 = vector.broadcast %broadcast_in_dim3A_452 : f32 to vector<16xf32>
          %swap3A_454 = arith.index_cast %rem3A_264 : i32 to index
          %swap3A_455 = arith.index_cast %while3A_325 : i32 to index
          %swap3A_456 = arith.constant 336 : index
          %swap3A_457 = tpu.vector_load %arg8[%swap3A_454, %swap3A_455, %swap3A_456] {strides = array<i32>} : memref<3x64x512xf32, #tpu.memory_space<vmem>>, vector<16xf32>,
          tpu.vector_store %arg8[%swap3A_454, %swap3A_455, %swap3A_456], %broadcast_in_dim3A_453 {strides = array<i32>} : memref<3x64x512xf32, #tpu.memory_space<vmem>>, vector<16xf32>,
          %broadcast_in_dim3A_458 = arith.constant 0.000000e+00 : f32
          %broadcast_in_dim3A_459 = vector.broadcast %broadcast_in_dim3A_458 : f32 to vector<16xf32>
          %swap3A_460 = arith.index_cast %rem3A_264 : i32 to index
          %swap3A_461 = arith.index_cast %while3A_325 : i32 to index
          %swap3A_462 = arith.constant 352 : index
          %swap3A_463 = tpu.vector_load %arg8[%swap3A_460, %swap3A_461, %swap3A_462] {strides = array<i32>} : memref<3x64x512xf32, #tpu.memory_space<vmem>>, vector<16xf32>,
          tpu.vector_store %arg8[%swap3A_460, %swap3A_461, %swap3A_462], %broadcast_in_dim3A_459 {strides = array<i32>} : memref<3x64x512xf32, #tpu.memory_space<vmem>>, vector<16xf32>,
          %broadcast_in_dim3A_464 = arith.constant 0.000000e+00 : f32
          %broadcast_in_dim3A_465 = vector.broadcast %broadcast_in_dim3A_464 : f32 to vector<16xf32>
          %swap3A_466 = arith.index_cast %rem3A_264 : i32 to index
          %swap3A_467 = arith.index_cast %while3A_325 : i32 to index
          %swap3A_468 = arith.constant 368 : index
          %swap3A_469 = tpu.vector_load %arg8[%swap3A_466, %swap3A_467, %swap3A_468] {strides = array<i32>} : memref<3x64x512xf32, #tpu.memory_space<vmem>>, vector<16xf32>,
          tpu.vector_store %arg8[%swap3A_466, %swap3A_467, %swap3A_468], %broadcast_in_dim3A_465 {strides = array<i32>} : memref<3x64x512xf32, #tpu.memory_space<vmem>>, vector<16xf32>,
          %broadcast_in_dim3A_470 = arith.constant 0.000000e+00 : f32
          %broadcast_in_dim3A_471 = vector.broadcast %broadcast_in_dim3A_470 : f32 to vector<16xf32>
          %swap3A_472 = arith.index_cast %rem3A_264 : i32 to index
          %swap3A_473 = arith.index_cast %while3A_325 : i32 to index
          %swap3A_474 = arith.constant 384 : index
          %swap3A_475 = tpu.vector_load %arg8[%swap3A_472, %swap3A_473, %swap3A_474] {strides = array<i32>} : memref<3x64x512xf32, #tpu.memory_space<vmem>>, vector<16xf32>,
          tpu.vector_store %arg8[%swap3A_472, %swap3A_473, %swap3A_474], %broadcast_in_dim3A_471 {strides = array<i32>} : memref<3x64x512xf32, #tpu.memory_space<vmem>>, vector<16xf32>,
          %broadcast_in_dim3A_476 = arith.constant 0.000000e+00 : f32
          %broadcast_in_dim3A_477 = vector.broadcast %broadcast_in_dim3A_476 : f32 to vector<16xf32>
          %swap3A_478 = arith.index_cast %rem3A_264 : i32 to index
          %swap3A_479 = arith.index_cast %while3A_325 : i32 to index
          %swap3A_480 = arith.constant 400 : index
          %swap3A_481 = tpu.vector_load %arg8[%swap3A_478, %swap3A_479, %swap3A_480] {strides = array<i32>} : memref<3x64x512xf32, #tpu.memory_space<vmem>>, vector<16xf32>,
          tpu.vector_store %arg8[%swap3A_478, %swap3A_479, %swap3A_480], %broadcast_in_dim3A_477 {strides = array<i32>} : memref<3x64x512xf32, #tpu.memory_space<vmem>>, vector<16xf32>,
          %broadcast_in_dim3A_482 = arith.constant 0.000000e+00 : f32
          %broadcast_in_dim3A_483 = vector.broadcast %broadcast_in_dim3A_482 : f32 to vector<16xf32>
          %swap3A_484 = arith.index_cast %rem3A_264 : i32 to index
          %swap3A_485 = arith.index_cast %while3A_325 : i32 to index
          %swap3A_486 = arith.constant 416 : index
          %swap3A_487 = tpu.vector_load %arg8[%swap3A_484, %swap3A_485, %swap3A_486] {strides = array<i32>} : memref<3x64x512xf32, #tpu.memory_space<vmem>>, vector<16xf32>,
          tpu.vector_store %arg8[%swap3A_484, %swap3A_485, %swap3A_486], %broadcast_in_dim3A_483 {strides = array<i32>} : memref<3x64x512xf32, #tpu.memory_space<vmem>>, vector<16xf32>,
          %broadcast_in_dim3A_488 = arith.constant 0.000000e+00 : f32
          %broadcast_in_dim3A_489 = vector.broadcast %broadcast_in_dim3A_488 : f32 to vector<16xf32>
          %swap3A_490 = arith.index_cast %rem3A_264 : i32 to index
          %swap3A_491 = arith.index_cast %while3A_325 : i32 to index
          %swap3A_492 = arith.constant 432 : index
          %swap3A_493 = tpu.vector_load %arg8[%swap3A_490, %swap3A_491, %swap3A_492] {strides = array<i32>} : memref<3x64x512xf32, #tpu.memory_space<vmem>>, vector<16xf32>,
          tpu.vector_store %arg8[%swap3A_490, %swap3A_491, %swap3A_492], %broadcast_in_dim3A_489 {strides = array<i32>} : memref<3x64x512xf32, #tpu.memory_space<vmem>>, vector<16xf32>,
          %broadcast_in_dim3A_494 = arith.constant 0.000000e+00 : f32
          %broadcast_in_dim3A_495 = vector.broadcast %broadcast_in_dim3A_494 : f32 to vector<16xf32>
          %swap3A_496 = arith.index_cast %rem3A_264 : i32 to index
          %swap3A_497 = arith.index_cast %while3A_325 : i32 to index
          %swap3A_498 = arith.constant 448 : index
          %swap3A_499 = tpu.vector_load %arg8[%swap3A_496, %swap3A_497, %swap3A_498] {strides = array<i32>} : memref<3x64x512xf32, #tpu.memory_space<vmem>>, vector<16xf32>,
          tpu.vector_store %arg8[%swap3A_496, %swap3A_497, %swap3A_498], %broadcast_in_dim3A_495 {strides = array<i32>} : memref<3x64x512xf32, #tpu.memory_space<vmem>>, vector<16xf32>,
          %broadcast_in_dim3A_500 = arith.constant 0.000000e+00 : f32
          %broadcast_in_dim3A_501 = vector.broadcast %broadcast_in_dim3A_500 : f32 to vector<16xf32>
          %swap3A_502 = arith.index_cast %rem3A_264 : i32 to index
          %swap3A_503 = arith.index_cast %while3A_325 : i32 to index
          %swap3A_504 = arith.constant 464 : index
          %swap3A_505 = tpu.vector_load %arg8[%swap3A_502, %swap3A_503, %swap3A_504] {strides = array<i32>} : memref<3x64x512xf32, #tpu.memory_space<vmem>>, vector<16xf32>,
          tpu.vector_store %arg8[%swap3A_502, %swap3A_503, %swap3A_504], %broadcast_in_dim3A_501 {strides = array<i32>} : memref<3x64x512xf32, #tpu.memory_space<vmem>>, vector<16xf32>,
          %broadcast_in_dim3A_506 = arith.constant 0.000000e+00 : f32
          %broadcast_in_dim3A_507 = vector.broadcast %broadcast_in_dim3A_506 : f32 to vector<16xf32>
          %swap3A_508 = arith.index_cast %rem3A_264 : i32 to index
          %swap3A_509 = arith.index_cast %while3A_325 : i32 to index
          %swap3A_510 = arith.constant 480 : index
          %swap3A_511 = tpu.vector_load %arg8[%swap3A_508, %swap3A_509, %swap3A_510] {strides = array<i32>} : memref<3x64x512xf32, #tpu.memory_space<vmem>>, vector<16xf32>,
          tpu.vector_store %arg8[%swap3A_508, %swap3A_509, %swap3A_510], %broadcast_in_dim3A_507 {strides = array<i32>} : memref<3x64x512xf32, #tpu.memory_space<vmem>>, vector<16xf32>,
          %broadcast_in_dim3A_512 = arith.constant 0.000000e+00 : f32
          %broadcast_in_dim3A_513 = vector.broadcast %broadcast_in_dim3A_512 : f32 to vector<16xf32>
          %swap3A_514 = arith.index_cast %rem3A_264 : i32 to index
          %swap3A_515 = arith.index_cast %while3A_325 : i32 to index
          %swap3A_516 = arith.constant 496 : index
          %swap3A_517 = tpu.vector_load %arg8[%swap3A_514, %swap3A_515, %swap3A_516] {strides = array<i32>} : memref<3x64x512xf32, #tpu.memory_space<vmem>>, vector<16xf32>,
          tpu.vector_store %arg8[%swap3A_514, %swap3A_515, %swap3A_516], %broadcast_in_dim3A_513 {strides = array<i32>} : memref<3x64x512xf32, #tpu.memory_space<vmem>>, vector<16xf32>,
          %while3A_518 = arith.constant 0 : i32
          scf.yield %while3A_518 : i32
        }
      } else {
      }
      %mul3A_289 = arith.constant 64 : i32
      %mul3A_290 = arith.muli %add3A_262, %mul3A_289 : i32
      %add3A_291 = arith.addi %mul3A_32, %mul3A_290 : i32
      %dma_start3A_292 = arith.constant 0 : i32
      %dma_start3A_293 = arith.constant 0 : i32
      %dma_start3A_294 = tpu.memref_slice %arg8[%rem3A_264, %dma_start3A_292, %dma_start3A_293] : memref<3x64x512xf32, #tpu.memory_space<vmem>> -> memref<1x64x512xf32, #tpu.memory_space<vmem>>
      %dma_start3A_295 = tpu.memref_squeeze %dma_start3A_294 : memref<1x64x512xf32, #tpu.memory_space<vmem>> -> memref<64x512xf32, #tpu.memory_space<vmem>>
      %dma_start3A_296 = arith.constant 0 : i32
      %dma_start3A_297 = tpu.memref_slice %arg4[%add3A_291, %dma_start3A_296] : memref<32768x512xf32, #tpu.memory_space<hbm>> -> memref<64x512xf32, #tpu.memory_space<hbm>>
      %dma_start3A_298 = tpu.memref_slice %arg12[%rem3A_264] : memref<3x!tpu.dma_semaphore, #tpu.memory_space<semaphore_mem>> -> memref<1x!tpu.dma_semaphore, #tpu.memory_space<semaphore_mem>>
      %dma_start3A_299 = tpu.memref_squeeze %dma_start3A_298 : memref<1x!tpu.dma_semaphore, #tpu.memory_space<semaphore_mem>> -> memref<!tpu.dma_semaphore, #tpu.memory_space<semaphore_mem>>
      %dma_start3A_300 = arith.constant 0 : i32
      %dma_start3A_301 = tpu.memref_slice %arg4[%add3A_291, %dma_start3A_300] : memref<32768x512xf32, #tpu.memory_space<hbm>> -> memref<64x512xf32, #tpu.memory_space<hbm>>
      %dma_start3A_302 = arith.constant 0 : i32
      %dma_start3A_303 = arith.constant 0 : i32
      %dma_start3A_304 = tpu.memref_slice %arg8[%rem3A_264, %dma_start3A_302, %dma_start3A_303] : memref<3x64x512xf32, #tpu.memory_space<vmem>> -> memref<1x64x512xf32, #tpu.memory_space<vmem>>
      %dma_start3A_305 = tpu.memref_squeeze %dma_start3A_304 : memref<1x64x512xf32, #tpu.memory_space<vmem>> -> memref<64x512xf32, #tpu.memory_space<vmem>>
      tpu.enqueue_dma source(%dma_start3A_305 : memref<64x512xf32, #tpu.memory_space<vmem>>) target(%dma_start3A_301 : memref<64x512xf32, #tpu.memory_space<hbm>>) target_semaphore(%dma_start3A_299 : memref<!tpu.dma_semaphore, #tpu.memory_space<semaphore_mem>>)
      %add3A_306 = arith.constant 2 : i32
      %add3A_307 = arith.addi %while3A_258, %add3A_306 : i32
      %lt3A_308 = arith.cmpi slt, %add3A_307, %min3A : i32
      %convert_element_type3A_309 = arith.extui %lt3A_308 : i1 to i32
      %cond3A_310 = arith.constant 0 : i32
      %cond3A_311 = arith.cmpi ne, %convert_element_type3A_309, %cond3A_310 : i32
      scf.if %cond3A_311 {
        %add3A_313 = arith.constant 2 : i32
        %add3A_314 = arith.addi %while3A_258, %add3A_313 : i32
        %rem3A_315 = arith.constant 3 : i32
        %rem3A_316 = arith.remsi %add3A_314, %rem3A_315 : i32
        %ge3A_317 = arith.constant 1 : i32
        %ge3A_318 = arith.cmpi sge, %while3A_258, %ge3A_317 : i32
        %convert_element_type3A_319 = arith.extui %ge3A_318 : i1 to i32
        %cond3A_320 = arith.constant 0 : i32
        %cond3A_321 = arith.cmpi ne, %convert_element_type3A_319, %cond3A_320 : i32
        scf.if %cond3A_321 {
          %dma_wait3A_336 = arith.constant 0 : i32
          %dma_wait3A_337 = arith.constant 0 : i32
          %dma_wait3A_338 = tpu.memref_slice %arg8[%rem3A_316, %dma_wait3A_336, %dma_wait3A_337] : memref<3x64x512xf32, #tpu.memory_space<vmem>> -> memref<1x64x512xf32, #tpu.memory_space<vmem>>
          %dma_wait3A_339 = tpu.memref_squeeze %dma_wait3A_338 : memref<1x64x512xf32, #tpu.memory_space<vmem>> -> memref<64x512xf32, #tpu.memory_space<vmem>>
          %dma_wait3A_340 = arith.constant 0 : i32
          %dma_wait3A_341 = tpu.memref_slice %arg4[%mul3A_32, %dma_wait3A_340] : memref<32768x512xf32, #tpu.memory_space<hbm>> -> memref<64x512xf32, #tpu.memory_space<hbm>>
          %dma_wait3A_342 = tpu.memref_slice %arg12[%rem3A_316] : memref<3x!tpu.dma_semaphore, #tpu.memory_space<semaphore_mem>> -> memref<1x!tpu.dma_semaphore, #tpu.memory_space<semaphore_mem>>
          %dma_wait3A_343 = tpu.memref_squeeze %dma_wait3A_342 : memref<1x!tpu.dma_semaphore, #tpu.memory_space<semaphore_mem>> -> memref<!tpu.dma_semaphore, #tpu.memory_space<semaphore_mem>>
          %dma_wait3A_344 = arith.constant 0 : i32
          %dma_wait3A_345 = tpu.memref_slice %arg4[%mul3A_32, %dma_wait3A_344] : memref<32768x512xf32, #tpu.memory_space<hbm>> -> memref<64x512xf32, #tpu.memory_space<hbm>>
          %dma_wait3A_346 = arith.constant 0 : i32
          %dma_wait3A_347 = arith.constant 0 : i32
          %dma_wait3A_348 = tpu.memref_slice %arg8[%rem3A_316, %dma_wait3A_346, %dma_wait3A_347] : memref<3x64x512xf32, #tpu.memory_space<vmem>> -> memref<1x64x512xf32, #tpu.memory_space<vmem>>
          %dma_wait3A_349 = tpu.memref_squeeze %dma_wait3A_348 : memref<1x64x512xf32, #tpu.memory_space<vmem>> -> memref<64x512xf32, #tpu.memory_space<vmem>>
          tpu.wait_dma2 semaphore(%dma_wait3A_343 : memref<!tpu.dma_semaphore, #tpu.memory_space<semaphore_mem>>) src(%dma_wait3A_349 : memref<64x512xf32, #tpu.memory_space<vmem>>) dst(%dma_wait3A_345 : memref<64x512xf32, #tpu.memory_space<hbm>>)
        } else {
        }
        %add3A_322 = arith.constant 8 : i32
        %add3A_323 = arith.addi %add3A_262, %add3A_322 : i32
        %dma_start3A_324 = arith.constant 0 : i32
        %dma_start3A_325 = arith.constant 0 : i32
        %dma_start3A_326 = tpu.memref_slice %arg8[%rem3A_316, %dma_start3A_324, %dma_start3A_325] : memref<3x64x512xf32, #tpu.memory_space<vmem>> -> memref<1x64x512xf32, #tpu.memory_space<vmem>>
        %dma_start3A_327 = tpu.memref_squeeze %dma_start3A_326 : memref<1x64x512xf32, #tpu.memory_space<vmem>> -> memref<64x512xf32, #tpu.memory_space<vmem>>
        %dma_start3A_328 = arith.constant 0 : i32
        %dma_start3A_329 = tpu.memref_slice %arg7[%add3A_323, %dma_start3A_328] : memref<64x64xi32, #tpu.memory_space<vmem>> -> memref<1x64xi32, #tpu.memory_space<vmem>>
        %dma_start3A_330 = tpu.memref_squeeze %dma_start3A_329 : memref<1x64xi32, #tpu.memory_space<vmem>> -> memref<64xi32, #tpu.memory_space<vmem>>
        %dma_start3A_331 = arith.constant 0 : i32
        %dma_start3A_332 = arith.constant 0 : i32
        %dma_start3A_333 = tpu.memref_slice %arg2[%dma_start3A_331, %dma_start3A_332] : memref<4096x512xf32, #tpu.memory_space<hbm>> -> memref<4096x512xf32, #tpu.memory_space<hbm>>
        %dma_start3A_334 = tpu.memref_slice %arg11[%rem3A_316] : memref<3x!tpu.dma_semaphore, #tpu.memory_space<semaphore_mem>> -> memref<1x!tpu.dma_semaphore, #tpu.memory_space<semaphore_mem>>
        %dma_start3A_335 = tpu.memref_squeeze %dma_start3A_334 : memref<1x!tpu.dma_semaphore, #tpu.memory_space<semaphore_mem>> -> memref<!tpu.dma_semaphore, #tpu.memory_space<semaphore_mem>>
        tpu.enqueue_indirect_dma source(%dma_start3A_333 : memref<4096x512xf32, #tpu.memory_space<hbm>>) target(%dma_start3A_327 : memref<64x512xf32, #tpu.memory_space<vmem>>) offsets(%dma_start3A_330 : memref<64xi32, #tpu.memory_space<vmem>>) semaphore(%dma_start3A_335 : memref<!tpu.dma_semaphore, #tpu.memory_space<semaphore_mem>>)
      } else {
      }
      %while3A_312 = arith.constant 0 : i32
      scf.yield %while3A_312 : i32
    }
    %ge3A = arith.constant 3 : i32
    %ge3A_216 = arith.cmpi sge, %min3A, %ge3A : i32
    %convert_element_type3A_217 = arith.extui %ge3A_216 : i1 to i32
    %cond3A_218 = arith.constant 0 : i32
    %cond3A_219 = arith.cmpi ne, %convert_element_type3A_217, %cond3A_218 : i32
    scf.if %cond3A_219 {
      %rem3A_258 = arith.constant 3 : i32
      %rem3A_259 = arith.remsi %min3A, %rem3A_258 : i32
      %dma_wait3A_260 = arith.constant 0 : i32
      %dma_wait3A_261 = arith.constant 0 : i32
      %dma_wait3A_262 = tpu.memref_slice %arg8[%rem3A_259, %dma_wait3A_260, %dma_wait3A_261] : memref<3x64x512xf32, #tpu.memory_space<vmem>> -> memref<1x64x512xf32, #tpu.memory_space<vmem>>
      %dma_wait3A_263 = tpu.memref_squeeze %dma_wait3A_262 : memref<1x64x512xf32, #tpu.memory_space<vmem>> -> memref<64x512xf32, #tpu.memory_space<vmem>>
      %dma_wait3A_264 = arith.constant 0 : i32
      %dma_wait3A_265 = tpu.memref_slice %arg4[%mul3A_32, %dma_wait3A_264] : memref<32768x512xf32, #tpu.memory_space<hbm>> -> memref<64x512xf32, #tpu.memory_space<hbm>>
      %dma_wait3A_266 = tpu.memref_slice %arg12[%rem3A_259] : memref<3x!tpu.dma_semaphore, #tpu.memory_space<semaphore_mem>> -> memref<1x!tpu.dma_semaphore, #tpu.memory_space<semaphore_mem>>
      %dma_wait3A_267 = tpu.memref_squeeze %dma_wait3A_266 : memref<1x!tpu.dma_semaphore, #tpu.memory_space<semaphore_mem>> -> memref<!tpu.dma_semaphore, #tpu.memory_space<semaphore_mem>>
      %dma_wait3A_268 = arith.constant 0 : i32
      %dma_wait3A_269 = tpu.memref_slice %arg4[%mul3A_32, %dma_wait3A_268] : memref<32768x512xf32, #tpu.memory_space<hbm>> -> memref<64x512xf32, #tpu.memory_space<hbm>>
      %dma_wait3A_270 = arith.constant 0 : i32
      %dma_wait3A_271 = arith.constant 0 : i32
      %dma_wait3A_272 = tpu.memref_slice %arg8[%rem3A_259, %dma_wait3A_270, %dma_wait3A_271] : memref<3x64x512xf32, #tpu.memory_space<vmem>> -> memref<1x64x512xf32, #tpu.memory_space<vmem>>
      %dma_wait3A_273 = tpu.memref_squeeze %dma_wait3A_272 : memref<1x64x512xf32, #tpu.memory_space<vmem>> -> memref<64x512xf32, #tpu.memory_space<vmem>>
      tpu.wait_dma2 semaphore(%dma_wait3A_267 : memref<!tpu.dma_semaphore, #tpu.memory_space<semaphore_mem>>) src(%dma_wait3A_273 : memref<64x512xf32, #tpu.memory_space<vmem>>) dst(%dma_wait3A_269 : memref<64x512xf32, #tpu.memory_space<hbm>>)
    } else {
    }
    %ge3A_220 = arith.constant 2 : i32
    %ge3A_221 = arith.cmpi sge, %min3A, %ge3A_220 : i32
    %convert_element_type3A_222 = arith.extui %ge3A_221 : i1 to i32
    %cond3A_223 = arith.constant 0 : i32
    %cond3A_224 = arith.cmpi ne, %convert_element_type3A_222, %cond3A_223 : i32
    scf.if %cond3A_224 {
      %add3A_258 = arith.constant 1 : i32
      %add3A_259 = arith.addi %min3A, %add3A_258 : i32
      %rem3A_260 = arith.constant 3 : i32
      %rem3A_261 = arith.remsi %add3A_259, %rem3A_260 : i32
      %dma_wait3A_262 = arith.constant 0 : i32
      %dma_wait3A_263 = arith.constant 0 : i32
      %dma_wait3A_264 = tpu.memref_slice %arg8[%rem3A_261, %dma_wait3A_262, %dma_wait3A_263] : memref<3x64x512xf32, #tpu.memory_space<vmem>> -> memref<1x64x512xf32, #tpu.memory_space<vmem>>
      %dma_wait3A_265 = tpu.memref_squeeze %dma_wait3A_264 : memref<1x64x512xf32, #tpu.memory_space<vmem>> -> memref<64x512xf32, #tpu.memory_space<vmem>>
      %dma_wait3A_266 = arith.constant 0 : i32
      %dma_wait3A_267 = tpu.memref_slice %arg4[%mul3A_32, %dma_wait3A_266] : memref<32768x512xf32, #tpu.memory_space<hbm>> -> memref<64x512xf32, #tpu.memory_space<hbm>>
      %dma_wait3A_268 = tpu.memref_slice %arg12[%rem3A_261] : memref<3x!tpu.dma_semaphore, #tpu.memory_space<semaphore_mem>> -> memref<1x!tpu.dma_semaphore, #tpu.memory_space<semaphore_mem>>
      %dma_wait3A_269 = tpu.memref_squeeze %dma_wait3A_268 : memref<1x!tpu.dma_semaphore, #tpu.memory_space<semaphore_mem>> -> memref<!tpu.dma_semaphore, #tpu.memory_space<semaphore_mem>>
      %dma_wait3A_270 = arith.constant 0 : i32
      %dma_wait3A_271 = tpu.memref_slice %arg4[%mul3A_32, %dma_wait3A_270] : memref<32768x512xf32, #tpu.memory_space<hbm>> -> memref<64x512xf32, #tpu.memory_space<hbm>>
      %dma_wait3A_272 = arith.constant 0 : i32
      %dma_wait3A_273 = arith.constant 0 : i32
      %dma_wait3A_274 = tpu.memref_slice %arg8[%rem3A_261, %dma_wait3A_272, %dma_wait3A_273] : memref<3x64x512xf32, #tpu.memory_space<vmem>> -> memref<1x64x512xf32, #tpu.memory_space<vmem>>
      %dma_wait3A_275 = tpu.memref_squeeze %dma_wait3A_274 : memref<1x64x512xf32, #tpu.memory_space<vmem>> -> memref<64x512xf32, #tpu.memory_space<vmem>>
      tpu.wait_dma2 semaphore(%dma_wait3A_269 : memref<!tpu.dma_semaphore, #tpu.memory_space<semaphore_mem>>) src(%dma_wait3A_275 : memref<64x512xf32, #tpu.memory_space<vmem>>) dst(%dma_wait3A_271 : memref<64x512xf32, #tpu.memory_space<hbm>>)
    } else {
    }
    %ge3A_225 = arith.constant 1 : i32
    %ge3A_226 = arith.cmpi sge, %min3A, %ge3A_225 : i32
    %convert_element_type3A_227 = arith.extui %ge3A_226 : i1 to i32
    %cond3A_228 = arith.constant 0 : i32
    %cond3A_229 = arith.cmpi ne, %convert_element_type3A_227, %cond3A_228 : i32
    scf.if %cond3A_229 {
      %add3A_258 = arith.constant 2 : i32
      %add3A_259 = arith.addi %min3A, %add3A_258 : i32
      %rem3A_260 = arith.constant 3 : i32
      %rem3A_261 = arith.remsi %add3A_259, %rem3A_260 : i32
      %dma_wait3A_262 = arith.constant 0 : i32
      %dma_wait3A_263 = arith.constant 0 : i32
      %dma_wait3A_264 = tpu.memref_slice %arg8[%rem3A_261, %dma_wait3A_262, %dma_wait3A_263] : memref<3x64x512xf32, #tpu.memory_space<vmem>> -> memref<1x64x512xf32, #tpu.memory_space<vmem>>
      %dma_wait3A_265 = tpu.memref_squeeze %dma_wait3A_264 : memref<1x64x512xf32, #tpu.memory_space<vmem>> -> memref<64x512xf32, #tpu.memory_space<vmem>>
      %dma_wait3A_266 = arith.constant 0 : i32
      %dma_wait3A_267 = tpu.memref_slice %arg4[%mul3A_32, %dma_wait3A_266] : memref<32768x512xf32, #tpu.memory_space<hbm>> -> memref<64x512xf32, #tpu.memory_space<hbm>>
      %dma_wait3A_268 = tpu.memref_slice %arg12[%rem3A_261] : memref<3x!tpu.dma_semaphore, #tpu.memory_space<semaphore_mem>> -> memref<1x!tpu.dma_semaphore, #tpu.memory_space<semaphore_mem>>
      %dma_wait3A_269 = tpu.memref_squeeze %dma_wait3A_268 : memref<1x!tpu.dma_semaphore, #tpu.memory_space<semaphore_mem>> -> memref<!tpu.dma_semaphore, #tpu.memory_space<semaphore_mem>>
      %dma_wait3A_270 = arith.constant 0 : i32
      %dma_wait3A_271 = tpu.memref_slice %arg4[%mul3A_32, %dma_wait3A_270] : memref<32768x512xf32, #tpu.memory_space<hbm>> -> memref<64x512xf32, #tpu.memory_space<hbm>>
      %dma_wait3A_272 = arith.constant 0 : i32
      %dma_wait3A_273 = arith.constant 0 : i32
      %dma_wait3A_274 = tpu.memref_slice %arg8[%rem3A_261, %dma_wait3A_272, %dma_wait3A_273] : memref<3x64x512xf32, #tpu.memory_space<vmem>> -> memref<1x64x512xf32, #tpu.memory_space<vmem>>
      %dma_wait3A_275 = tpu.memref_squeeze %dma_wait3A_274 : memref<1x64x512xf32, #tpu.memory_space<vmem>> -> memref<64x512xf32, #tpu.memory_space<vmem>>
      tpu.wait_dma2 semaphore(%dma_wait3A_269 : memref<!tpu.dma_semaphore, #tpu.memory_space<semaphore_mem>>) src(%dma_wait3A_275 : memref<64x512xf32, #tpu.memory_space<vmem>>) dst(%dma_wait3A_271 : memref<64x512xf32, #tpu.memory_space<hbm>>)
    } else {
    }
    %while3A_230 = arith.constant 14 : i32
    %while3A_231 = arith.constant 0 : i32
    %while3A_232 = arith.subi %while3A_230, %min3A : i32
    %while3A_233 = arith.addi %min3A, %while3A_232 : i32
    %while3A_234 = arith.constant 1 : i32
    %while3A_235 = arith.divsi %while3A_232, %while3A_234 : i32
    %while3A_236 = arith.muli %while3A_235, %while3A_234 : i32
    %while3A_237 = arith.addi %min3A, %while3A_236 : i32
    %while3A_238 = arith.constant 1 : i32
    %while3A_239 = scf.for %while3A_258 = %min3A to %while3A_237 step %while3A_238 iter_args(%while3A_259 = %while3A_231) -> (i32)  : i32 {
      %dma_wait3A_260 = arith.constant 0 : i32
      %dma_wait3A_261 = tpu.memref_slice %arg4[%mul3A_32, %dma_wait3A_260] : memref<32768x512xf32, #tpu.memory_space<hbm>> -> memref<64x512xf32, #tpu.memory_space<hbm>>
      tpu.wait_dma2 semaphore(%arg13 : memref<!tpu.dma_semaphore, #tpu.memory_space<semaphore_mem>>) src(%arg10 : memref<64x512xf32, #tpu.memory_space<vmem_shared>>) dst(%dma_wait3A_261 : memref<64x512xf32, #tpu.memory_space<hbm>>)
      %while3A_262 = arith.constant 0 : i32
      scf.yield %while3A_262 : i32
    }
    %while3A_240 = arith.constant 1 : i32
    %while3A_241 = scf.for %while3A_258 = %while3A_237 to %while3A_233 step %while3A_240 iter_args(%while3A_259 = %while3A_239) -> (i32)  : i32 {
      %dma_wait3A_260 = arith.constant 0 : i32
      %dma_wait3A_261 = tpu.memref_slice %arg4[%mul3A_32, %dma_wait3A_260] : memref<32768x512xf32, #tpu.memory_space<hbm>> -> memref<64x512xf32, #tpu.memory_space<hbm>>
      tpu.wait_dma2 semaphore(%arg13 : memref<!tpu.dma_semaphore, #tpu.memory_space<semaphore_mem>>) src(%arg10 : memref<64x512xf32, #tpu.memory_space<vmem_shared>>) dst(%dma_wait3A_261 : memref<64x512xf32, #tpu.memory_space<hbm>>)
      %while3A_262 = arith.constant 0 : i32
      scf.yield %while3A_262 : i32
    }
    %dma_wait3A_242 = arith.constant 0 : i32
    %dma_wait3A_243 = tpu.memref_slice %arg4[%mul3A_32, %dma_wait3A_242] : memref<32768x512xf32, #tpu.memory_space<hbm>> -> memref<32x512xf32, #tpu.memory_space<hbm>>
    %dma_wait3A_244 = arith.constant 0 : i32
    %dma_wait3A_245 = tpu.memref_slice %arg4[%mul3A_32, %dma_wait3A_244] : memref<32768x512xf32, #tpu.memory_space<hbm>> -> memref<32x512xf32, #tpu.memory_space<hbm>>
    tpu.wait_dma2 semaphore(%arg13 : memref<!tpu.dma_semaphore, #tpu.memory_space<semaphore_mem>>) src(%arg9 : memref<32x512xf32, #tpu.memory_space<vmem>>) dst(%dma_wait3A_245 : memref<32x512xf32, #tpu.memory_space<hbm>>)
    %dma_wait3A_246 = arith.constant 0 : i32
    %dma_wait3A_247 = tpu.memref_slice %arg4[%mul3A_32, %dma_wait3A_246] : memref<32768x512xf32, #tpu.memory_space<hbm>> -> memref<32x512xf32, #tpu.memory_space<hbm>>
    %dma_wait3A_248 = arith.constant 0 : i32
    %dma_wait3A_249 = tpu.memref_slice %arg4[%mul3A_32, %dma_wait3A_248] : memref<32768x512xf32, #tpu.memory_space<hbm>> -> memref<32x512xf32, #tpu.memory_space<hbm>>
    tpu.wait_dma2 semaphore(%arg13 : memref<!tpu.dma_semaphore, #tpu.memory_space<semaphore_mem>>) src(%arg9 : memref<32x512xf32, #tpu.memory_space<vmem>>) dst(%dma_wait3A_249 : memref<32x512xf32, #tpu.memory_space<hbm>>)
    %dma_wait3A_250 = arith.constant 0 : i32
    %dma_wait3A_251 = tpu.memref_slice %arg4[%mul3A_32, %dma_wait3A_250] : memref<32768x512xf32, #tpu.memory_space<hbm>> -> memref<32x512xf32, #tpu.memory_space<hbm>>
    %dma_wait3A_252 = arith.constant 0 : i32
    %dma_wait3A_253 = tpu.memref_slice %arg4[%mul3A_32, %dma_wait3A_252] : memref<32768x512xf32, #tpu.memory_space<hbm>> -> memref<32x512xf32, #tpu.memory_space<hbm>>
    tpu.wait_dma2 semaphore(%arg13 : memref<!tpu.dma_semaphore, #tpu.memory_space<semaphore_mem>>) src(%arg9 : memref<32x512xf32, #tpu.memory_space<vmem>>) dst(%dma_wait3A_253 : memref<32x512xf32, #tpu.memory_space<hbm>>)
    %dma_wait3A_254 = arith.constant 0 : i32
    %dma_wait3A_255 = tpu.memref_slice %arg4[%mul3A_32, %dma_wait3A_254] : memref<32768x512xf32, #tpu.memory_space<hbm>> -> memref<32x512xf32, #tpu.memory_space<hbm>>
    %dma_wait3A_256 = arith.constant 0 : i32
    %dma_wait3A_257 = tpu.memref_slice %arg4[%mul3A_32, %dma_wait3A_256] : memref<32768x512xf32, #tpu.memory_space<hbm>> -> memref<32x512xf32, #tpu.memory_space<hbm>>
    tpu.wait_dma2 semaphore(%arg13 : memref<!tpu.dma_semaphore, #tpu.memory_space<semaphore_mem>>) src(%arg9 : memref<32x512xf32, #tpu.memory_space<vmem>>) dst(%dma_wait3A_257 : memref<32x512xf32, #tpu.memory_space<hbm>>)
    return
  }
}

</mosaic_0001>

<sc_bundles>
// kernel: kernel.3.cloned.1.call-start
scs
__scs_entry_jumppad:
0x0: {  	(pc) =	sbr.rel $0x88, $3  }
0x1: {  	(tag) =	ssettag $0x0;
	lr =	simm.s32 $0x1  }
0x2: {  	[smem:$0x3F9F] =	sst lr;
	_ =	strace $0xD0000000  }
0x3: {  	_ = 	snop  }
0x4: {  	_ = 	snop  }
0x5: {  	_ = 	snop  }
0x6: {  	_ = 	snop  }
0x7: {  	_ = 	snop  }
__scs_overlays_trampoline_lowered:
0x8: {  	[smem:$0x3FAE] =	sst s0  }
0x9: {  	[smem:$0x3FAF] =	sst s1  }
0xa: {  	[smem:$0x3FB0] =	sst s2  }
0xb: {  	[smem:$0x3FB1] =	sst s3  }
0xc: {  	[smem:$0x3FB2] =	sst s4  }
0xd: {  	[smem:$0x3FB3] =	sst s5  }
0xe: {  	[smem:$0x3FB4] =	sst s6  }
0xf: {  	[smem:$0x3FB5] =	sst s7  }
0x10: {  	[smem:$0x3FB6] =	sst s8  }
0x11: {  	[smem:$0x3FB7] =	sst s9;
	s0 =	simm.s32 @!p0 $0x0  }
0x12: {  	s1 =	sld [smem:$0x3F9D];
	s0 =	simm.s32 @p0 $0x1  }
0x13: {  	[smem:$0x3FB8] =	sst s0;
	s0 =	simm.s32 @!p1 $0x0  }
0x14: {  	s2 =	sld [smem:$0x3F9C];
	s0 =	simm.s32 @p1 $0x1  }
0x15: {  	[smem:$0x3FB9] =	sst s0;
	s0 =	simm.s32 @!p2 $0x0  }
0x16: {  	s3 =	sld [smem:$0x3FDB];
	s0 =	simm.s32 @p2 $0x1  }
0x17: {  	s4 =	simm.s32 $0x1BF5;
	[smem:$0x3FBB] =	sst s0  }
0x18: {  	s0 =	sld [smem:$0x3F9E];
	_ =	swait.ge [sflag:s4], $0x0  }
0x19: {  	s7 =	sld [smem:$0x3F9F]  }
0x1a: {  	s8 =	sadd.s32 $0xFFFFE003, lr  }
0x1b: {  	s9 =	sadd.s32 $0xFFFFFEF7, lr;
	s5 =	simm.s32 $0xFFFFFFFF;
	p2 =	slt.u32 s8, $0xFFFFF086  }
0x1c: {  	p1 =	slt.u32 s9, $0xF7A;
	s5 =	simm.s32 @!p2 $0x0  }
0x1d: {  	s5 =	simm.s32 @p1 $0x1;
	p0 =	seq.s32 s7, s2  }
0x1e: {  	s7 =	smul.u32 @!p0 $0xF7A, s2;
	p2 =	seq.s32 @!p0 s5, $0x0  }
0x1f: {  	s9 =	smul.u32 $0xF7A, s1;
	s8 =	simm.s32 @!p0 $0x1BF5;
	p2 =	por !p2, p0  }
0x20: {  	[sflag:s8] =	ssyncset.s32 @!p0 $0xFFFFF086;
	s6 =	sadd.s32 @!p0 s3, s7;
	s7 =	simm.s32 @!p0 $0x108  }
0x21: {  	s3 =	sadd.s32 s3, s9;
	s6 =	sadd.s32 @!p0 $0x88, s6;
	s7 =	simm.s32 @p2 $0x1082  }
0x22: {  	[simem:s7], [sflag:s8] =	dma.local @!p0 [hbm:s6], $0xF7A  }
0x23: {  	s9 =	sor.u32 $0xD0000000, s2;
	s6 =	simm.s32 $0x108;
	_ =	swait.ge @!p0 [sflag:s8], $0x0  }
0x24: {  	s3 =	sadd.s32 $0x88, s3;
	s6 =	simm.s32 @!p1 $0x1082;
	[sflag:s4] =	ssyncset.s32 $0xFFFFF086  }
0x25: {  	[simem:s6], [sflag:s4] =	dma.local [hbm:s3], $0xF7A  }
0x26: {  	[smem:$0x3F9F] =	sst s1;
	(tag) =	ssettag s2;
	_ =	strace s9  }
0x27: {  	s1 =	sld [smem:$0x3FAF]  }
0x28: {  	s2 =	sld [smem:$0x3FB0]  }
0x29: {  	s4 =	sld [smem:$0x3FB2]  }
0x2a: {  	p0 =	seq.s32 s5, $0x0;
	s5 =	sld [smem:$0x3FB3]  }
0x2b: {  	s6 =	sld [smem:$0x3FB4]  }
0x2c: {  	s7 =	sld [smem:$0x3FB5]  }
0x2d: {  	s3 =	simm.s32 $0x108;
	s8 =	sld [smem:$0x3FB6]  }
0x2e: {  	s3 =	simm.s32 @!p0 $0x1082;
	s9 =	sld [smem:$0x3FB7]  }
0x2f: {  	lr =	sadd.s32 s0, s3;
	s0 =	sld [smem:$0x3FAE]  }
0x30: {  	s3 =	sld [smem:$0x3FB1]  }
0x31: {  	[smem:$0x3FBA] =	sst s10  }
0x32: {  	s10 =	sld [smem:$0x3FB8];
	_ =	sdelay $0x3  }
0x33: {  	p0 =	seq.s32 s10, $0x1;
	s10 =	sld [smem:$0x3FBA];
	_ =	sdelay $0x3  }
0x34: {  	[smem:$0x3FBA] =	sst s10  }
0x35: {  	s10 =	sld [smem:$0x3FB9];
	_ =	sdelay $0x3  }
0x36: {  	p1 =	seq.s32 s10, $0x1;
	s10 =	sld [smem:$0x3FBA];
	_ =	sdelay $0x3  }
0x37: {  	[smem:$0x3FBA] =	sst s10  }
0x38: {  	s10 =	sld [smem:$0x3FBB]  }
0x39: {  	_ = 	snop;
	(pc) =	sbr.ind lr, $3  }
0x3a: {  	_ = 	snop  }
0x3b: {  	_ = 	snop  }
0x3c: {  	p2 =	seq.s32 s10, $0x1;
	s10 =	sld [smem:$0x3FBA]  }
0x3d: {  	_ =	shalt  }
0x3e: {  	_ =	shalt  }
0x3f: {  	_ =	shalt  }
0x40: {  	_ =	shalt  }
0x41: {  	_ =	shalt  }
0x42: {  	_ =	shalt  }
0x43: {  	_ =	shalt  }
0x44: {  	_ =	shalt  }
0x45: {  	_ =	shalt  }
0x46: {  	_ =	shalt  }
0x47: {  	_ =	shalt  }
0x48: {  	_ =	shalt  }
0x49: {  	_ =	shalt  }
0x4a: {  	_ =	shalt  }
0x4b: {  	_ =	shalt  }
0x4c: {  	_ =	shalt  }
0x4d: {  	_ =	shalt  }
0x4e: {  	_ =	shalt  }
0x4f: {  	_ =	shalt  }
0x50: {  	_ =	shalt  }
0x51: {  	_ =	shalt  }
0x52: {  	_ =	shalt  }
0x53: {  	_ =	shalt  }
0x54: {  	_ =	shalt  }
0x55: {  	_ =	shalt  }
0x56: {  	_ =	shalt  }
0x57: {  	_ =	shalt  }
0x58: {  	_ =	shalt  }
0x59: {  	_ =	shalt  }
0x5a: {  	_ =	shalt  }
0x5b: {  	_ =	shalt  }
0x5c: {  	_ =	shalt  }
0x5d: {  	_ =	shalt  }
0x5e: {  	_ =	shalt  }
0x5f: {  	_ =	shalt  }
0x60: {  	_ =	shalt  }
0x61: {  	_ =	shalt  }
0x62: {  	_ =	shalt  }
0x63: {  	_ =	shalt  }
0x64: {  	_ =	shalt  }
0x65: {  	_ =	shalt  }
0x66: {  	_ =	shalt  }
0x67: {  	_ =	shalt  }
0x68: {  	_ =	shalt  }
0x69: {  	_ =	shalt  }
0x6a: {  	_ =	shalt  }
0x6b: {  	_ =	shalt  }
0x6c: {  	_ =	shalt  }
0x6d: {  	_ =	shalt  }
0x6e: {  	_ =	shalt  }
0x6f: {  	_ =	shalt  }
0x70: {  	_ =	shalt  }
0x71: {  	_ =	shalt  }
0x72: {  	_ =	shalt  }
0x73: {  	_ =	shalt  }
0x74: {  	_ =	shalt  }
0x75: {  	_ =	shalt  }
0x76: {  	_ =	shalt  }
0x77: {  	_ =	shalt  }
0x78: {  	_ =	shalt  }
0x79: {  	_ =	shalt  }
0x7a: {  	_ =	shalt  }
0x7b: {  	_ =	shalt  }
0x7c: {  	_ =	shalt  }
0x7d: {  	_ =	shalt  }
0x7e: {  	_ =	shalt  }
0x7f: {  	_ =	shalt  }
0x80: {  	_ =	shalt  }
0x81: {  	_ =	shalt  }
0x82: {  	_ =	shalt  }
0x83: {  	_ =	shalt  }
0x84: {  	_ =	shalt  }
0x85: {  	_ =	shalt  }
0x86: {  	_ =	shalt  }
0x87: {  	_ =	shalt  }
.Lfunc_end0:
.L_simem_size_0:
called_computation_lowered:
.L_overlay_start_0:
0x88: {  	s2 =	sld [smem:$0x3FD9]  }
0x89: {  	s3 =	sld [smem:$0x3FFE];
	_ =	sdelay $0x1  }
0x8a: {  	s1 =	srdreg.scid  }
0x8b: {  	s0 =	sand.u32 $0x1, s1  }
0x8c: {  	s17 =	sshll.u32 s0, $0xA;
	s2 =	sadd.s32 s3, s2  }
0x8d: {  	s2 =	sadd.s32 s2, s17  }
0x8e: {  	[smem:$0x3FC6] =	sst s2  }
0x8f: {  	_ = 	snop  }
0x90: {  	s2 =	sld [smem:$0x3FC9]  }
0x91: {  	s18 =	sld [smem:$0x3FD0];
	(tm) =	ssettm $0x1  }
0x92: {  	s4 =	sld [smem:$0x3FFB];
	_ =	sdelay $0x3  }
0x93: {  	_ =	strace s4  }
0x94: {  	s4 =	sld [smem:$0x3FFC];
	_ =	sdelay $0x3  }
0x95: {  	_ =	strace s4  }
0x96: {  	s4 =	sld [smem:$0x3FFD];
	_ =	sdelay $0x3  }
0x97: {  	_ =	strace s4  }
0x98: {  	_ =	strace $0x8FFFFFFF  }
0x99: {  	s19 =	sld [smem:$0x3FDB];
	_ =	sdelay $0x1  }
0x9a: {  	s5 =	simm.s32 $_scs_section_size  }
0x9b: {  	s6 =	simm.s32 $_size__tile_overlayer_lowered;
	s7 =	simm.s32 $_tile_overlayer_lowered  }
0x9c: {  	s22 =	simm.s32 $0x1BFF;
	s21 =	sshll.u32 s7, $0x1;
	s4 =	sadd.s32 s5, s19  }
0x9d: {  	s8 =	simm.s32 $0x0;
	s20 =	sshll.u32 s6, $0x1;
	s6 =	sadd.s32 s21, s4  }
0x9e: {  	[timem:s8], [sflag:s22] =	dma.local [hbm:s6], s20  }
0x9f: {  	_ =	swait.ge [sflag:s22], s20  }
0xa0: {  	s5 =	ssub.s32 $0x0, s20;
	[sflag:s22] =	ssyncset.done $0x0  }
0xa1: {  	[sflag:s22] =	ssyncadd.s32 s5;
	_ =	sdelay $0x1  }
0xa2: {  	s23 =	simm.s32 $0x1B8B  }
0xa3: {  	_ =	swait.ge [sflag:s23], $0x1  }
0xa4: {  	[sflag:s23] =	ssyncset.done $0x0  }
0xa5: {  	s25 =	simm.s32 $0x1B8E;
	s24 =	sld [smem:$0x3FFE];
	[sflag:s23] =	ssyncadd.s32 $0xFFFFFFFF  }
0xa6: {  	s26 =	simm.s32 $execute0_lowered;
	[smem:$0x3FD2] =	sst s25  }
0xa7: {  	s6 =	sshll.u32 s26, $0x1;
	_ =	strace $0x80000046;
	[dreg:$0x1] =	wrdreg $0xFFFFFFFF  }
0xa8: {  	s28 =	simm.s32 $_size_execute0_lowered;
	s4 =	sadd.s32 s4, s6;
	[dreg:$0x0] =	wrdreg $0x0  }
0xa9: {  	s6 =	sshll.u32 s28, $0x1;
	[dreg:$0x2] =	wrdreg s4  }
0xaa: {  	[dreg:$0x3] =	wrdreg s6  }
0xab: {  	[dreg:$0x4] =	wrdreg $0xC0  }
0xac: {  	_ =	task [dreg:s8], $0x5FFFF  }
0xad: {  	[dreg:$0x1] =	wrdreg $0xFFFFFFFF  }
0xae: {  	[dreg:$0x0] =	wrdreg $0x60  }
0xaf: {  	[dreg:$0x2] =	wrdreg s2  }
0xb0: {  	[dreg:$0x3] =	wrdreg s24  }
0xb1: {  	[dreg:$0x4] =	wrdreg s18  }
0xb2: {  	[dreg:$0x5] =	wrdreg $0x1F2000  }
0xb3: {  	[dreg:$0x6] =	wrdreg $0x9  }
0xb4: {  	_ =	task.clear_ibuf [dreg:s8], $0x7FFFF;
	_ =	strace $0x90000046  }
0xb5: {  	s29 =	simm.s32 $0x9;
	_ =	strace $0x80000048  }
0xb6: {  	_ =	swait.ge [sflag:s29], $0x1  }
0xb7: {  	[sflag:s29] =	ssyncadd.s32 $0xFFFFFFFF  }
0xb8: {  	_ =	strace $0x90000048  }
0xb9: {  	_ =	sfence  }
0xba: {  	s30 =	sld [smem:$0x0];
	_ =	sdelay $0x2  }
0xbb: {  	s31 =	sshll.u32 s1, $0xD;
	s1 =	sshrl.u32 s1, $0x2  }
0xbc: {  	s3 =	sand.u32 $0x4000, s31;
	s1 =	sadd.s32 s1, s30  }
0xbd: {  	s0 =	sor.u32 s3, s0;
	s1 =	sshll.u32 s1, $0x11  }
0xbe: {  	s0 =	sor.u32 s1, s0  }
0xbf: {  	s0 =	sadd.s32 $0x8F2B, s0  }
0xc0: {  	[sflag:s0] =	ssyncadd.remote.s32 $0x1  }
0xc1: {  	_ =	sfence.sel $0xFFFF  }
0xc2: {  	[dreg:$0x0] =	wrdreg $0xFFFFFFFF;
	(pc) =	sbr.abs _section_cstart, $3  }
0xc3: {  	[dreg:$0x1] =	wrdreg $0xFFFFFFFF  }
0xc4: {  	_ =	task.clear_ibuf [dreg:s8], $0x2FFFF;
	_ =	strace $0x9FFFFFFF  }
0xc5: {  	(tm) =	ssettm $0x7FFFFFFF  }
tec
execute0_lowered:
.L_overlay_start_1:
0x0: {  	(tag) =	ssettag $0x1  }
0x1: {  	s1 =	rddreg [dreg:$0x0]  }
0x2: {  	s0 =	rddreg [dreg:$0x1]  }
0x3: {  	s2 =	rddreg [dreg:$0x2]  }
0x4: {  	s12 =	rddreg [dreg:$0x3];
	s18 =	stileid.u32  }
0x5: {  	s3 =	srdreg.scid;
	s5 =	simm.s32 $0x0;
	s20 =	simm.s32 $0x7  }
0x6: {  	s31 =	simm.s32 $0x0;
	s4 =	sshll.u32 s18, $0x1;
	s3 =	sand.u32 $0x1, s3  }
0x7: {  	[smem:$0x7FF] =	sst s5;
	s8 =	sshrl.u32 s18, $0x1;
	s23 =	sadd.s32 $0x4000, s12  }
0x8: {  	s25 =	sadd.s32 $0x800, s2;
	s14 =	sand.u32 $0x1, s18;
	s16 =	sadd.s32 $0x100, s1  }
0x9: {  	p0 =	sne.s32 s18, $0x0;
	s4 =	sand.u32 $0x2, s4;
	_ =	strace $0x80000047  }
0xa: {  	s7 =	sshll.u32 s8, $0xC;
	s9 =	sshll.u32 s8, $0x6;
	s10 =	ssub.s32 $0x2, s3  }
0xb: {  	s8 =	sshll.u32 s8, $0x9;
	[dreg:$0x6] =	wrdreg s23;
	s28 =	sshll.u32 s14, $0x7  }
0xc: {  	s6 =	sor.u32 s3, s4;
	s0 =	sadd.s32 s9, s0;
	s21 =	sshrl.u32 s10, $0x1  }
0xd: {  	s29 =	sor.u32 s28, s7;
	s3 =	sshll.u32 s3, $0x6;
	s4 =	sshll.u32 s6, $0x6  }
0xe: {  	s9 =	ssub.s32 s10, s21;
	s0 =	sadd.s32 $0x400, s0;
	s15 =	sshll.u32 s6, $0x7  }
0xf: {  	s21 =	simm.s32 $0x1B200;
	s11 =	sor.u32 s4, s7;
	[dreg:$0x5] =	wrdreg s0  }
0x10: {  	s0 =	sor.u32 s3, s29;
	s3 =	sor.u32 s28, s3;
	s11 =	sshll.u32 s11, $0x6  }
0x11: {  	s0 =	sshll.u32 s0, $0x6;
	s30 =	ssub.s32 $0x0, s3;
	s22 =	sor.u32 $0x38000, s11  }
.Ltmp0:
0x12: {  	s0 =	sadd.s32 s0, s2;
	[dreg:$0xb] =	wrdreg s30;
	(pc) =	sbr.rel .LBB2_1-.Ltmp0, $4  }
0x13: {  	v1 =	vimm.s32 $0x0;
	s14 =	sxor.u32 $0xFF, s4;
	s24 =	sadd.s32 s2, s22;
	[dreg:$0xa] =	wrdreg s0  }
0x14: {  	v2 =	vimm.f32 $0.0e+00;
	v6 =	vlaneseq.u32;
	v3 =	vimm.s32 $0x1;
	s13 =	sor.u32 $0x3C000, s11;
	s10 =	sadd.s32 s22, s25;
	[dreg:$0x7] =	wrdreg s24  }
0x15: {  	vm0 =	vmmov $0xffff;
	v4 =	vand.u32 $0x7, v6;
	v5 =	vshrl.u32 v6, $0x3;
	s17 =	smax.u32 s9, $0x1;
	s26 =	sadd.s32 s2, s13;
	[dreg:$0x8] =	wrdreg s10  }
0x16: {  	v6 =	vor.u32 $0x8, v6;
	v5 =	vmul.u32 $0x8, v5;
	v0 =	vmov s8;
	s13 =	sadd.s32 s13, s25;
	s22 =	simm.s32 $0x200;
	[dreg:$0x9] =	wrdreg s26  }
.LBB2_37:
0x17: {  	[sflag:s20] =	ssyncadd.s32 $0xFFFFF000  }
.LBB2_38:
0x18: {  	_ =	swait.ge [sflag:s20], $0x4000  }
0x19: {  	[sflag:s20] =	ssyncset.done $0x0  }
0x1a: {  	[sflag:s20] =	ssyncadd.s32 $0xFFFFC000  }
0x1b: {  	_ =	swait.ge [sflag:s20], $0x4000  }
0x1c: {  	[sflag:s20] =	ssyncset.done $0x0  }
0x1d: {  	s31 =	sadd.s32 $0x1, s31;
	[sflag:s20] =	ssyncadd.s32 $0xFFFFC000  }
0x1e: {  	p1 =	sne.s32 s31, s17;
	_ =	swait.ge [sflag:s20], $0x4000  }
.Ltmp1:
0x1f: {  	[sflag:s20] =	ssyncset.done $0x0;
	(pc) =	sbr.rel @!p1 .LBB2_39-.Ltmp1, $4  }
0x20: {  	[sflag:s20] =	ssyncadd.s32 $0xFFFFC000  }
0x21: {  	_ =	swait.ge [sflag:s20], $0x4000  }
0x22: {  	[sflag:s20] =	ssyncset.done $0x0  }
0x23: {  	[sflag:s20] =	ssyncadd.s32 $0xFFFFC000  }
.LBB2_1:
0x24: {  	s0 =	rddreg [dreg:$0x5]  }
0x25: {  	[tilespmem:s5], [sflag:$0x7] =	stream.linear.gather [hbm4b:s0+s5], $0x200, $0x38;
	[tilespmem:$0x1FA00] =	vst v63  }
0x26: {  	s3 =	simm.s32 $0x400;
	s0 =	simm.s32 $0x0  }
.LBB2_2:
0x27: {  	p1 =	sne.s32 s3, $0x3C00;
	[tilespmem:s0+$0x2F0] =	vst v1  }
0x28: {  	[tilespmem:s0+$0x200] =	vst v1  }
0x29: {  	[tilespmem:s0+$0x210] =	vst v1  }
0x2a: {  	[tilespmem:s0+$0x220] =	vst v1  }
0x2b: {  	[tilespmem:s0+$0x230] =	vst v1  }
0x2c: {  	[tilespmem:s0+$0x240] =	vst v1  }
0x2d: {  	[tilespmem:s0+$0x250] =	vst v1  }
0x2e: {  	[tilespmem:s0+$0x260] =	vst v1  }
0x2f: {  	[tilespmem:s0+$0x270] =	vst v1  }
0x30: {  	[tilespmem:s0+$0x280] =	vst v1  }
0x31: {  	[tilespmem:s0+$0x290] =	vst v1  }
.Ltmp2:
0x32: {  	[tilespmem:s0+$0x2A0] =	vst v1;
	(pc) =	sbr.rel @p1 .LBB2_2-.Ltmp2, $4  }
0x33: {  	[tilespmem:s0+$0x2B0] =	vst v1  }
0x34: {  	[tilespmem:s0+$0x2C0] =	vst v1  }
0x35: {  	[tilespmem:s0+$0x2D0] =	vst v1  }
0x36: {  	[tilespmem:s0+$0x2E0] =	vst v1;
	s0 =	sshra.s32 s3, $0x2;
	s3 =	sadd.s32 $0x400, s3  }
0x37: {  	[tilespmem:s0+$0x2F0] =	vst v1  }
0x38: {  	[tilespmem:s0+$0x200] =	vst v1  }
0x39: {  	[tilespmem:s0+$0x210] =	vst v1  }
0x3a: {  	[tilespmem:s0+$0x220] =	vst v1  }
0x3b: {  	[tilespmem:s0+$0x230] =	vst v1  }
0x3c: {  	[tilespmem:s0+$0x240] =	vst v1  }
0x3d: {  	[tilespmem:s0+$0x250] =	vst v1  }
0x3e: {  	[tilespmem:s0+$0x260] =	vst v1  }
0x3f: {  	[tilespmem:s0+$0x270] =	vst v1  }
0x40: {  	[tilespmem:s0+$0x280] =	vst v1  }
0x41: {  	[tilespmem:s0+$0x290] =	vst v1  }
0x42: {  	[tilespmem:s0+$0x2A0] =	vst v1  }
0x43: {  	[tilespmem:s0+$0x2B0] =	vst v1  }
0x44: {  	[tilespmem:s0+$0x2C0] =	vst v1;
	s3 =	simm.s32 $0x0  }
0x45: {  	[tilespmem:s0+$0x2D0] =	vst v1;
	s4 =	sand.u32 $0x3000, s3;
	s3 =	sand.u32 $0x380, s3  }
0x46: {  	[tilespmem:s0+$0x2E0] =	vst v1;
	s3 =	sor.u32 s3, s4  }
0x47: {  	s0 =	sadd.s32 $0x1B200, s3;
	[tilespmem:s3+$0x1B200] =	vst v2  }
0x48: {  	[tilespmem:s0+$0x10] =	vst v2  }
0x49: {  	[tilespmem:s0+$0x20] =	vst v2  }
0x4a: {  	[tilespmem:s0+$0x30] =	vst v2  }
0x4b: {  	[tilespmem:s0+$0x40] =	vst v2  }
0x4c: {  	[tilespmem:s0+$0x50] =	vst v2  }
0x4d: {  	[tilespmem:s0+$0x60] =	vst v2  }
0x4e: {  	[tilespmem:s0+$0x70] =	vst v2  }
0x4f: {  	[tilespmem:s0+$0x400] =	vst v2  }
0x50: {  	[tilespmem:s0+$0x410] =	vst v2  }
0x51: {  	[tilespmem:s0+$0x420] =	vst v2  }
0x52: {  	[tilespmem:s0+$0x430] =	vst v2  }
0x53: {  	[tilespmem:s0+$0x440] =	vst v2  }
0x54: {  	[tilespmem:s0+$0x450] =	vst v2  }
0x55: {  	[tilespmem:s0+$0x460] =	vst v2  }
0x56: {  	[tilespmem:s0+$0x470] =	vst v2  }
0x57: {  	[tilespmem:s0+$0x800] =	vst v2  }
0x58: {  	[tilespmem:s0+$0x810] =	vst v2  }
0x59: {  	[tilespmem:s0+$0x820] =	vst v2  }
0x5a: {  	[tilespmem:s0+$0x830] =	vst v2  }
0x5b: {  	[tilespmem:s0+$0x840] =	vst v2  }
0x5c: {  	[tilespmem:s0+$0x850] =	vst v2  }
0x5d: {  	[tilespmem:s0+$0x860] =	vst v2  }
0x5e: {  	[tilespmem:s0+$0x870] =	vst v2  }
0x5f: {  	[tilespmem:s0+$0xC00] =	vst v2  }
0x60: {  	[tilespmem:s0+$0xC10] =	vst v2  }
0x61: {  	[tilespmem:s0+$0xC20] =	vst v2  }
0x62: {  	[tilespmem:s0+$0xC30] =	vst v2  }
0x63: {  	[tilespmem:s0+$0xC40] =	vst v2  }
0x64: {  	s30 =	simm.s32 $0x200;
	s3 =	simm.s32 $0x80;
	[tilespmem:s0+$0xC50] =	vst v2  }
0x65: {  	s8 =	sand.u32 $0x3000, s30;
	s4 =	simm.s32 $0x400;
	s9 =	sand.u32 $0x380, s3;
	[tilespmem:s0+$0xC60] =	vst v2  }
.LBB2_4:
0x66: {  	p1 =	sne.s32 s4, $0x3E00;
	s8 =	sor.u32 s9, s8;
	[tilespmem:s0+$0xC70] =	vst v2  }
0x67: {  	s0 =	sadd.s32 $0x1B200, s8;
	[tilespmem:s8+$0x1B200] =	vst v2  }
0x68: {  	[tilespmem:s0+$0x10] =	vst v2  }
0x69: {  	[tilespmem:s0+$0x20] =	vst v2  }
0x6a: {  	[tilespmem:s0+$0x30] =	vst v2  }
0x6b: {  	[tilespmem:s0+$0x40] =	vst v2  }
0x6c: {  	[tilespmem:s0+$0x50] =	vst v2  }
0x6d: {  	[tilespmem:s0+$0x60] =	vst v2  }
0x6e: {  	[tilespmem:s0+$0x70] =	vst v2  }
0x6f: {  	[tilespmem:s0+$0x400] =	vst v2  }
0x70: {  	[tilespmem:s0+$0x410] =	vst v2  }
0x71: {  	[tilespmem:s0+$0x420] =	vst v2  }
0x72: {  	[tilespmem:s0+$0x430] =	vst v2  }
0x73: {  	[tilespmem:s0+$0x440] =	vst v2  }
0x74: {  	[tilespmem:s0+$0x450] =	vst v2  }
0x75: {  	[tilespmem:s0+$0x460] =	vst v2  }
0x76: {  	[tilespmem:s0+$0x470] =	vst v2  }
0x77: {  	[tilespmem:s0+$0x800] =	vst v2  }
0x78: {  	[tilespmem:s0+$0x810] =	vst v2  }
0x79: {  	[tilespmem:s0+$0x820] =	vst v2  }
0x7a: {  	[tilespmem:s0+$0x830] =	vst v2  }
0x7b: {  	[tilespmem:s0+$0x840] =	vst v2  }
0x7c: {  	[tilespmem:s0+$0x850] =	vst v2  }
0x7d: {  	[tilespmem:s0+$0x860] =	vst v2  }
0x7e: {  	[tilespmem:s0+$0x870] =	vst v2  }
0x7f: {  	[tilespmem:s0+$0xC00] =	vst v2  }
0x80: {  	[tilespmem:s0+$0xC10] =	vst v2  }
.Ltmp3:
0x81: {  	[tilespmem:s0+$0xC20] =	vst v2;
	(pc) =	sbr.rel @p1 .LBB2_4-.Ltmp3, $4  }
0x82: {  	[tilespmem:s0+$0xC30] =	vst v2  }
0x83: {  	[tilespmem:s0+$0xC40] =	vst v2  }
0x84: {  	s3 =	sadd.s32 $0x80, s3;
	[tilespmem:s0+$0xC50] =	vst v2  }
0x85: {  	s8 =	sand.u32 $0x3000, s4;
	s9 =	sand.u32 $0x380, s3;
	s4 =	sadd.s32 $0x200, s4;
	[tilespmem:s0+$0xC60] =	vst v2  }
0x86: {  	s3 =	sor.u32 s9, s8;
	[tilespmem:s0+$0xC70] =	vst v2  }
0x87: {  	s24 =	sadd.s32 $0x1B200, s3;
	[tilespmem:s3+$0x1B200] =	vst v2  }
0x88: {  	[tilespmem:s24+$0x10] =	vst v2  }
0x89: {  	[tilespmem:s24+$0x20] =	vst v2  }
0x8a: {  	[tilespmem:s24+$0x30] =	vst v2  }
0x8b: {  	[tilespmem:s24+$0x40] =	vst v2  }
0x8c: {  	[tilespmem:s24+$0x50] =	vst v2  }
0x8d: {  	[tilespmem:s24+$0x60] =	vst v2  }
0x8e: {  	[tilespmem:s24+$0x70] =	vst v2  }
0x8f: {  	[tilespmem:s24+$0x400] =	vst v2  }
0x90: {  	[tilespmem:s24+$0x410] =	vst v2  }
0x91: {  	[tilespmem:s24+$0x420] =	vst v2  }
0x92: {  	[tilespmem:s24+$0x430] =	vst v2  }
0x93: {  	[tilespmem:s24+$0x440] =	vst v2  }
0x94: {  	[tilespmem:s24+$0x450] =	vst v2  }
0x95: {  	[tilespmem:s24+$0x460] =	vst v2  }
0x96: {  	[tilespmem:s24+$0x470] =	vst v2  }
0x97: {  	[tilespmem:s24+$0x800] =	vst v2  }
0x98: {  	[tilespmem:s24+$0x810] =	vst v2  }
0x99: {  	[tilespmem:s24+$0x820] =	vst v2  }
0x9a: {  	[tilespmem:s24+$0x830] =	vst v2  }
0x9b: {  	[tilespmem:s24+$0x840] =	vst v2  }
0x9c: {  	[tilespmem:s24+$0x850] =	vst v2  }
0x9d: {  	[tilespmem:s24+$0x860] =	vst v2  }
0x9e: {  	[tilespmem:s24+$0x870] =	vst v2  }
0x9f: {  	[tilespmem:s24+$0xC00] =	vst v2  }
0xa0: {  	[tilespmem:s24+$0xC10] =	vst v2  }
0xa1: {  	[tilespmem:s24+$0xC20] =	vst v2  }
0xa2: {  	[tilespmem:s24+$0xC30] =	vst v2  }
0xa3: {  	[tilespmem:s24+$0xC40] =	vst v2  }
0xa4: {  	[tilespmem:s24+$0xC50] =	vst v2  }
0xa5: {  	[tilespmem:s24+$0xC60] =	vst v2  }
0xa6: {  	[tilespmem:s24+$0xC70] =	vst v2  }
0xa7: {  	_ =	swait.ge [sflag:s20], $0x200  }
0xa8: {  	[sflag:s20] =	ssyncset.done $0x0  }
0xa9: {  	[sflag:s20] =	ssyncadd.s32 $0xFFFFFE00  }
0xaa: {  	s0 =	simm.s32 @!p0 $0x1B200;
	s3 =	rddreg [dreg:$0x3]  }
0xab: {  	[spmem:s3] =	stream.linear.scatter @!p0 [tilespmem:s0], [sflag:$0x8], $0x4000, $0x38;
	[tilespmem:$0x1FA00] =	vst v63  }
0xac: {  	s3 =	rddreg [dreg:$0x6]  }
0xad: {  	[spmem:s3] =	stream.linear.scatter @!p0 [tilespmem:s0], [sflag:$0x8], $0x4000, $0x38;
	[tilespmem:$0x1FA00] =	vst v63  }
0xae: {  	s25 =	rddreg [dreg:$0x7];
	s0 =	simm.s32 $0x0  }
0xaf: {  	[hbm4b:s25+s0] =	stream.linear.scatter [tilespmem:s21], [sflag:$0x7], $0x4000, $0x38;
	[tilespmem:$0x1FA00] =	vst v63  }
0xb0: {  	s26 =	rddreg [dreg:$0x8]  }
0xb1: {  	[hbm4b:s26+s0] =	stream.linear.scatter [tilespmem:s21], [sflag:$0x7], $0x4000, $0x38;
	[tilespmem:$0x1FA00] =	vst v63  }
0xb2: {  	s28 =	rddreg [dreg:$0x9]  }
0xb3: {  	[hbm4b:s28+s0] =	stream.linear.scatter [tilespmem:s21], [sflag:$0x7], $0x4000, $0x38;
	[tilespmem:$0x1FA00] =	vst v63  }
0xb4: {  	s29 =	simm.s32 $0x0  }
0xb5: {  	[hbm4b:s13+s0] =	stream.linear.scatter [tilespmem:s21], [sflag:$0x7], $0x4000, $0x38;
	[tilespmem:$0x1FA00] =	vst v63  }
0xb6: {  	v7 =	vld [tilespmem:s29+$0x0];
	_ =	sdelay $0x4  }
0xb7: {  	(xrf0) =	vadd.scan.msk.s32 $0xffff, v7;
	_ =	sdelay $0x5  }
0xb8: {  	v8, _, _ =	vpop (xrf0)  }
0xb9: {  	v7 =	vsub.s32 v8, v7;
	(v2sf) =	vpush v8, $0xF  }
0xba: {  	v7 =	vadd.s32 s0, v7  }
0xbb: {  	vm1 =	vgt.s32 v7, $0x0  }
0xbc: {  	vm2 =	vlt.s32 v7, $0x1000;
	v7 =	vnsel vm1, $0x0, v7  }
0xbd: {  	v7 =	vmin.u32 v7, $0xFFF;
	_ =	sdelay $0x4  }
0xbe: {  	s30 =	simm.s32 $0x10;
	[tilespmem:v7+s22+$0x0] =	vst.idx.add.s32.msk vm2, v3  }
0xbf: {  	v7 =	vld [tilespmem:s30+$0x0];
	_ =	sdelay $0x4  }
0xc0: {  	s3 =	simm.s32 $0x80;
	(xrf0) =	vadd.scan.msk.s32 $0xffff, v7;
	s4 =	spop (v2sf)  }
.LBB2_6:
0xc1: {  	p1 =	sne.s32 s3, $0x7C0  }
0xc2: {  	s0 =	sadd.s32 s0, s4;
	s4 =	smov.u32 s3;
	s3 =	sadd.s32 $0x40, s3  }
0xc3: {  	_ =	sdelay $0x3  }
0xc4: {  	v8, _, _ =	vpop (xrf0)  }
0xc5: {  	v7 =	vsub.s32 v8, v7;
	(v2sf) =	vpush v8, $0xF  }
0xc6: {  	v7 =	vadd.s32 s0, v7  }
0xc7: {  	vm1 =	vgt.s32 v7, $0x0  }
0xc8: {  	vm2 =	vlt.s32 v7, $0x1000;
	v7 =	vnsel vm1, $0x0, v7  }
0xc9: {  	v7 =	vmin.u32 v7, $0xFFF;
	_ =	sdelay $0x4  }
0xca: {  	s4 =	sshra.s32 s4, $0x2;
	[tilespmem:v7+s22+$0x0] =	vst.idx.add.s32.msk vm2, v3  }
0xcb: {  	v7 =	vld [tilespmem:s4+$0x0]  }
.Ltmp4:
0xcc: {  	(pc) =	sbr.rel @p1 .LBB2_6-.Ltmp4, $2  }
0xcd: {  	_ =	sdelay $0x2  }
0xce: {  	(xrf0) =	vadd.scan.msk.s32 $0xffff, v7;
	s4 =	spop (v2sf)  }
0xcf: {  	_ =	sdelay $0x4  }
0xd0: {  	v8, _, _ =	vpop (xrf0)  }
0xd1: {  	(v2sf) =	vpush v8, $0xF;
	_ =	sdelay $0xc  }
0xd2: {  	s26 =	sadd.s32 s0, s4;
	v7 =	vsub.s32 v8, v7  }
0xd3: {  	v7 =	vadd.s32 s26, v7  }
0xd4: {  	vm1 =	vgt.s32 v7, $0x0;
	s28 =	spop (v2sf)  }
0xd5: {  	vm2 =	vlt.s32 v7, $0x1000;
	v7 =	vnsel vm1, $0x0, v7;
	s25 =	sadd.s32 s26, s28  }
0xd6: {  	v7 =	vmin.u32 v7, $0xFFF;
	s24 =	sadd.s32 s14, s25  }
0xd7: {  	s29 =	sand.u32 $0xFF, s24  }
0xd8: {  	s30 =	sshra.s32 s24, $0x1F;
	p2 =	slt.s32 s24, $0x1;
	p1 =	sne.s32 s29, $0x0  }
0xd9: {  	s4 =	sshrl.u32 s30, $0x18;
	p1 =	por !p2, !p1  }
0xda: {  	s0 =	sadd.s32 s4, s24;
	s4 =	simm.s32 $0x1;
	p1 =	por !p1, !p1  }
0xdb: {  	s3 =	simm.s32 @!p0 $0x8;
	[tilespmem:v7+s22+$0x0] =	vst.idx.add.s32.msk vm2, v3;
	s0 =	sshra.s32 s0, $0x8;
	s4 =	simm.s32 @!p1 $0x0  }
0xdc: {  	_ =	swait.ge @!p0 [sflag:s3], $0x4000;
	s23 =	ssub.s32 s0, s4  }
0xdd: {  	[sflag:s3] =	ssyncset.done @!p0 $0x0;
	p1 =	sgt.s32 s23, $0x0;
	s0 =	smov.u32 s23  }
0xde: {  	[sflag:s3] =	ssyncadd.s32 @!p0 $0xFFFFC000;
	s0 =	simm.s32 @!p1 $0x0;
	p1 =	sgt.s32 s23, $0xD  }
.Ltmp5:
0xdf: {  	_ =	swait.ge @!p0 [sflag:s3], $0x4000;
	(pc) =	sbr.rel @p1 .LBB2_10-.Ltmp5, $4  }
0xe0: {  	[sflag:s3] =	ssyncset.done @!p0 $0x0  }
0xe1: {  	[sflag:s3] =	ssyncadd.s32 @!p0 $0xFFFFC000  }
0xe2: {  	[bflag:$0x0] =	sbarrier.arrive $0xFFFF;
	s0 =	smin.u32 s0, $0x10  }
0xe3: {  	s24 =	smax.u32 s0, $0xD  }
0xe4: {  	s3 =	ssub.s32 s24, s0  }
0xe5: {  	s9 =	sadd.s32 $0x1, s3  }
0xe6: {  	p1 =	sne.s32 s9, $0x1  }
.Ltmp6:
0xe7: {  	_ = 	snop;
	(pc) =	sbr.rel @!p1 .LBB2_10-.Ltmp6, $4  }
0xe8: {  	s29 =	sshll.u32 s0, $0xE;
	s4 =	stileid.u32;
	s8 =	rddreg [dreg:$0xa]  }
0xe9: {  	s30 =	rddreg [dreg:$0x3];
	s4 =	sshll.u32 s4, $0x6;
	s3 =	sadd.s32 s29, s8  }
0xea: {  	s8 =	sshrl.u32 s30, $0x3;
	s4 =	sor.u32 $0x1C07, s4;
	s9 =	sadd.s32 $0xFFFFFFFF, s9  }
0xeb: {  	[hbm:s3], [sflag:s4] =	dma.local [spmem:s8], $0x1000  }
.LBB2_9:
0xec: {  	p1 =	sne.s32 s9, $0x1  }
.Ltmp7:
0xed: {  	_ = 	snop;
	(pc) =	sbr.rel @p1 .LBB2_9-.Ltmp7, $4  }
0xee: {  	_ = 	snop  }
0xef: {  	s9 =	sadd.s32 $0xFFFFFFFF, s9  }
0xf0: {  	s3 =	sadd.s32 $0x4000, s3  }
0xf1: {  	[hbm:s3], [sflag:s4] =	dma.local [spmem:s8], $0x1000  }
.LBB2_10:
0xf2: {  	s3 =	sadd.s32 $0x3F, s25  }
0xf3: {  	s4 =	sand.u32 $0x3F, s3  }
0xf4: {  	s8 =	sshra.s32 s3, $0x1F;
	p1 =	slt.s32 s3, $0x1;
	p2 =	sne.s32 s4, $0x0  }
0xf5: {  	s30 =	sshrl.u32 s8, $0x1A;
	p1 =	por !p1, !p2  }
0xf6: {  	s4 =	simm.s32 $0x1;
	s3 =	sadd.s32 s30, s3;
	p1 =	por !p1, !p1  }
0xf7: {  	s3 =	sshra.s32 s3, $0x6;
	s4 =	simm.s32 @!p1 $0x0  }
0xf8: {  	s29 =	ssub.s32 s3, s4  }
0xf9: {  	p1 =	slt.s32 s29, $0x1  }
.Ltmp8:
0xfa: {  	_ = 	snop;
	(pc) =	sbr.rel @p1 .LBB2_11-.Ltmp8, $1  }
0xfb: {  	_ =	sdelay $0x3  }
0xfc: {  	s3 =	smin.u32 s29, $0x8  }
0xfd: {  	p2 =	sne.s32 s3, $0x1  }
.Ltmp9:
0xfe: {  	_ = 	snop;
	(pc) =	sbr.rel @!p2 .LBB2_13-.Ltmp9, $3  }
0xff: {  	_ =	sdelay $0x1  }
0x100: {  	s18 =	simm.s32 $0x0;
	s4 =	simm.s32 $0x220  }
0x101: {  	s30 =	simm.s32 $0x1220;
	p1 =	por $0x0, $0x0;
	v7 =	vld [tilespmem:s4+$0xFFFFFFE0];
	s3 =	sadd.s32 $0xFFFFFFFF, s3  }
0x102: {  	_ =	sdelay $0x3  }
0x103: {  	(xrf0) =	vadd.scan.msk.s32 $0xffff, v7;
	_ =	sdelay $0x5  }
0x104: {  	v7, _, _ =	vpop (xrf0)  }
0x105: {  	v7 =	vadd.s32 s18, v7  }
0x106: {  	v8 =	vadd.s32 $0xFFFFFFFF, v7  }
0x107: {  	vm1 =	vgt.s32 v8, $0x0  }
0x108: {  	v8 =	vnsel vm1, $0x0, v8  }
0x109: {  	v8 =	vmin.u32 v8, $0x1FF  }
0x10a: {  	v8 =	vor.u32 v0, v8  }
0x10b: {  	[tilespmem:s30+$0xFFFFFFE0] =	vst v8  }
0x10c: {  	v8 =	vld [tilespmem:s4+$0xFFFFFFF0];
	_ =	sdelay $0x4  }
0x10d: {  	(xrf0) =	vadd.scan.msk.s32 $0xffff, v8;
	_ =	sdelay $0x4  }
0x10e: {  	v7 =	vbroadcast v7, $0xF  }
0x10f: {  	v8, _, _ =	vpop (xrf0)  }
0x110: {  	v7 =	vadd.s32 v7, v8  }
0x111: {  	v8 =	vadd.s32 $0xFFFFFFFF, v7  }
0x112: {  	vm1 =	vgt.s32 v8, $0x0  }
0x113: {  	v8 =	vnsel vm1, $0x0, v8  }
0x114: {  	v8 =	vmin.u32 v8, $0x1FF  }
0x115: {  	v8 =	vor.u32 v0, v8  }
0x116: {  	[tilespmem:s30+$0xFFFFFFF0] =	vst v8  }
0x117: {  	v8 =	vld [tilespmem:s4+$0x0];
	_ =	sdelay $0x4  }
0x118: {  	(xrf0) =	vadd.scan.msk.s32 $0xffff, v8;
	_ =	sdelay $0x4  }
0x119: {  	v7 =	vbroadcast v7, $0xF  }
0x11a: {  	v8, _, _ =	vpop (xrf0)  }
0x11b: {  	v7 =	vadd.s32 v7, v8  }
0x11c: {  	v8 =	vadd.s32 $0xFFFFFFFF, v7  }
0x11d: {  	vm1 =	vgt.s32 v8, $0x0  }
0x11e: {  	v8 =	vnsel vm1, $0x0, v8  }
0x11f: {  	v8 =	vmin.u32 v8, $0x1FF  }
0x120: {  	v8 =	vor.u32 v0, v8  }
0x121: {  	[tilespmem:s30+$0x0] =	vst v8  }
0x122: {  	v8 =	vld [tilespmem:s4+$0x10];
	_ =	sdelay $0x4  }
0x123: {  	(xrf0) =	vadd.scan.msk.s32 $0xffff, v8;
	_ =	sdelay $0x4  }
0x124: {  	v7 =	vbroadcast v7, $0xF  }
0x125: {  	v8, _, _ =	vpop (xrf0)  }
0x126: {  	v7 =	vadd.s32 v7, v8  }
0x127: {  	v8 =	vadd.s32 $0xFFFFFFFF, v7;
	(v2sf) =	vpush v7, $0xF  }
0x128: {  	p2 =	sne.s32 s3, $0x1;
	vm1 =	vgt.s32 v8, $0x0  }
.Ltmp10:
0x129: {  	v8 =	vnsel vm1, $0x0, v8;
	(pc) =	sbr.rel @!p2 .LBB2_15-.Ltmp10, $4  }
0x12a: {  	v8 =	vmin.u32 v8, $0x1FF  }
0x12b: {  	v8 =	vor.u32 v0, v8  }
0x12c: {  	s4 =	simm.s32 $0x260;
	[tilespmem:s30+$0x10] =	vst v8  }
0x12d: {  	s3 =	sadd.s32 $0xFFFFFFFF, s3;
	p1 =	por $0x1, $0x1;
	s19 =	simm.s32 $0x1220;
	v7 =	vld [tilespmem:s4+$0xFFFFFFE0]  }
.LBB2_16:
0x12e: {  	p2 =	sne.s32 s3, $0x1;
	_ =	sdelay $0x3  }
0x12f: {  	(xrf0) =	vadd.scan.msk.s32 $0xffff, v7;
	_ =	sdelay $0x3  }
0x130: {  	s8 =	spop (v2sf);
	_ =	sdelay $0x1  }
0x131: {  	v7, _, _ =	vpop (xrf0)  }
0x132: {  	v7 =	vadd.s32 s8, v7  }
0x133: {  	v8 =	vadd.s32 $0xFFFFFFFF, v7;
	v7 =	vbroadcast v7, $0xF  }
0x134: {  	vm1 =	vgt.s32 v8, $0x0  }
0x135: {  	v8 =	vnsel vm1, $0x0, v8  }
0x136: {  	v8 =	vmin.u32 v8, $0x1FF  }
0x137: {  	s19 =	sadd.s32 $0x80, s19;
	v8 =	vor.u32 v0, v8  }
0x138: {  	[tilespmem:s19+$0xFFFFFFE0] =	vst v8  }
0x139: {  	v8 =	vld [tilespmem:s4+$0xFFFFFFF0];
	_ =	sdelay $0x4  }
0x13a: {  	(xrf0) =	vadd.scan.msk.s32 $0xffff, v8;
	_ =	sdelay $0x5  }
0x13b: {  	v8, _, _ =	vpop (xrf0)  }
0x13c: {  	v7 =	vadd.s32 v7, v8  }
0x13d: {  	v8 =	vadd.s32 $0xFFFFFFFF, v7;
	v7 =	vbroadcast v7, $0xF  }
0x13e: {  	vm1 =	vgt.s32 v8, $0x0  }
0x13f: {  	v8 =	vnsel vm1, $0x0, v8  }
0x140: {  	v8 =	vmin.u32 v8, $0x1FF  }
0x141: {  	v8 =	vor.u32 v0, v8  }
0x142: {  	[tilespmem:s19+$0xFFFFFFF0] =	vst v8  }
0x143: {  	v8 =	vld [tilespmem:s4+$0x0];
	_ =	sdelay $0x4  }
0x144: {  	(xrf0) =	vadd.scan.msk.s32 $0xffff, v8;
	_ =	sdelay $0x5  }
0x145: {  	v8, _, _ =	vpop (xrf0)  }
0x146: {  	v7 =	vadd.s32 v7, v8  }
0x147: {  	v8 =	vadd.s32 $0xFFFFFFFF, v7;
	v7 =	vbroadcast v7, $0xF  }
0x148: {  	vm1 =	vgt.s32 v8, $0x0  }
0x149: {  	v8 =	vnsel vm1, $0x0, v8  }
0x14a: {  	v8 =	vmin.u32 v8, $0x1FF  }
0x14b: {  	v8 =	vor.u32 v0, v8  }
0x14c: {  	[tilespmem:s19+$0x0] =	vst v8  }
0x14d: {  	v8 =	vld [tilespmem:s4+$0x10];
	_ =	sdelay $0x4  }
0x14e: {  	(xrf0) =	vadd.scan.msk.s32 $0xffff, v8;
	_ =	sdelay $0x5  }
0x14f: {  	v8, _, _ =	vpop (xrf0)  }
0x150: {  	v7 =	vadd.s32 v7, v8  }
0x151: {  	v8 =	vadd.s32 $0xFFFFFFFF, v7;
	(v2sf) =	vpush v7, $0xF  }
0x152: {  	vm1 =	vgt.s32 v8, $0x0  }
.Ltmp11:
0x153: {  	v7 =	vnsel vm1, $0x0, v8;
	(pc) =	sbr.rel @p2 .LBB2_16-.Ltmp11, $4  }
0x154: {  	v7 =	vmin.u32 v7, $0x1FF  }
0x155: {  	v7 =	vor.u32 v0, v7  }
0x156: {  	s4 =	sadd.s32 $0x40, s4;
	[tilespmem:s19+$0x10] =	vst v7  }
0x157: {  	s3 =	sadd.s32 $0xFFFFFFFF, s3;
	v7 =	vld [tilespmem:s4+$0xFFFFFFE0]  }
.LBB2_17:
0x158: {  	_ =	sdelay $0x3  }
0x159: {  	(xrf0) =	vadd.scan.msk.s32 $0xffff, v7;
	_ =	sdelay $0x4  }
0x15a: {  	s3 =	spop @p1 (v2sf)  }
0x15b: {  	s18 =	smov.u32 @p1 s3;
	v7, _, _ =	vpop (xrf0)  }
0x15c: {  	v7 =	vadd.s32 s18, v7  }
0x15d: {  	v8 =	vadd.s32 $0xFFFFFFFF, v7  }
0x15e: {  	vm1 =	vgt.s32 v8, $0x0  }
0x15f: {  	v8 =	vnsel vm1, $0x0, v8  }
0x160: {  	s3 =	sadd.s32 @p1 $0x80, s19;
	v8 =	vmin.u32 v8, $0x1FF  }
0x161: {  	s30 =	smov.u32 @p1 s3;
	v8 =	vor.u32 v0, v8  }
0x162: {  	[tilespmem:s30+$0xFFFFFFE0] =	vst v8  }
0x163: {  	v8 =	vld [tilespmem:s4+$0xFFFFFFF0];
	_ =	sdelay $0x4  }
0x164: {  	(xrf0) =	vadd.scan.msk.s32 $0xffff, v8;
	_ =	sdelay $0x4  }
0x165: {  	v7 =	vbroadcast v7, $0xF  }
0x166: {  	v8, _, _ =	vpop (xrf0)  }
0x167: {  	v7 =	vadd.s32 v7, v8  }
0x168: {  	v8 =	vadd.s32 $0xFFFFFFFF, v7  }
0x169: {  	vm1 =	vgt.s32 v8, $0x0  }
0x16a: {  	v8 =	vnsel vm1, $0x0, v8  }
0x16b: {  	v8 =	vmin.u32 v8, $0x1FF  }
0x16c: {  	v8 =	vor.u32 v0, v8  }
0x16d: {  	[tilespmem:s30+$0xFFFFFFF0] =	vst v8  }
0x16e: {  	v8 =	vld [tilespmem:s4+$0x0];
	_ =	sdelay $0x4  }
0x16f: {  	(xrf0) =	vadd.scan.msk.s32 $0xffff, v8;
	_ =	sdelay $0x4  }
0x170: {  	v7 =	vbroadcast v7, $0xF  }
0x171: {  	v8, _, _ =	vpop (xrf0)  }
0x172: {  	v7 =	vadd.s32 v7, v8  }
0x173: {  	v8 =	vadd.s32 $0xFFFFFFFF, v7  }
0x174: {  	vm1 =	vgt.s32 v8, $0x0  }
0x175: {  	v8 =	vnsel vm1, $0x0, v8  }
0x176: {  	v8 =	vmin.u32 v8, $0x1FF  }
0x177: {  	v8 =	vor.u32 v0, v8  }
0x178: {  	[tilespmem:s30+$0x0] =	vst v8  }
0x179: {  	v8 =	vld [tilespmem:s4+$0x10];
	_ =	sdelay $0x4  }
0x17a: {  	(xrf0) =	vadd.scan.msk.s32 $0xffff, v8;
	_ =	sdelay $0x4  }
0x17b: {  	v7 =	vbroadcast v7, $0xF  }
0x17c: {  	v8, _, _ =	vpop (xrf0)  }
0x17d: {  	v7 =	vadd.s32 v7, v8  }
0x17e: {  	(v2sf) =	vpush v7, $0xF;
	_ =	sdelay $0x9  }
0x17f: {  	v7 =	vadd.s32 $0xFFFFFFFF, v7  }
.Ltmp12:
0x180: {  	vm1 =	vgt.s32 v7, $0x0;
	(pc) =	sbr.rel .LBB2_18-.Ltmp12, $4  }
0x181: {  	v7 =	vnsel vm1, $0x0, v7  }
0x182: {  	v7 =	vmin.u32 v7, $0x1FF  }
0x183: {  	v7 =	vor.u32 v0, v7  }
0x184: {  	[tilespmem:s30+$0x10] =	vst v7;
	s30 =	spop (v2sf)  }
.LBB2_11:
0x185: {  	s30 =	simm.s32 $0x0  }
.LBB2_18:
0x186: {  	p1 =	slt.s32 s23, $0x1  }
0x187: {  	v7 =	vld @!p1 [tilespmem:s15+$0x1200];
	_ =	sdelay $0x4  }
0x188: {  	v8 =	vshll.u32 @!p1 v7, $0x2  }
0x189: {  	v9 =	vlaneseq.u32 @!p1;
	v7 =	vand.u32 @!p1 $0x7, v7;
	v8 =	vand.u32 @!p1 $0xFFFFFFE0, v8  }
0x18a: {  	v10 =	vshrl.u32 @!p1 v9, $0x3;
	v7 =	vor.u32 @!p1 v7, v8;
	v8 =	vand.u32 @!p1 $0x7, v9  }
0x18b: {  	v10 =	vmul.u32 @!p1 $0x8, v10;
	v11 =	vperm.xlane @!p1 v7, v8;
	_ =	sdelay $0x1  }
0x18c: {  	v11 =	vadd.s32 @!p1 v10, v11  }
0x18d: {  	v9 =	vor.u32 @!p1 $0x8, v9  }
0x18e: {  	v7 =	vperm.xlane @!p1 v7, v9;
	_ =	sdelay $0x1  }
0x18f: {  	vm1 =	vmmov @!p1 $0xffff;
	s3 =	simm.s32 @!p1 $0x0;
	s4 =	simm.s32 @!p1 $0x3200;
	v7 =	vadd.s32 @!p1 v10, v7  }
0x190: {  	[tilespmem:s4], [sflag:$0x1] =	stream.indirect_vreg.gather @!p1 [hbm4b:s1+s3], $0x80, v11, vm1, $0xb8;
	[tilespmem:$0x1FA00] =	vst v63  }
0x191: {  	s4 =	simm.s32 @!p1 $0x3A00  }
0x192: {  	[tilespmem:s4], [sflag:$0x1] =	stream.indirect_vreg.gather @!p1 [hbm4b:s16+s3], $0x80, v11, vm1, $0xb8;
	[tilespmem:$0x1FA00] =	vst v63  }
0x193: {  	s4 =	simm.s32 @!p1 $0x4200  }
0x194: {  	[tilespmem:s4], [sflag:$0x1] =	stream.indirect_vreg.gather @!p1 [hbm4b:s1+s3], $0x80, v7, vm1, $0xb8;
	[tilespmem:$0x1FA00] =	vst v63  }
0x195: {  	s4 =	simm.s32 @!p1 $0x4A00  }
0x196: {  	[tilespmem:s4], [sflag:$0x1] =	stream.indirect_vreg.gather @!p1 [hbm4b:s16+s3], $0x80, v7, vm1, $0xb8;
	[tilespmem:$0x1FA00] =	vst v63  }
0x197: {  	v7 =	vld @!p1 [tilespmem:s15+$0x1210];
	_ =	sdelay $0x4  }
0x198: {  	v11 =	vshll.u32 @!p1 v7, $0x2  }
0x199: {  	v7 =	vand.u32 @!p1 $0x7, v7;
	v11 =	vand.u32 @!p1 $0xFFFFFFE0, v11  }
0x19a: {  	v7 =	vor.u32 @!p1 v7, v11  }
0x19b: {  	v11 =	vperm.xlane @!p1 v7, v8;
	_ =	sdelay $0x1  }
0x19c: {  	v11 =	vadd.s32 @!p1 v10, v11;
	_ =	sdelay $0x1  }
0x19d: {  	v7 =	vperm.xlane @!p1 v7, v9;
	_ =	sdelay $0x1  }
0x19e: {  	s4 =	simm.s32 @!p1 $0x5200;
	v7 =	vadd.s32 @!p1 v10, v7  }
0x19f: {  	[tilespmem:s4], [sflag:$0x1] =	stream.indirect_vreg.gather @!p1 [hbm4b:s1+s3], $0x80, v11, vm1, $0xb8;
	[tilespmem:$0x1FA00] =	vst v63  }
0x1a0: {  	s4 =	simm.s32 @!p1 $0x5A00  }
0x1a1: {  	[tilespmem:s4], [sflag:$0x1] =	stream.indirect_vreg.gather @!p1 [hbm4b:s16+s3], $0x80, v11, vm1, $0xb8;
	[tilespmem:$0x1FA00] =	vst v63  }
0x1a2: {  	s4 =	simm.s32 @!p1 $0x6200  }
0x1a3: {  	[tilespmem:s4], [sflag:$0x1] =	stream.indirect_vreg.gather @!p1 [hbm4b:s1+s3], $0x80, v7, vm1, $0xb8;
	[tilespmem:$0x1FA00] =	vst v63  }
0x1a4: {  	s4 =	simm.s32 @!p1 $0x6A00  }
0x1a5: {  	[tilespmem:s4], [sflag:$0x1] =	stream.indirect_vreg.gather @!p1 [hbm4b:s16+s3], $0x80, v7, vm1, $0xb8;
	[tilespmem:$0x1FA00] =	vst v63  }
0x1a6: {  	v7 =	vld @!p1 [tilespmem:s15+$0x1220];
	_ =	sdelay $0x4  }
0x1a7: {  	v11 =	vshll.u32 @!p1 v7, $0x2  }
0x1a8: {  	v7 =	vand.u32 @!p1 $0x7, v7;
	v11 =	vand.u32 @!p1 $0xFFFFFFE0, v11  }
0x1a9: {  	v7 =	vor.u32 @!p1 v7, v11  }
0x1aa: {  	v11 =	vperm.xlane @!p1 v7, v8;
	_ =	sdelay $0x1  }
0x1ab: {  	v11 =	vadd.s32 @!p1 v10, v11;
	_ =	sdelay $0x1  }
0x1ac: {  	v7 =	vperm.xlane @!p1 v7, v9;
	_ =	sdelay $0x1  }
0x1ad: {  	s4 =	simm.s32 @!p1 $0x7200;
	v7 =	vadd.s32 @!p1 v10, v7  }
0x1ae: {  	[tilespmem:s4], [sflag:$0x1] =	stream.indirect_vreg.gather @!p1 [hbm4b:s1+s3], $0x80, v11, vm1, $0xb8;
	[tilespmem:$0x1FA00] =	vst v63  }
0x1af: {  	s4 =	simm.s32 @!p1 $0x7A00  }
0x1b0: {  	[tilespmem:s4], [sflag:$0x1] =	stream.indirect_vreg.gather @!p1 [hbm4b:s16+s3], $0x80, v11, vm1, $0xb8;
	[tilespmem:$0x1FA00] =	vst v63  }
0x1b1: {  	s4 =	simm.s32 @!p1 $0x8200  }
0x1b2: {  	[tilespmem:s4], [sflag:$0x1] =	stream.indirect_vreg.gather @!p1 [hbm4b:s1+s3], $0x80, v7, vm1, $0xb8;
	[tilespmem:$0x1FA00] =	vst v63  }
0x1b3: {  	s4 =	simm.s32 @!p1 $0x8A00  }
0x1b4: {  	[tilespmem:s4], [sflag:$0x1] =	stream.indirect_vreg.gather @!p1 [hbm4b:s16+s3], $0x80, v7, vm1, $0xb8;
	[tilespmem:$0x1FA00] =	vst v63  }
0x1b5: {  	v7 =	vld @!p1 [tilespmem:s15+$0x1230];
	_ =	sdelay $0x4  }
0x1b6: {  	v11 =	vshll.u32 @!p1 v7, $0x2  }
0x1b7: {  	v7 =	vand.u32 @!p1 $0x7, v7;
	v11 =	vand.u32 @!p1 $0xFFFFFFE0, v11  }
0x1b8: {  	v7 =	vor.u32 @!p1 v7, v11  }
0x1b9: {  	v8 =	vperm.xlane @!p1 v7, v8;
	_ =	sdelay $0x1  }
0x1ba: {  	v8 =	vadd.s32 @!p1 v10, v8;
	_ =	sdelay $0x2  }
0x1bb: {  	v7 =	vperm.xlane @!p1 v7, v9  }
0x1bc: {  	p2 =	seq.s32 @!p1 s23, $0x1;
	s4 =	simm.s32 @!p1 $0x9200  }
0x1bd: {  	v7 =	vadd.s32 @!p1 v10, v7;
	[tilespmem:s4], [sflag:$0x1] =	stream.indirect_vreg.gather @!p1 [hbm4b:s1+s3], $0x80, v8, vm1, $0xb8;
	[tilespmem:$0x1FA00] =	vst v63  }
0x1be: {  	p2 =	por p1, p2;
	s4 =	simm.s32 @!p1 $0x9A00  }
0x1bf: {  	[tilespmem:s4], [sflag:$0x1] =	stream.indirect_vreg.gather @!p1 [hbm4b:s16+s3], $0x80, v8, vm1, $0xb8;
	[tilespmem:$0x1FA00] =	vst v63  }
.Ltmp13:
0x1c0: {  	_ = 	snop;
	(pc) =	sbr.rel @!p2 .LBB2_20-.Ltmp13, $4  }
0x1c1: {  	s4 =	simm.s32 @!p1 $0xA200  }
0x1c2: {  	[tilespmem:s4], [sflag:$0x1] =	stream.indirect_vreg.gather @!p1 [hbm4b:s1+s3], $0x80, v7, vm1, $0xb8;
	[tilespmem:$0x1FA00] =	vst v63  }
0x1c3: {  	s4 =	simm.s32 @!p1 $0xAA00  }
0x1c4: {  	[tilespmem:s4], [sflag:$0x1] =	stream.indirect_vreg.gather @!p1 [hbm4b:s16+s3], $0x80, v7, vm1, $0xb8;
	[tilespmem:$0x1FA00] =	vst v63  }
.Ltmp14:
0x1c5: {  	(pc) =	sbr.rel .LBB2_21-.Ltmp14, $3  }
0x1c6: {  	_ =	sdelay $0x1  }
0x1c7: {  	p3 =	por @!p1 $0x0, $0x0;
	p2 =	por $0x0, $0x0  }
0x1c8: {  	p2 =	por @!p1 p3, p3  }
.LBB2_20:
0x1c9: {  	v7 =	vld [tilespmem:s15+$0x1400];
	_ =	sdelay $0x4  }
0x1ca: {  	v8 =	vshll.u32 v7, $0x2  }
0x1cb: {  	v7 =	vand.u32 $0x7, v7;
	v8 =	vand.u32 $0xFFFFFFE0, v8  }
0x1cc: {  	v7 =	vor.u32 v7, v8  }
0x1cd: {  	v8 =	vperm.xlane v7, v4;
	_ =	sdelay $0x1  }
0x1ce: {  	v8 =	vadd.s32 v5, v8;
	_ =	sdelay $0x1  }
0x1cf: {  	v7 =	vperm.xlane v7, v6;
	_ =	sdelay $0x1  }
0x1d0: {  	s3 =	simm.s32 $0xB200;
	v7 =	vadd.s32 v5, v7  }
0x1d1: {  	[tilespmem:s3], [sflag:$0x2] =	stream.indirect_vreg.gather [hbm4b:s1+s5], $0x80, v8, vm0, $0xb8;
	[tilespmem:$0x1FA00] =	vst v63  }
0x1d2: {  	s8 =	simm.s32 $0xBA00  }
0x1d3: {  	[tilespmem:s8], [sflag:$0x2] =	stream.indirect_vreg.gather [hbm4b:s16+s5], $0x80, v8, vm0, $0xb8;
	[tilespmem:$0x1FA00] =	vst v63  }
0x1d4: {  	s9 =	simm.s32 $0xC200  }
0x1d5: {  	[tilespmem:s9], [sflag:$0x2] =	stream.indirect_vreg.gather [hbm4b:s1+s5], $0x80, v7, vm0, $0xb8;
	[tilespmem:$0x1FA00] =	vst v63  }
0x1d6: {  	s10 =	simm.s32 $0xCA00  }
0x1d7: {  	[tilespmem:s10], [sflag:$0x2] =	stream.indirect_vreg.gather [hbm4b:s16+s5], $0x80, v7, vm0, $0xb8;
	[tilespmem:$0x1FA00] =	vst v63  }
0x1d8: {  	v7 =	vld [tilespmem:s15+$0x1410];
	_ =	sdelay $0x4  }
0x1d9: {  	v8 =	vshll.u32 v7, $0x2  }
0x1da: {  	v7 =	vand.u32 $0x7, v7;
	v8 =	vand.u32 $0xFFFFFFE0, v8  }
0x1db: {  	v7 =	vor.u32 v7, v8  }
0x1dc: {  	v8 =	vperm.xlane v7, v4;
	_ =	sdelay $0x1  }
0x1dd: {  	v8 =	vadd.s32 v5, v8;
	_ =	sdelay $0x1  }
0x1de: {  	v7 =	vperm.xlane v7, v6;
	_ =	sdelay $0x1  }
0x1df: {  	s11 =	simm.s32 $0xD200;
	v7 =	vadd.s32 v5, v7  }
0x1e0: {  	[tilespmem:s11], [sflag:$0x2] =	stream.indirect_vreg.gather [hbm4b:s1+s5], $0x80, v8, vm0, $0xb8;
	[tilespmem:$0x1FA00] =	vst v63  }
0x1e1: {  	s12 =	simm.s32 $0xDA00  }
0x1e2: {  	[tilespmem:s12], [sflag:$0x2] =	stream.indirect_vreg.gather [hbm4b:s16+s5], $0x80, v8, vm0, $0xb8;
	[tilespmem:$0x1FA00] =	vst v63  }
0x1e3: {  	s18 =	simm.s32 $0xE200  }
0x1e4: {  	[tilespmem:s18], [sflag:$0x2] =	stream.indirect_vreg.gather [hbm4b:s1+s5], $0x80, v7, vm0, $0xb8;
	[tilespmem:$0x1FA00] =	vst v63  }
0x1e5: {  	s19 =	simm.s32 $0xEA00  }
0x1e6: {  	[tilespmem:s19], [sflag:$0x2] =	stream.indirect_vreg.gather [hbm4b:s16+s5], $0x80, v7, vm0, $0xb8;
	[tilespmem:$0x1FA00] =	vst v63  }
0x1e7: {  	v7 =	vld [tilespmem:s15+$0x1420];
	_ =	sdelay $0x4  }
0x1e8: {  	v8 =	vshll.u32 v7, $0x2  }
0x1e9: {  	v7 =	vand.u32 $0x7, v7;
	v8 =	vand.u32 $0xFFFFFFE0, v8  }
0x1ea: {  	v7 =	vor.u32 v7, v8  }
0x1eb: {  	v8 =	vperm.xlane v7, v4;
	_ =	sdelay $0x1  }
0x1ec: {  	v8 =	vadd.s32 v5, v8;
	_ =	sdelay $0x1  }
0x1ed: {  	v7 =	vperm.xlane v7, v6;
	_ =	sdelay $0x1  }
0x1ee: {  	s4 =	simm.s32 $0xF200;
	v7 =	vadd.s32 v5, v7  }
0x1ef: {  	[tilespmem:s4], [sflag:$0x2] =	stream.indirect_vreg.gather [hbm4b:s1+s5], $0x80, v8, vm0, $0xb8;
	[tilespmem:$0x1FA00] =	vst v63  }
0x1f0: {  	s8 =	simm.s32 $0xFA00  }
0x1f1: {  	[tilespmem:s8], [sflag:$0x2] =	stream.indirect_vreg.gather [hbm4b:s16+s5], $0x80, v8, vm0, $0xb8;
	[tilespmem:$0x1FA00] =	vst v63  }
0x1f2: {  	s9 =	simm.s32 $0x10200  }
0x1f3: {  	[tilespmem:s9], [sflag:$0x2] =	stream.indirect_vreg.gather [hbm4b:s1+s5], $0x80, v7, vm0, $0xb8;
	[tilespmem:$0x1FA00] =	vst v63  }
0x1f4: {  	s10 =	simm.s32 $0x10A00  }
0x1f5: {  	[tilespmem:s10], [sflag:$0x2] =	stream.indirect_vreg.gather [hbm4b:s16+s5], $0x80, v7, vm0, $0xb8;
	[tilespmem:$0x1FA00] =	vst v63  }
0x1f6: {  	v7 =	vld [tilespmem:s15+$0x1430];
	_ =	sdelay $0x4  }
0x1f7: {  	v8 =	vshll.u32 v7, $0x2  }
0x1f8: {  	v7 =	vand.u32 $0x7, v7;
	v8 =	vand.u32 $0xFFFFFFE0, v8  }
0x1f9: {  	v7 =	vor.u32 v7, v8  }
0x1fa: {  	v8 =	vperm.xlane v7, v4;
	_ =	sdelay $0x1  }
0x1fb: {  	v8 =	vadd.s32 v5, v8;
	_ =	sdelay $0x1  }
0x1fc: {  	v7 =	vperm.xlane v7, v6;
	_ =	sdelay $0x1  }
0x1fd: {  	s11 =	simm.s32 $0x11200;
	v7 =	vadd.s32 v5, v7  }
0x1fe: {  	[tilespmem:s11], [sflag:$0x2] =	stream.indirect_vreg.gather [hbm4b:s1+s5], $0x80, v8, vm0, $0xb8;
	[tilespmem:$0x1FA00] =	vst v63  }
0x1ff: {  	s12 =	simm.s32 $0x11A00  }
0x200: {  	[tilespmem:s12], [sflag:$0x2] =	stream.indirect_vreg.gather [hbm4b:s16+s5], $0x80, v8, vm0, $0xb8;
	[tilespmem:$0x1FA00] =	vst v63  }
0x201: {  	s18 =	simm.s32 $0x12200  }
0x202: {  	[tilespmem:s18], [sflag:$0x2] =	stream.indirect_vreg.gather [hbm4b:s1+s5], $0x80, v7, vm0, $0xb8;
	[tilespmem:$0x1FA00] =	vst v63  }
0x203: {  	p2 =	por $0x1, $0x1;
	s19 =	simm.s32 $0x12A00  }
0x204: {  	[tilespmem:s19], [sflag:$0x2] =	stream.indirect_vreg.gather [hbm4b:s16+s5], $0x80, v7, vm0, $0xb8;
	[tilespmem:$0x1FA00] =	vst v63  }
.LBB2_21:
0x205: {  	p3 =	slt.s32 s29, $0x9  }
.Ltmp15:
0x206: {  	_ = 	snop;
	(pc) =	sbr.rel @p3 .LBB2_24-.Ltmp15, $1  }
0x207: {  	_ =	sdelay $0x3  }
0x208: {  	s3 =	smin.u32 s29, $0x40  }
0x209: {  	s3 =	sadd.s32 $0xFFFFFFF8, s3  }
0x20a: {  	p4 =	seq.s32 s3, $0x1  }
.Ltmp16:
0x20b: {  	_ = 	snop;
	(pc) =	sbr.rel @p4 .LBB2_23-.Ltmp16, $3  }
0x20c: {  	_ =	sdelay $0x1  }
0x20d: {  	s4 =	simm.s32 $0x430  }
0x20e: {  	s29 =	simm.s32 $0x1630;
	p3 =	por $0x0, $0x0;
	v7 =	vld [tilespmem:s4+$0xFFFFFFD0];
	s3 =	sadd.s32 $0xFFFFFFFF, s3  }
0x20f: {  	_ =	sdelay $0x3  }
0x210: {  	(xrf0) =	vadd.scan.msk.s32 $0xffff, v7;
	_ =	sdelay $0x5  }
0x211: {  	v7, _, _ =	vpop (xrf0)  }
0x212: {  	v7 =	vadd.s32 s30, v7  }
0x213: {  	v8 =	vadd.s32 $0xFFFFFFFF, v7  }
0x214: {  	vm1 =	vgt.s32 v8, $0x0  }
0x215: {  	v8 =	vnsel vm1, $0x0, v8  }
0x216: {  	v8 =	vmin.u32 v8, $0x1FF  }
0x217: {  	v8 =	vor.u32 v0, v8  }
0x218: {  	[tilespmem:s29+$0xFFFFFFD0] =	vst v8  }
0x219: {  	v8 =	vld [tilespmem:s4+$0xFFFFFFE0];
	_ =	sdelay $0x4  }
0x21a: {  	(xrf0) =	vadd.scan.msk.s32 $0xffff, v8;
	_ =	sdelay $0x4  }
0x21b: {  	v7 =	vbroadcast v7, $0xF  }
0x21c: {  	v8, _, _ =	vpop (xrf0)  }
0x21d: {  	v7 =	vadd.s32 v7, v8  }
0x21e: {  	v8 =	vadd.s32 $0xFFFFFFFF, v7  }
0x21f: {  	vm1 =	vgt.s32 v8, $0x0  }
0x220: {  	v8 =	vnsel vm1, $0x0, v8  }
0x221: {  	v8 =	vmin.u32 v8, $0x1FF  }
0x222: {  	v8 =	vor.u32 v0, v8  }
0x223: {  	[tilespmem:s29+$0xFFFFFFE0] =	vst v8  }
0x224: {  	v8 =	vld [tilespmem:s4+$0xFFFFFFF0];
	_ =	sdelay $0x4  }
0x225: {  	(xrf0) =	vadd.scan.msk.s32 $0xffff, v8;
	_ =	sdelay $0x4  }
0x226: {  	v7 =	vbroadcast v7, $0xF  }
0x227: {  	v8, _, _ =	vpop (xrf0)  }
0x228: {  	v7 =	vadd.s32 v7, v8  }
0x229: {  	v8 =	vadd.s32 $0xFFFFFFFF, v7  }
0x22a: {  	vm1 =	vgt.s32 v8, $0x0  }
0x22b: {  	v8 =	vnsel vm1, $0x0, v8  }
0x22c: {  	v8 =	vmin.u32 v8, $0x1FF  }
0x22d: {  	v8 =	vor.u32 v0, v8  }
0x22e: {  	[tilespmem:s29+$0xFFFFFFF0] =	vst v8  }
0x22f: {  	v8 =	vld [tilespmem:s4+$0x0];
	_ =	sdelay $0x4  }
0x230: {  	(xrf0) =	vadd.scan.msk.s32 $0xffff, v8;
	_ =	sdelay $0x4  }
0x231: {  	v7 =	vbroadcast v7, $0xF  }
0x232: {  	v8, _, _ =	vpop (xrf0)  }
0x233: {  	v7 =	vadd.s32 v7, v8  }
0x234: {  	v8 =	vadd.s32 $0xFFFFFFFF, v7;
	(v2sf) =	vpush v7, $0xF  }
0x235: {  	p4 =	seq.s32 s3, $0x1;
	vm1 =	vgt.s32 v8, $0x0  }
.Ltmp17:
0x236: {  	v8 =	vnsel vm1, $0x0, v8;
	(pc) =	sbr.rel @p4 .LBB2_41-.Ltmp17, $4  }
0x237: {  	v8 =	vmin.u32 v8, $0x1FF  }
0x238: {  	v8 =	vor.u32 v0, v8  }
0x239: {  	s4 =	simm.s32 $0x470;
	[tilespmem:s29+$0x0] =	vst v8  }
0x23a: {  	s3 =	sadd.s32 $0xFFFFFFFF, s3;
	p3 =	por $0x1, $0x1;
	s18 =	simm.s32 $0x1630;
	v7 =	vld [tilespmem:s4+$0xFFFFFFD0]  }
.LBB2_42:
0x23b: {  	p4 =	seq.s32 s3, $0x1;
	_ =	sdelay $0x3  }
0x23c: {  	(xrf0) =	vadd.scan.msk.s32 $0xffff, v7;
	_ =	sdelay $0x3  }
0x23d: {  	s8 =	spop (v2sf);
	_ =	sdelay $0x1  }
0x23e: {  	v7, _, _ =	vpop (xrf0)  }
0x23f: {  	v7 =	vadd.s32 s8, v7  }
0x240: {  	v8 =	vadd.s32 $0xFFFFFFFF, v7;
	v7 =	vbroadcast v7, $0xF  }
0x241: {  	vm1 =	vgt.s32 v8, $0x0  }
0x242: {  	v8 =	vnsel vm1, $0x0, v8  }
0x243: {  	v8 =	vmin.u32 v8, $0x1FF  }
0x244: {  	s18 =	sadd.s32 $0x80, s18;
	v8 =	vor.u32 v0, v8  }
0x245: {  	[tilespmem:s18+$0xFFFFFFD0] =	vst v8  }
0x246: {  	v8 =	vld [tilespmem:s4+$0xFFFFFFE0];
	_ =	sdelay $0x4  }
0x247: {  	(xrf0) =	vadd.scan.msk.s32 $0xffff, v8;
	_ =	sdelay $0x5  }
0x248: {  	v8, _, _ =	vpop (xrf0)  }
0x249: {  	v7 =	vadd.s32 v7, v8  }
0x24a: {  	v8 =	vadd.s32 $0xFFFFFFFF, v7;
	v7 =	vbroadcast v7, $0xF  }
0x24b: {  	vm1 =	vgt.s32 v8, $0x0  }
0x24c: {  	v8 =	vnsel vm1, $0x0, v8  }
0x24d: {  	v8 =	vmin.u32 v8, $0x1FF  }
0x24e: {  	v8 =	vor.u32 v0, v8  }
0x24f: {  	[tilespmem:s18+$0xFFFFFFE0] =	vst v8  }
0x250: {  	v8 =	vld [tilespmem:s4+$0xFFFFFFF0];
	_ =	sdelay $0x4  }
0x251: {  	(xrf0) =	vadd.scan.msk.s32 $0xffff, v8;
	_ =	sdelay $0x5  }
0x252: {  	v8, _, _ =	vpop (xrf0)  }
0x253: {  	v7 =	vadd.s32 v7, v8  }
0x254: {  	v8 =	vadd.s32 $0xFFFFFFFF, v7;
	v7 =	vbroadcast v7, $0xF  }
0x255: {  	vm1 =	vgt.s32 v8, $0x0  }
0x256: {  	v8 =	vnsel vm1, $0x0, v8  }
0x257: {  	v8 =	vmin.u32 v8, $0x1FF  }
0x258: {  	v8 =	vor.u32 v0, v8  }
0x259: {  	[tilespmem:s18+$0xFFFFFFF0] =	vst v8  }
0x25a: {  	v8 =	vld [tilespmem:s4+$0x0];
	_ =	sdelay $0x4  }
0x25b: {  	(xrf0) =	vadd.scan.msk.s32 $0xffff, v8;
	_ =	sdelay $0x5  }
0x25c: {  	v8, _, _ =	vpop (xrf0)  }
0x25d: {  	v7 =	vadd.s32 v7, v8  }
0x25e: {  	v8 =	vadd.s32 $0xFFFFFFFF, v7;
	(v2sf) =	vpush v7, $0xF  }
0x25f: {  	vm1 =	vgt.s32 v8, $0x0  }
.Ltmp18:
0x260: {  	v7 =	vnsel vm1, $0x0, v8;
	(pc) =	sbr.rel @!p4 .LBB2_42-.Ltmp18, $4  }
0x261: {  	v7 =	vmin.u32 v7, $0x1FF  }
0x262: {  	v7 =	vor.u32 v0, v7  }
0x263: {  	s4 =	sadd.s32 $0x40, s4;
	[tilespmem:s18+$0x0] =	vst v7  }
0x264: {  	s3 =	sadd.s32 $0xFFFFFFFF, s3;
	v7 =	vld [tilespmem:s4+$0xFFFFFFD0]  }
.LBB2_43:
0x265: {  	_ =	sdelay $0x3  }
0x266: {  	(xrf0) =	vadd.scan.msk.s32 $0xffff, v7;
	_ =	sdelay $0x4  }
0x267: {  	s3 =	spop @p3 (v2sf)  }
0x268: {  	s30 =	smov.u32 @p3 s3;
	v7, _, _ =	vpop (xrf0)  }
0x269: {  	v7 =	vadd.s32 s30, v7  }
0x26a: {  	v8 =	vadd.s32 $0xFFFFFFFF, v7  }
0x26b: {  	vm1 =	vgt.s32 v8, $0x0  }
0x26c: {  	v8 =	vnsel vm1, $0x0, v8  }
0x26d: {  	s3 =	sadd.s32 @p3 $0x80, s18;
	v8 =	vmin.u32 v8, $0x1FF  }
0x26e: {  	s29 =	smov.u32 @p3 s3;
	v8 =	vor.u32 v0, v8  }
0x26f: {  	[tilespmem:s29+$0xFFFFFFD0] =	vst v8  }
0x270: {  	v8 =	vld [tilespmem:s4+$0xFFFFFFE0];
	_ =	sdelay $0x4  }
0x271: {  	(xrf0) =	vadd.scan.msk.s32 $0xffff, v8;
	_ =	sdelay $0x4  }
0x272: {  	v7 =	vbroadcast v7, $0xF  }
0x273: {  	v8, _, _ =	vpop (xrf0)  }
0x274: {  	v7 =	vadd.s32 v7, v8  }
0x275: {  	v8 =	vadd.s32 $0xFFFFFFFF, v7  }
0x276: {  	vm1 =	vgt.s32 v8, $0x0  }
0x277: {  	v8 =	vnsel vm1, $0x0, v8  }
0x278: {  	v8 =	vmin.u32 v8, $0x1FF  }
0x279: {  	v8 =	vor.u32 v0, v8  }
0x27a: {  	[tilespmem:s29+$0xFFFFFFE0] =	vst v8  }
0x27b: {  	v8 =	vld [tilespmem:s4+$0xFFFFFFF0];
	_ =	sdelay $0x4  }
0x27c: {  	(xrf0) =	vadd.scan.msk.s32 $0xffff, v8;
	_ =	sdelay $0x4  }
0x27d: {  	v7 =	vbroadcast v7, $0xF  }
0x27e: {  	v8, _, _ =	vpop (xrf0)  }
0x27f: {  	v7 =	vadd.s32 v7, v8  }
0x280: {  	v8 =	vadd.s32 $0xFFFFFFFF, v7  }
0x281: {  	vm1 =	vgt.s32 v8, $0x0  }
0x282: {  	v8 =	vnsel vm1, $0x0, v8  }
0x283: {  	v8 =	vmin.u32 v8, $0x1FF  }
0x284: {  	v8 =	vor.u32 v0, v8  }
0x285: {  	[tilespmem:s29+$0xFFFFFFF0] =	vst v8  }
0x286: {  	v8 =	vld [tilespmem:s4+$0x0];
	_ =	sdelay $0x4  }
0x287: {  	(xrf0) =	vadd.scan.msk.s32 $0xffff, v8;
	_ =	sdelay $0x4  }
0x288: {  	v7 =	vbroadcast v7, $0xF  }
0x289: {  	v8, _, _ =	vpop (xrf0)  }
0x28a: {  	v7 =	vadd.s32 v7, v8  }
0x28b: {  	(v2sf) =	vpush v7, $0xF;
	_ =	sdelay $0x9  }
0x28c: {  	v7 =	vadd.s32 $0xFFFFFFFF, v7  }
0x28d: {  	vm1 =	vgt.s32 v7, $0x0  }
0x28e: {  	v7 =	vnsel vm1, $0x0, v7  }
0x28f: {  	v7 =	vmin.u32 v7, $0x1FF  }
0x290: {  	v7 =	vor.u32 v0, v7  }
0x291: {  	[tilespmem:s29+$0x0] =	vst v7;
	s30 =	spop (v2sf)  }
.LBB2_24:
.Ltmp19:
0x292: {  	(pc) =	sbr.rel @p1 .LBB2_34-.Ltmp19, $1  }
0x293: {  	_ =	sdelay $0x3  }
.Ltmp20:
0x294: {  	(pc) =	sbr.rel .LBB2_26-.Ltmp20, $4  }
0x295: {  	_ = 	snop  }
0x296: {  	s3 =	rddreg [dreg:$0xb]  }
0x297: {  	s3 =	sadd.s32 s28, s3  }
0x298: {  	s28 =	simm.s32 $0x0;
	s26 =	sadd.s32 s26, s3  }
.LBB2_32:
0x299: {  	s28 =	sadd.s32 $0x1, s28  }
0x29a: {  	p3 =	sne.s32 s28, s0  }
.Ltmp21:
0x29b: {  	_ = 	snop;
	(pc) =	sbr.rel @!p3 .LBB2_33-.Ltmp21, $2  }
0x29c: {  	_ =	sdelay $0x2  }
0x29d: {  	s26 =	sadd.s32 $0xFFFFFF00, s26  }
.LBB2_26:
0x29e: {  	s3 =	smulhi.u32 $0xAAAAAAAB, s28;
	s4 =	sshll.u32 s28, $0x2  }
0x29f: {  	s4 =	sor.u32 s6, s4  }
0x2a0: {  	s3 =	sshrl.u32 s3, $0x1;
	s19 =	sshll.u32 s4, $0x6  }
0x2a1: {  	s3 =	smul.u32 $0x3, s3;
	s8 =	ssub.s32 s25, s19  }
0x2a2: {  	p3 =	sgt.s32 s8, $0x3F  }
.Ltmp22:
0x2a3: {  	s18 =	ssub.s32 s28, s3;
	(pc) =	sbr.rel @p3 .LBB2_30-.Ltmp22, $4  }
0x2a4: {  	s3 =	sadd.s32 $0x1, s18  }
0x2a5: {  	_ =	swait.ge [sflag:s3], $0x8000  }
0x2a6: {  	[sflag:s3] =	ssyncset.done $0x0  }
0x2a7: {  	s29 =	sshll.u32 s18, $0xF;
	[sflag:s3] =	ssyncadd.s32 $0xFFFF8000  }
0x2a8: {  	p3 =	sgt.s32 s26, $0x0;
	s9 =	smov.u32 s26  }
0x2a9: {  	s9 =	simm.s32 @!p3 $0x0  }
0x2aa: {  	s8 =	sand.u32 $0x3FFF8000, s29;
	s10 =	sshll.u32 s9, $0x9  }
0x2ab: {  	s30 =	sor.u32 $0x3200, s8;
	s3 =	sshll.u32 s9, $0x7;
	s12 =	sand.u32 $0x7000, s10  }
0x2ac: {  	s11 =	sand.u32 $0x380, s3;
	s8 =	sadd.s32 s12, s30  }
0x2ad: {  	s8 =	sadd.s32 s11, s8  }
0x2ae: {  	[tilespmem:s8+$0xC70] =	vst v2  }
0x2af: {  	[tilespmem:s8+$0x0] =	vst v2  }
0x2b0: {  	[tilespmem:s8+$0x10] =	vst v2  }
0x2b1: {  	[tilespmem:s8+$0x20] =	vst v2  }
0x2b2: {  	[tilespmem:s8+$0x30] =	vst v2  }
0x2b3: {  	[tilespmem:s8+$0x40] =	vst v2  }
0x2b4: {  	[tilespmem:s8+$0x50] =	vst v2  }
0x2b5: {  	[tilespmem:s8+$0x60] =	vst v2  }
0x2b6: {  	[tilespmem:s8+$0x70] =	vst v2  }
0x2b7: {  	[tilespmem:s8+$0x400] =	vst v2  }
0x2b8: {  	[tilespmem:s8+$0x410] =	vst v2  }
0x2b9: {  	[tilespmem:s8+$0x420] =	vst v2  }
0x2ba: {  	[tilespmem:s8+$0x430] =	vst v2  }
0x2bb: {  	[tilespmem:s8+$0x440] =	vst v2  }
0x2bc: {  	[tilespmem:s8+$0x450] =	vst v2  }
0x2bd: {  	[tilespmem:s8+$0x460] =	vst v2  }
0x2be: {  	[tilespmem:s8+$0x470] =	vst v2  }
0x2bf: {  	[tilespmem:s8+$0x800] =	vst v2  }
0x2c0: {  	[tilespmem:s8+$0x810] =	vst v2  }
0x2c1: {  	[tilespmem:s8+$0x820] =	vst v2  }
0x2c2: {  	[tilespmem:s8+$0x830] =	vst v2  }
0x2c3: {  	s9 =	sadd.s32 $0xFFFFFFFF, s9;
	[tilespmem:s8+$0x840] =	vst v2  }
0x2c4: {  	s9 =	sadd.s32 $0x1, s9;
	[tilespmem:s8+$0x850] =	vst v2  }
0x2c5: {  	p3 =	slt.u32 s9, $0x3F;
	[tilespmem:s8+$0x860] =	vst v2  }
.Ltmp23:
0x2c6: {  	[tilespmem:s8+$0x870] =	vst v2;
	(pc) =	sbr.rel @!p3 .LBB2_29-.Ltmp23, $4  }
0x2c7: {  	[tilespmem:s8+$0xC00] =	vst v2  }
0x2c8: {  	[tilespmem:s8+$0xC10] =	vst v2  }
0x2c9: {  	[tilespmem:s8+$0xC20] =	vst v2  }
0x2ca: {  	s10 =	sadd.s32 $0x200, s10;
	[tilespmem:s8+$0xC30] =	vst v2  }
.LBB2_28:
0x2cb: {  	s11 =	sand.u32 $0x7000, s10;
	s9 =	sadd.s32 $0x1, s9;
	[tilespmem:s8+$0xC40] =	vst v2;
	s3 =	sadd.s32 $0x80, s3  }
0x2cc: {  	s12 =	sand.u32 $0x380, s3;
	s11 =	sadd.s32 s11, s30;
	p3 =	slt.u32 s9, $0x3F;
	[tilespmem:s8+$0xC50] =	vst v2  }
0x2cd: {  	[tilespmem:s8+$0xC60] =	vst v2;
	s8 =	sadd.s32 s12, s11  }
0x2ce: {  	[tilespmem:s8+$0xC70] =	vst v2  }
0x2cf: {  	[tilespmem:s8+$0x0] =	vst v2  }
0x2d0: {  	[tilespmem:s8+$0x10] =	vst v2  }
0x2d1: {  	[tilespmem:s8+$0x20] =	vst v2  }
0x2d2: {  	[tilespmem:s8+$0x30] =	vst v2  }
0x2d3: {  	[tilespmem:s8+$0x40] =	vst v2  }
0x2d4: {  	[tilespmem:s8+$0x50] =	vst v2  }
0x2d5: {  	[tilespmem:s8+$0x60] =	vst v2  }
0x2d6: {  	[tilespmem:s8+$0x70] =	vst v2  }
0x2d7: {  	[tilespmem:s8+$0x400] =	vst v2  }
0x2d8: {  	[tilespmem:s8+$0x410] =	vst v2  }
0x2d9: {  	[tilespmem:s8+$0x420] =	vst v2  }
0x2da: {  	[tilespmem:s8+$0x430] =	vst v2  }
0x2db: {  	[tilespmem:s8+$0x440] =	vst v2  }
0x2dc: {  	[tilespmem:s8+$0x450] =	vst v2  }
0x2dd: {  	[tilespmem:s8+$0x460] =	vst v2  }
0x2de: {  	[tilespmem:s8+$0x470] =	vst v2  }
0x2df: {  	[tilespmem:s8+$0x800] =	vst v2  }
0x2e0: {  	[tilespmem:s8+$0x810] =	vst v2  }
0x2e1: {  	[tilespmem:s8+$0x820] =	vst v2  }
0x2e2: {  	[tilespmem:s8+$0x830] =	vst v2  }
0x2e3: {  	[tilespmem:s8+$0x840] =	vst v2  }
0x2e4: {  	[tilespmem:s8+$0x850] =	vst v2  }
0x2e5: {  	[tilespmem:s8+$0x860] =	vst v2  }
.Ltmp24:
0x2e6: {  	[tilespmem:s8+$0x870] =	vst v2;
	(pc) =	sbr.rel @p3 .LBB2_28-.Ltmp24, $4  }
0x2e7: {  	[tilespmem:s8+$0xC00] =	vst v2  }
0x2e8: {  	[tilespmem:s8+$0xC10] =	vst v2  }
0x2e9: {  	[tilespmem:s8+$0xC20] =	vst v2  }
0x2ea: {  	s10 =	sadd.s32 $0x200, s10;
	[tilespmem:s8+$0xC30] =	vst v2  }
.LBB2_29:
0x2eb: {  	[tilespmem:s8+$0xC40] =	vst v2  }
0x2ec: {  	[tilespmem:s8+$0xC50] =	vst v2  }
0x2ed: {  	[tilespmem:s8+$0xC60] =	vst v2  }
.LBB2_30:
0x2ee: {  	s3 =	sadd.s32 s7, s19  }
0x2ef: {  	s8 =	sand.u32 $0x3FFF8000, s29;
	s3 =	sshll.u32 s3, $0x6  }
0x2f0: {  	s9 =	sadd.s32 $0x4, s18;
	s8 =	sor.u32 $0x3200, s8;
	s3 =	sadd.s32 s2, s3  }
0x2f1: {  	[hbm4b:s3+s5] =	stream.linear.scatter [tilespmem:s8], [sflag:s9], $0x8000, $0x38;
	[tilespmem:$0x1FA00] =	vst v63  }
0x2f2: {  	s3 =	sadd.s32 $0x2, s28  }
0x2f3: {  	p3 =	sge.u32 s3, s0  }
.Ltmp25:
0x2f4: {  	_ = 	snop;
	(pc) =	sbr.rel @p3 .LBB2_32-.Ltmp25, $1  }
0x2f5: {  	_ =	sdelay $0x3  }
0x2f6: {  	s8 =	smulhi.u32 $0xAAAAAAAB, s3;
	_ =	sdelay $0x1  }
0x2f7: {  	s8 =	sshrl.u32 s8, $0x1  }
0x2f8: {  	s8 =	smul.u32 $0x3, s8;
	_ =	sdelay $0x1  }
0x2f9: {  	p3 =	seq.s32 s28, $0x0;
	s3 =	ssub.s32 s3, s8  }
0x2fa: {  	s8 =	sadd.s32 @!p3 $0x4, s3  }
0x2fb: {  	_ =	swait.ge @!p3 [sflag:s8], $0x8000  }
0x2fc: {  	s4 =	sshll.u32 s4, $0x9;
	[sflag:s8] =	ssyncset.done @!p3 $0x0  }
0x2fd: {  	s4 =	sshra.s32 s4, $0x2;
	[sflag:s8] =	ssyncadd.s32 @!p3 $0xFFFF8000  }
0x2fe: {  	v7 =	vld [tilespmem:s4+$0x1600];
	_ =	sdelay $0x4  }
0x2ff: {  	v8 =	vshll.u32 v7, $0x2  }
0x300: {  	v7 =	vand.u32 $0x7, v7;
	v8 =	vand.u32 $0xFFFFFFE0, v8  }
0x301: {  	v7 =	vor.u32 v7, v8  }
0x302: {  	v8 =	vperm.xlane v7, v4;
	_ =	sdelay $0x1  }
0x303: {  	v8 =	vadd.s32 v5, v8;
	_ =	sdelay $0x1  }
0x304: {  	s29 =	sshll.u32 s3, $0xF;
	v7 =	vperm.xlane v7, v6  }
0x305: {  	s8 =	sand.u32 $0x3FFF8000, s29  }
0x306: {  	s3 =	sadd.s32 $0x1, s3;
	s9 =	sor.u32 $0x3200, s8;
	v7 =	vadd.s32 v5, v7  }
0x307: {  	[tilespmem:s9], [sflag:s3] =	stream.indirect_vreg.gather [hbm4b:s1+s5], $0x80, v8, vm0, $0xb8;
	[tilespmem:$0x1FA00] =	vst v63  }
0x308: {  	s30 =	sor.u32 $0x3A00, s8  }
0x309: {  	[tilespmem:s30], [sflag:s3] =	stream.indirect_vreg.gather [hbm4b:s16+s5], $0x80, v8, vm0, $0xb8;
	[tilespmem:$0x1FA00] =	vst v63  }
0x30a: {  	s10 =	sor.u32 $0x4200, s8  }
0x30b: {  	[tilespmem:s10], [sflag:s3] =	stream.indirect_vreg.gather [hbm4b:s1+s5], $0x80, v7, vm0, $0xb8;
	[tilespmem:$0x1FA00] =	vst v63  }
0x30c: {  	s11 =	sor.u32 $0x4A00, s8  }
0x30d: {  	[tilespmem:s11], [sflag:s3] =	stream.indirect_vreg.gather [hbm4b:s16+s5], $0x80, v7, vm0, $0xb8;
	[tilespmem:$0x1FA00] =	vst v63  }
0x30e: {  	v7 =	vld [tilespmem:s4+$0x1610];
	_ =	sdelay $0x4  }
0x30f: {  	v8 =	vshll.u32 v7, $0x2  }
0x310: {  	v7 =	vand.u32 $0x7, v7;
	v8 =	vand.u32 $0xFFFFFFE0, v8  }
0x311: {  	v7 =	vor.u32 v7, v8  }
0x312: {  	v8 =	vperm.xlane v7, v4;
	_ =	sdelay $0x1  }
0x313: {  	v8 =	vadd.s32 v5, v8;
	_ =	sdelay $0x1  }
0x314: {  	v7 =	vperm.xlane v7, v6;
	_ =	sdelay $0x1  }
0x315: {  	s12 =	sor.u32 $0x5200, s8;
	v7 =	vadd.s32 v5, v7  }
0x316: {  	[tilespmem:s12], [sflag:s3] =	stream.indirect_vreg.gather [hbm4b:s1+s5], $0x80, v8, vm0, $0xb8;
	[tilespmem:$0x1FA00] =	vst v63  }
0x317: {  	s18 =	sor.u32 $0x5A00, s8  }
0x318: {  	[tilespmem:s18], [sflag:s3] =	stream.indirect_vreg.gather [hbm4b:s16+s5], $0x80, v8, vm0, $0xb8;
	[tilespmem:$0x1FA00] =	vst v63  }
0x319: {  	s19 =	sor.u32 $0x6200, s8  }
0x31a: {  	[tilespmem:s19], [sflag:s3] =	stream.indirect_vreg.gather [hbm4b:s1+s5], $0x80, v7, vm0, $0xb8;
	[tilespmem:$0x1FA00] =	vst v63  }
0x31b: {  	s29 =	sor.u32 $0x6A00, s8  }
0x31c: {  	[tilespmem:s29], [sflag:s3] =	stream.indirect_vreg.gather [hbm4b:s16+s5], $0x80, v7, vm0, $0xb8;
	[tilespmem:$0x1FA00] =	vst v63  }
0x31d: {  	v7 =	vld [tilespmem:s4+$0x1620];
	_ =	sdelay $0x4  }
0x31e: {  	v8 =	vshll.u32 v7, $0x2  }
0x31f: {  	v7 =	vand.u32 $0x7, v7;
	v8 =	vand.u32 $0xFFFFFFE0, v8  }
0x320: {  	v7 =	vor.u32 v7, v8  }
0x321: {  	v8 =	vperm.xlane v7, v4;
	_ =	sdelay $0x1  }
0x322: {  	v8 =	vadd.s32 v5, v8;
	_ =	sdelay $0x1  }
0x323: {  	v7 =	vperm.xlane v7, v6;
	_ =	sdelay $0x1  }
0x324: {  	s30 =	sor.u32 $0x7200, s8;
	v7 =	vadd.s32 v5, v7  }
0x325: {  	[tilespmem:s30], [sflag:s3] =	stream.indirect_vreg.gather [hbm4b:s1+s5], $0x80, v8, vm0, $0xb8;
	[tilespmem:$0x1FA00] =	vst v63  }
0x326: {  	s10 =	sor.u32 $0x7A00, s8  }
0x327: {  	[tilespmem:s10], [sflag:s3] =	stream.indirect_vreg.gather [hbm4b:s16+s5], $0x80, v8, vm0, $0xb8;
	[tilespmem:$0x1FA00] =	vst v63  }
0x328: {  	s11 =	sadd.s32 $0x8200, s8  }
0x329: {  	[tilespmem:s11], [sflag:s3] =	stream.indirect_vreg.gather [hbm4b:s1+s5], $0x80, v7, vm0, $0xb8;
	[tilespmem:$0x1FA00] =	vst v63  }
0x32a: {  	s12 =	sadd.s32 $0x8A00, s8  }
0x32b: {  	[tilespmem:s12], [sflag:s3] =	stream.indirect_vreg.gather [hbm4b:s16+s5], $0x80, v7, vm0, $0xb8;
	[tilespmem:$0x1FA00] =	vst v63  }
0x32c: {  	v7 =	vld [tilespmem:s4+$0x1630];
	_ =	sdelay $0x4  }
0x32d: {  	v8 =	vshll.u32 v7, $0x2  }
0x32e: {  	v7 =	vand.u32 $0x7, v7;
	v8 =	vand.u32 $0xFFFFFFE0, v8  }
0x32f: {  	v7 =	vor.u32 v7, v8  }
0x330: {  	v8 =	vperm.xlane v7, v4;
	_ =	sdelay $0x1  }
0x331: {  	v8 =	vadd.s32 v5, v8;
	_ =	sdelay $0x2  }
0x332: {  	v7 =	vperm.xlane v7, v6  }
0x333: {  	s18 =	sadd.s32 $0x9200, s8  }
0x334: {  	v7 =	vadd.s32 v5, v7;
	[tilespmem:s18], [sflag:s3] =	stream.indirect_vreg.gather [hbm4b:s1+s5], $0x80, v8, vm0, $0xb8;
	[tilespmem:$0x1FA00] =	vst v63  }
0x335: {  	s19 =	sadd.s32 $0x9A00, s8  }
0x336: {  	[tilespmem:s19], [sflag:s3] =	stream.indirect_vreg.gather [hbm4b:s16+s5], $0x80, v8, vm0, $0xb8;
	[tilespmem:$0x1FA00] =	vst v63  }
.Ltmp26:
0x337: {  	_ = 	snop;
	(pc) =	sbr.rel .LBB2_32-.Ltmp26, $4  }
0x338: {  	s29 =	sadd.s32 $0xA200, s8  }
0x339: {  	[tilespmem:s29], [sflag:s3] =	stream.indirect_vreg.gather [hbm4b:s1+s5], $0x80, v7, vm0, $0xb8;
	[tilespmem:$0x1FA00] =	vst v63  }
0x33a: {  	s30 =	sadd.s32 $0xAA00, s8  }
0x33b: {  	[tilespmem:s30], [sflag:s3] =	stream.indirect_vreg.gather [hbm4b:s16+s5], $0x80, v7, vm0, $0xb8;
	[tilespmem:$0x1FA00] =	vst v63  }
.LBB2_33:
0x33c: {  	p3 =	slt.s32 s23, $0x3  }
0x33d: {  	s3 =	smulhi.u32 @!p3 $0x55555556, s0;
	_ =	sdelay $0x1  }
0x33e: {  	s3 =	smul.u32 @!p3 $0x3, s3;
	_ =	sdelay $0x1  }
0x33f: {  	s3 =	ssub.s32 @!p3 s0, s3  }
0x340: {  	s3 =	sor.u32 @!p3 $0x4, s3  }
0x341: {  	_ =	swait.ge @!p3 [sflag:s3], $0x8000  }
0x342: {  	[sflag:s3] =	ssyncset.done @!p3 $0x0  }
0x343: {  	[sflag:s3] =	ssyncadd.s32 @!p3 $0xFFFF8000  }
.LBB2_34:
0x344: {  	s3 =	sadd.s32 @p2 $0x1, s0  }
0x345: {  	s4 =	smulhi.u32 @p2 $0x55555556, s3;
	_ =	sdelay $0x1  }
0x346: {  	s4 =	smul.u32 @p2 $0x3, s4;
	_ =	sdelay $0x1  }
0x347: {  	s3 =	ssub.s32 @p2 s3, s4  }
0x348: {  	s8 =	sadd.s32 @!p1 $0x2, s0;
	s3 =	sor.u32 @p2 $0x4, s3  }
0x349: {  	s9 =	smulhi.u32 @!p1 $0x55555556, s8;
	_ =	swait.ge @p2 [sflag:s3], $0x8000  }
0x34a: {  	[sflag:s3] =	ssyncset.done @p2 $0x0  }
0x34b: {  	s4 =	smul.u32 @!p1 $0x3, s9;
	[sflag:s3] =	ssyncadd.s32 @p2 $0xFFFF8000;
	p2 =	sgt.s32 @!p1 s23, $0xD  }
0x34c: {  	p2 =	por p1, !p2  }
.Ltmp27:
0x34d: {  	s4 =	ssub.s32 @!p1 s8, s4;
	(pc) =	sbr.rel @!p2 .LBB2_38-.Ltmp27, $4  }
0x34e: {  	s3 =	sor.u32 @!p1 $0x4, s4  }
0x34f: {  	_ =	swait.ge @!p1 [sflag:s3], $0x8000  }
0x350: {  	[sflag:s3] =	ssyncset.done @!p1 $0x0  }
0x351: {  	[sflag:s3] =	ssyncadd.s32 @!p1 $0xFFFF8000  }
0x352: {  	s0 =	ssub.s32 s24, s0  }
0x353: {  	s0 =	sadd.s32 $0x1, s0  }
0x354: {  	p1 =	sne.s32 s0, $0x1  }
.Ltmp28:
0x355: {  	_ = 	snop;
	(pc) =	sbr.rel @!p1 .LBB2_37-.Ltmp28, $3  }
0x356: {  	_ =	sdelay $0x1  }
0x357: {  	_ =	swait.ge [sflag:s20], $0x1000  }
0x358: {  	[sflag:s20] =	ssyncset.done $0x0;
	s0 =	sadd.s32 $0xFFFFFFFF, s0  }
.LBB2_36:
0x359: {  	p1 =	sne.s32 s0, $0x1;
	s0 =	sadd.s32 $0xFFFFFFFF, s0;
	[sflag:s20] =	ssyncadd.s32 $0xFFFFF000  }
.Ltmp29:
0x35a: {  	(pc) =	sbr.rel @p1 .LBB2_36-.Ltmp29, $3  }
0x35b: {  	_ =	sdelay $0x1  }
0x35c: {  	_ =	swait.ge [sflag:s20], $0x1000  }
0x35d: {  	[sflag:s20] =	ssyncset.done $0x0  }
.Ltmp30:
0x35e: {  	_ = 	snop;
	(pc) =	sbr.rel .LBB2_37-.Ltmp30, $1  }
0x35f: {  	_ =	sdelay $0x3  }
.LBB2_13:
.Ltmp31:
0x360: {  	(pc) =	sbr.rel .LBB2_17-.Ltmp31, $2  }
0x361: {  	_ =	sdelay $0x2  }
0x362: {  	s19 =	simm.s32 $0x1220  }
.LBB2_15:
.Ltmp32:
0x363: {  	(pc) =	sbr.rel .LBB2_17-.Ltmp32, $2  }
0x364: {  	_ =	sdelay $0x2  }
0x365: {  	s19 =	simm.s32 $0x1220  }
.LBB2_23:
.Ltmp33:
0x366: {  	(pc) =	sbr.rel .LBB2_43-.Ltmp33, $2  }
0x367: {  	_ =	sdelay $0x2  }
0x368: {  	s18 =	simm.s32 $0x1630  }
.LBB2_41:
.Ltmp34:
0x369: {  	(pc) =	sbr.rel .LBB2_43-.Ltmp34, $2  }
0x36a: {  	_ =	sdelay $0x2  }
0x36b: {  	s18 =	simm.s32 $0x1630  }
.LBB2_39:
0x36c: {  	_ =	sfence.sel $0x180000  }
0x36d: {  	[bflag:$0x0] =	sbarrier.arrive $0xFFFF  }
0x36e: {  	_ =	strace $0x90000047  }
0x36f: {  	[bflag:$0x2] =	sbarrier.arrive $0xFFFF  }
0x370: {  	s0 =	rddreg [dreg:$0x4]  }
0x371: {  	s0 =	sadd.s32 @!p0 $0x100000, s0  }
0x372: {  	[sflag:s0] =	ssyncadd.tile.s32 @!p0 $0x1;
	_ =	shalt  }
.Lfunc_end2:
_tile_overlayer_lowered:
.L_overlay_start_2:
0x373: {  	(tag) =	ssettag $0x2  }
0x374: {  	s0 =	rddreg [dreg:$0x0];
	s2 =	stileid.u32  }
0x375: {  	s1 =	rddreg [dreg:$0x1];
	p0 =	sne.s32 s2, $0x0  }
0x376: {  	s3 =	rddreg [dreg:$0x2];
	[bflag:$0x3] =	sbarrier.arrive $0xFFFF;
	s2 =	simm.s32 @!p0 $0x1C09  }
0x377: {  	[timem:s3], [sflag:s2] =	dma.local @!p0 [hbm:s0], s1  }
0x378: {  	s0 =	simm.s32 @!p0 $0x9  }
0x379: {  	_ =	swait.ge @!p0 [sflag:s0], s1  }
0x37a: {  	s1 =	ssub.s32 @!p0 $0x0, s1;
	[sflag:s0] =	ssyncset.done @!p0 $0x0  }
0x37b: {  	[sflag:s0] =	ssyncadd.s32 @!p0 s1  }
0x37c: {  	[bflag:$0x3] =	sbarrier.arrive $0xFFFF  }
0x37d: {  	_ =	shalt  }

</sc_bundles>
